<compile_context>
chip_gen: v7x
topology: tpu7x:2x2x1
jax: 0.10.2.dev20260603
libtpu: 0.0.44.dev20260713+nightly
codegen_flags: <defaults>
</compile_context>

<pallas_src>
import functools

import jax
import jax.numpy as jnp
from jax import lax
from jax.experimental import pallas as pl
from jax.experimental.pallas import tpu as pltpu
from jax.experimental.pallas import tpu_sc as plsc

F32 = jnp.float32
BF16 = jnp.bfloat16

N = 10000
E = 320000
B = 16
DN = 128
DE = 16
DG = 16
DM = 64
HW = 80

CHUNK = 128
NWORK = 32
NSLICE = 2
ES = E // NSLICE

BN = 2000
BE = 2000

@functools.lru_cache(maxsize=1)
def _sc_mesh():
    return plsc.VectorSubcoreMesh(core_axis_name="c", subcore_axis_name="s")


def _k1_body(x_ref, batch_ref, u_ref, We1_ref, be1_ref, Wn1a_ref, bn1a_ref,
             T_ref, btbl_ref):
    xb = x_ref[...]
    bb = batch_ref[0, 0, :]
    oh = (bb[:, None] == lax.broadcasted_iota(jnp.int32, (BN, B), 1)).astype(F32)
    uw = jnp.dot(u_ref[...], We1_ref[2 * DN + DE:2 * DN + DE + DG, :],
                 preferred_element_type=F32)
    Ta = (jnp.dot(xb, We1_ref[0:DN, :], preferred_element_type=F32)
          + jnp.dot(oh, uw, preferred_element_type=F32) + be1_ref[...])
    Tp = jnp.dot(xb, Wn1a_ref[0:DN, :], preferred_element_type=F32) + bn1a_ref[...]
    T_ref[...] = jnp.concatenate([Ta, Tp], axis=1)
    bt = jnp.dot(xb, We1_ref[DN:2 * DN, :], preferred_element_type=F32)
    btbl_ref[...] = jnp.concatenate([bt, jnp.zeros((BN, DM), F32)], axis=1)


def _k1(x, batch3, u, We1, be1r, Wn1a, bn1ar):
    full = lambda shape: pl.BlockSpec(shape, lambda i: tuple(0 for _ in shape))
    return pl.pallas_call(
        _k1_body,
        grid=(N // BN,),
        in_specs=[
            pl.BlockSpec((BN, DN), lambda i: (i, 0)),
            pl.BlockSpec((1, 1, BN), lambda i: (i, 0, 0)),
            full((B, DG)),
            full((2 * DN + DE + DG, DM)),
            full((1, DM)),
            full((DM + DN, DM)),
            full((1, DM)),
        ],
        out_specs=[
            pl.BlockSpec((BN, 2 * DM), lambda i: (i, 0)),
            pl.BlockSpec((BN, 2 * DM), lambda i: (i, 0)),
        ],
        out_shape=[
            jax.ShapeDtypeStruct((N, 2 * DM), F32),
            jax.ShapeDtypeStruct((N, 2 * DM), F32),
        ],
    )(x, batch3, u, We1, be1r, Wn1a, bn1ar)


@functools.lru_cache(maxsize=4)
def _build_k2(ne):
    nchunk = ne // CHUNK
    nj = (nchunk + NWORK - 1) // NWORK

    @functools.partial(
        pl.kernel,
        mesh=_sc_mesh(),
        out_type=jax.ShapeDtypeStruct((ne, 2 * DM), F32),
        scratch_types=[
            pltpu.VMEM((2, CHUNK), jnp.int32),
            pltpu.VMEM((2, CHUNK), jnp.int32),
            pltpu.VMEM((2, CHUNK, 2 * DM), F32),
            pltpu.VMEM((2, CHUNK, 2 * DM), F32),
            pltpu.SemaphoreType.DMA,
            pltpu.SemaphoreType.DMA,
            pltpu.SemaphoreType.DMA,
            pltpu.SemaphoreType.DMA,
        ],
    )
    def _k2_body(T_hbm, btbl_hbm, row_hbm, col_hbm, G1_hbm,
                 rowi, coli, Tg, bg, sT0, sT1, sb0, sb1):
        wid = lax.axis_index("s") * 2 + lax.axis_index("c")
        sT = (sT0, sT1)
        sb = (sb0, sb1)

        def start(j, b):
            c = wid + NWORK * j

            @pl.when(c < nchunk)
            def _():
                base = c * CHUNK
                pltpu.sync_copy(row_hbm.at[pl.ds(base, CHUNK)], rowi.at[b])
                pltpu.sync_copy(col_hbm.at[pl.ds(base, CHUNK)], coli.at[b])
                pltpu.async_copy(T_hbm.at[rowi.at[b]], Tg.at[b], sT[b])
                pltpu.async_copy(btbl_hbm.at[coli.at[b]], bg.at[b], sb[b])

        def finish(j, b):
            c = wid + NWORK * j

            @pl.when(c < nchunk)
            def _():
                base = c * CHUNK
                pltpu.make_async_copy(T_hbm.at[rowi.at[b]], Tg.at[b],
                                      sT[b]).wait()
                pltpu.make_async_copy(btbl_hbm.at[coli.at[b]], bg.at[b],
                                      sb[b]).wait()

                def add_row(i, carry2):
                    for q in range(DM // 16):
                        sl = pl.ds(q * 16, 16)
                        Tg[b, i, sl] += bg[b, i, sl]
                    return carry2

                lax.fori_loop(0, CHUNK, add_row, 0)
                pltpu.sync_copy(Tg.at[b], G1_hbm.at[pl.ds(base, CHUNK)])

        start(0, 0)

        def body(jj, carry):
            j0 = 2 * jj
            start(j0 + 1, 1)
            finish(j0, 0)
            start(j0 + 2, 0)
            finish(j0 + 1, 1)
            return carry

        lax.fori_loop(0, (nj + 1) // 2, body, 0)

    return _k2_body


def _k2_gather(T, btbl, row, col):
    return _build_k2(row.shape[0])(T, btbl, row, col)


def _k3_body(G1_ref, ea_ref, We1_ref, We2_ref, be2_ref, Wn1a_ref,
             eout_ref, h3_ref):
    g1 = G1_ref[...]
    h1 = jax.nn.relu(g1[:, 0:DM]
                     + jnp.dot(ea_ref[...], We1_ref[2 * DN:2 * DN + DE, :],
                               preferred_element_type=F32))
    eo = jnp.dot(h1, We2_ref[...], preferred_element_type=F32) + be2_ref[...]
    eout_ref[...] = eo
    h2 = jax.nn.relu(g1[:, DM:2 * DM]
                     + jnp.dot(eo, Wn1a_ref[DN:DN + DM, :],
                               preferred_element_type=F32))
    pat = (lax.broadcasted_iota(jnp.int32, (BE, HW - DM), 1) == 0).astype(F32)
    h3_ref[...] = jnp.concatenate([h2, jnp.broadcast_to(pat, (BE, HW - DM))],
                                  axis=1)


def _k3(G1, edge_attr, We1, We2, be2r, Wn1a, s):
    ne = G1.shape[0]
    nb = ne // BE
    full = lambda shape: pl.BlockSpec(shape, lambda i: tuple(0 for _ in shape))
    return pl.pallas_call(
        _k3_body,
        grid=(nb,),
        in_specs=[
            pl.BlockSpec((BE, 2 * DM), lambda i: (i, 0)),
            pl.BlockSpec((BE, DE), lambda i: (i, 0)),
            full((2 * DN + DE + DG, DM)),
            full((DM, DM)),
            full((1, DM)),
            full((DM + DN, DM)),
        ],
        out_specs=[
            pl.BlockSpec((BE, DM), lambda i: (i, 0)),
            pl.BlockSpec((BE, HW), lambda i: (i, 0)),
        ],
        out_shape=[
            jax.ShapeDtypeStruct((ne, DM), F32),
            jax.ShapeDtypeStruct((ne, HW), F32),
        ],
    )(G1, edge_attr, We1, We2, be2r, Wn1a)


_ROWS_PER_TILE = N // 16


@functools.lru_cache(maxsize=4)
def _build_k4(ne):
    nchunk = ne // CHUNK
    nj = (nchunk + NWORK - 1) // NWORK

    @functools.partial(
        pl.kernel,
        mesh=_sc_mesh(),
        out_type=jax.ShapeDtypeStruct((2 * N, HW), F32),
        scratch_types=[
            pltpu.VMEM((CHUNK,), jnp.int32),
            pltpu.VMEM((CHUNK, HW), F32),
            pltpu.VMEM_SHARED((N, HW), F32),
            pltpu.SemaphoreType.DMA,
        ],
        compiler_params=pltpu.CompilerParams(use_tc_tiling_on_sc=False),
    )
    def _k4_body(h3_hbm, col_hbm, zero_hbm, S2_hbm, coli, h3v, shared, s1):
        cid = lax.axis_index("c")
        sid = lax.axis_index("s")
        wid = sid * 2 + cid

        pltpu.sync_copy(zero_hbm.at[pl.ds(sid * _ROWS_PER_TILE, _ROWS_PER_TILE)],
                        shared.at[pl.ds(sid * _ROWS_PER_TILE, _ROWS_PER_TILE)])
        plsc.subcore_barrier()

        def body(j, carry):
            c = wid + NWORK * j

            @pl.when(c < nchunk)
            def _():
                base = c * CHUNK
                pltpu.sync_copy(col_hbm.at[pl.ds(base, CHUNK)], coli)
                pltpu.sync_copy(h3_hbm.at[pl.ds(base, CHUNK)], h3v)
                pltpu.sync_copy(h3v, shared.at[coli], add=True)

            return carry

        lax.fori_loop(0, nj, body, 0)
        plsc.subcore_barrier()
        pltpu.sync_copy(shared.at[pl.ds(sid * _ROWS_PER_TILE, _ROWS_PER_TILE)],
                        S2_hbm.at[pl.ds(cid * N + sid * _ROWS_PER_TILE,
                                        _ROWS_PER_TILE)])

    return _k4_body


def _k4_scatter(h3, col, zeros):
    return _build_k4(col.shape[0])(h3, col, zeros)


def _k5_body(x_ref, *rest):
    nS = 2 * NSLICE
    S_refs = rest[:nS]
    (batch_ref, u_ref, Wn1b_ref, bn1b_ref, Wn2a_ref, bn2a_ref, Wn2b_ref,
     bn2b_ref, Wg1_ref, bg1_ref, Wg2_ref, bg2_ref,
     xout_ref, uout_ref, acc_ref) = rest[nS:]
    i = pl.program_id(0)
    S = S_refs[0][...]
    for r in S_refs[1:]:
        S = S + r[...]
    cnt = S[:, DM:DM + 1]
    hmean = S[:, 0:DM] / jnp.maximum(cnt, 1.0)
    agg = jnp.dot(hmean, Wn1b_ref[...], preferred_element_type=F32) + bn1b_ref[...]
    agg = jnp.where(cnt > 0.0, agg, 0.0)

    bb = batch_ref[0, 0, :]
    oh = (bb[:, None] == lax.broadcasted_iota(jnp.int32, (BN, B), 1)).astype(F32)
    uw = jnp.dot(u_ref[...], Wn2a_ref[DN + DM:DN + DM + DG, :],
                 preferred_element_type=F32)
    h = jax.nn.relu(jnp.dot(x_ref[...], Wn2a_ref[0:DN, :],
                            preferred_element_type=F32)
                    + jnp.dot(agg, Wn2a_ref[DN:DN + DM, :],
                              preferred_element_type=F32)
                    + jnp.dot(oh, uw, preferred_element_type=F32)
                    + bn2a_ref[...])
    xo = jnp.dot(h, Wn2b_ref[...], preferred_element_type=F32) + bn2b_ref[...]
    xout_ref[...] = xo

    xext = jnp.concatenate([xo, jnp.ones((BN, 1), F32)], axis=1)
    ps = lax.dot_general(oh, xext, (((0,), (0,)), ((), ())),
                         preferred_element_type=F32)

    @pl.when(i == 0)
    def _():
        acc_ref[...] = jnp.zeros_like(acc_ref)

    acc_ref[...] += ps

    @pl.when(i == N // BN - 1)
    def _():
        acc = acc_ref[...]
        g = acc[:, 0:DM] / jnp.maximum(acc[:, DM:DM + 1], 1.0)
        hu = jax.nn.relu(jnp.dot(u_ref[...], Wg1_ref[0:DG, :],
                                 preferred_element_type=F32)
                         + jnp.dot(g, Wg1_ref[DG:DG + DM, :],
                                   preferred_element_type=F32)
                         + bg1_ref[...])
        uout_ref[...] = jnp.dot(hu, Wg2_ref[...],
                                preferred_element_type=F32) + bg2_ref[...]


def _k5(x, S_parts, batch3, u, Wn1b, bn1br, Wn2a, bn2ar, Wn2b, bn2br,
        Wg1, bg1r, Wg2, bg2r):
    full = lambda shape: pl.BlockSpec(shape, lambda i: tuple(0 for _ in shape))
    return pl.pallas_call(
        _k5_body,
        grid=(N // BN,),
        in_specs=[
            pl.BlockSpec((BN, DN), lambda i: (i, 0)),
            *[pl.BlockSpec((BN, HW), lambda i: (i, 0)) for _ in S_parts],
            pl.BlockSpec((1, 1, BN), lambda i: (i, 0, 0)),
            full((B, DG)),
            full((DM, DM)),
            full((1, DM)),
            full((DN + DM + DG, DM)),
            full((1, DM)),
            full((DM, DM)),
            full((1, DM)),
            full((DG + DM, DM)),
            full((1, DM)),
            full((DM, DM)),
            full((1, DM)),
        ],
        out_specs=[
            pl.BlockSpec((BN, DM), lambda i: (i, 0)),
            pl.BlockSpec((B, DM), lambda i: (0, 0)),
        ],
        out_shape=[
            jax.ShapeDtypeStruct((N, DM), F32),
            jax.ShapeDtypeStruct((B, DM), F32),
        ],
        scratch_shapes=[pltpu.VMEM((B, DM + 1), F32)],
    )(x, *S_parts, batch3, u, Wn1b, bn1br, Wn2a, bn2ar, Wn2b, bn2br,
      Wg1, bg1r, Wg2, bg2r)


def kernel(x, edge_index, edge_attr, u, batch,
           We1, be1, We2, be2,
           Wn1a, bn1a, Wn1b, bn1b,
           Wn2a, bn2a, Wn2b, bn2b,
           Wg1, bg1, Wg2, bg2):
    row = edge_index[0]
    col = edge_index[1]
    batch3 = batch.astype(jnp.int32).reshape(N // BN, 1, BN)
    r1 = lambda b: b.reshape(1, DM)

    T, btbl = _k1(x, batch3, u, We1, r1(be1), Wn1a, r1(bn1a))
    zeros = jnp.zeros((N, HW), F32)
    row32 = row.astype(jnp.int32)
    col32 = col.astype(jnp.int32)
    S_parts, e_outs = [], []
    for s in range(NSLICE):
        sl = slice(s * ES, (s + 1) * ES)
        G1 = _k2_gather(T, btbl, row32[sl], col32[sl])
        e_out_s, h3_s = _k3(G1, edge_attr[sl], We1, We2, r1(be2), Wn1a, s)
        S2_s = _k4_scatter(h3_s, col32[sl], zeros)
        e_outs.append(e_out_s)
        S_parts.extend([S2_s[:N], S2_s[N:]])
    e_out = jnp.concatenate(e_outs, axis=0)
    x_out, u_out = _k5(x, S_parts, batch3, u,
                       Wn1b, r1(bn1b), Wn2a, r1(bn2a), Wn2b, r1(bn2b),
                       Wg1, r1(bg1), Wg2, r1(bg2))
    return (x_out, e_out, u_out)

# --- scband reference (transcript-rebuilt; emitter-appended) ---
"""Pipeline reference for scband-gnn-73263552135826 (READ-ONLY COPY).

The authoritative reference and input builder live on the scoring server;
editing this copy changes nothing except your own understanding.
"""

import jax, jax.numpy as jnp
import numpy as np


def mlp2(x, W1, b1, W2, b2):
    h = jax.nn.relu(x @ W1 + b1)
    return h @ W2 + b2


def scatter_mean(data, idx, num_segments):
    s = jax.ops.segment_sum(data, idx, num_segments=num_segments)
    cnt = jax.ops.segment_sum(jnp.ones((data.shape[0],), data.dtype), idx, num_segments=num_segments)
    return s / jnp.clip(cnt, 1.0, None)[:, None]


def _lin(k, fi, fo):
    return jax.random.normal(k, (fi, fo), jnp.float32) * (1.0 / np.sqrt(fi))


def setup_inputs(seed: int = 0) -> dict:
    key = jax.random.key(seed)
    ks = jax.random.split(key, 20)
    N, E, B = 10000, 320000, 16
    d_node, d_edge, d_glob, d_mid = 128, 16, 16, 64
    x = jax.random.normal(ks[0], (N, d_node), jnp.float32)
    edge_index = jax.random.randint(ks[1], (2, E), 0, N)
    edge_attr = jax.random.normal(ks[2], (E, d_edge), jnp.float32)
    u = jax.random.normal(ks[3], (B, d_glob), jnp.float32)
    batch = jnp.sort(jax.random.randint(ks[4], (N,), 0, B))
    # EdgeModel MLP: in = 2*128 + 16 + 16 = 288 -> 64 -> 64
    We1 = _lin(ks[5], 2 * d_node + d_edge + d_glob, d_mid); be1 = jnp.zeros((d_mid,), jnp.float32)
    We2 = _lin(ks[6], d_mid, d_mid); be2 = jnp.zeros((d_mid,), jnp.float32)
    # NodeModel mlp_1: in = 64 (edge out) + 128 = 192 -> 64 -> 64
    Wn1a = _lin(ks[7], d_mid + d_node, d_mid); bn1a = jnp.zeros((d_mid,), jnp.float32)
    Wn1b = _lin(ks[8], d_mid, d_mid); bn1b = jnp.zeros((d_mid,), jnp.float32)
    # NodeModel mlp_2: in = 64 + 128 + 16 = 208 -> 64 -> 64
    Wn2a = _lin(ks[9], d_mid + d_node + d_glob, d_mid); bn2a = jnp.zeros((d_mid,), jnp.float32)
    Wn2b = _lin(ks[10], d_mid, d_mid); bn2b = jnp.zeros((d_mid,), jnp.float32)
    # GlobalModel MLP: in = 16 + 64 = 80 -> 64 -> 64
    Wg1 = _lin(ks[11], d_glob + d_mid, d_mid); bg1 = jnp.zeros((d_mid,), jnp.float32)
    Wg2 = _lin(ks[12], d_mid, d_mid); bg2 = jnp.zeros((d_mid,), jnp.float32)
    return {"x": x, "edge_index": edge_index, "edge_attr": edge_attr, "u": u, "batch": batch,
            "We1": We1, "be1": be1, "We2": We2, "be2": be2,
            "Wn1a": Wn1a, "bn1a": bn1a, "Wn1b": Wn1b, "bn1b": bn1b,
            "Wn2a": Wn2a, "bn2a": bn2a, "Wn2b": Wn2b, "bn2b": bn2b,
            "Wg1": Wg1, "bg1": bg1, "Wg2": Wg2, "bg2": bg2}


def reference(x, edge_index, edge_attr, u, batch,
              We1, be1, We2, be2,
              Wn1a, bn1a, Wn1b, bn1b,
              Wn2a, bn2a, Wn2b, bn2b,
              Wg1, bg1, Wg2, bg2):
    N = x.shape[0]
    B = u.shape[0]
    row = edge_index[0]
    col = edge_index[1]
    # EdgeModel: cat([src, dest, edge_attr, u[batch[row]]]) -> MLP
    e_in = jnp.concatenate([x[row], x[col], edge_attr, u[batch[row]]], axis=1)
    e_out = mlp2(e_in, We1, be1, We2, be2)
    # NodeModel: mlp1 on cat([x[row], edge_attr_new]) -> scatter_mean over col -> mlp2
    n1 = mlp2(jnp.concatenate([x[row], e_out], axis=1), Wn1a, bn1a, Wn1b, bn1b)
    agg = scatter_mean(n1, col, N)
    x_out = mlp2(jnp.concatenate([x, agg, u[batch]], axis=1), Wn2a, bn2a, Wn2b, bn2b)
    # GlobalModel: cat([u, scatter_mean(x_out, batch)]) -> MLP
    g_agg = scatter_mean(x_out, batch, B)
    u_out = mlp2(jnp.concatenate([u, g_agg], axis=1), Wg1, bg1, Wg2, bg2)
    return (x_out, e_out, u_out)

if __name__ == "__main__":
    import jax
    _d = setup_inputs()
    print(jax.jit(kernel)(*tuple(_d.values())))

</pallas_src>

<mosaic_0001>
#map = affine_map<(d0, d1) -> (0, 0)>
#map1 = affine_map<(d0, d1) -> (0)>
module attributes {stable_mosaic.version = 14 : i64} {
  func.func @_k4_body(%arg0: i32, %arg1: i32, %arg2: memref<160000x80xf32, #tpu.memory_space<hbm>>, %arg3: memref<160000xi32, #tpu.memory_space<hbm>>, %arg4: memref<10000x80xf32, #tpu.memory_space<hbm>>, %arg5: memref<20000x80xf32, #tpu.memory_space<hbm>>, %arg6: memref<128xi32, #tpu.memory_space<vmem>>, %arg7: memref<128x80xf32, #tpu.memory_space<vmem>>, %arg8: memref<10000x80xf32, #tpu.memory_space<vmem_shared>>, %arg9: memref<!tpu.dma_semaphore, #tpu.memory_space<semaphore_mem>>) attributes {dimension_semantics = [#tpu.dimension_semantics<core_parallel>, #tpu.dimension_semantics<subcore_parallel>], iteration_bounds = array<i64: 2, 16>, scalar_prefetch = 0 : i64, scratch_operands = 4 : i64, tpu.core_type = #tpu.core_type<sc_vector_subcore>, window_params = [{transform_indices = #map}, {transform_indices = #map1}, {transform_indices = #map}, {transform_indices = #map}]} {
    %mul3A = arith.constant 2 : i32
    %mul3A_0 = arith.muli %arg1, %mul3A : i32
    %add3A = arith.addi %mul3A_0, %arg0 : i32
    %mul3A_1 = arith.constant 625 : i32
    %mul3A_2 = arith.muli %arg1, %mul3A_1 : i32
    %mul3A_3 = arith.constant 625 : i32
    %mul3A_4 = arith.muli %arg1, %mul3A_3 : i32
    "tpu.region"() ({
      %run_scoped3A = tpu.sem_alloc : memref<!tpu.dma_semaphore, #tpu.memory_space<semaphore_mem>>
      %dma_start3A = arith.constant 0 : i32
      %dma_start3A_18 = tpu.memref_slice %arg8[%mul3A_4, %dma_start3A] : memref<10000x80xf32, #tpu.memory_space<vmem_shared>> -> memref<625x80xf32, #tpu.memory_space<vmem_shared>>
      %dma_start3A_19 = arith.constant 0 : i32
      %dma_start3A_20 = tpu.memref_slice %arg4[%mul3A_2, %dma_start3A_19] : memref<10000x80xf32, #tpu.memory_space<hbm>> -> memref<625x80xf32, #tpu.memory_space<hbm>>
      tpu.enqueue_dma source(%dma_start3A_20 : memref<625x80xf32, #tpu.memory_space<hbm>>) target(%dma_start3A_18 : memref<625x80xf32, #tpu.memory_space<vmem_shared>>) target_semaphore(%run_scoped3A : memref<!tpu.dma_semaphore, #tpu.memory_space<semaphore_mem>>)
      %dma_wait3A = arith.constant 0 : i32
      %dma_wait3A_21 = tpu.memref_slice %arg8[%mul3A_4, %dma_wait3A] : memref<10000x80xf32, #tpu.memory_space<vmem_shared>> -> memref<625x80xf32, #tpu.memory_space<vmem_shared>>
      %dma_wait3A_22 = arith.constant 0 : i32
      %dma_wait3A_23 = tpu.memref_slice %arg4[%mul3A_2, %dma_wait3A_22] : memref<10000x80xf32, #tpu.memory_space<hbm>> -> memref<625x80xf32, #tpu.memory_space<hbm>>
      tpu.wait_dma2 semaphore(%run_scoped3A : memref<!tpu.dma_semaphore, #tpu.memory_space<semaphore_mem>>) src(%dma_wait3A_23 : memref<625x80xf32, #tpu.memory_space<hbm>>) dst(%dma_wait3A_21 : memref<625x80xf32, #tpu.memory_space<vmem_shared>>)
      tpu.yield
    }) : () -> ()
    %barrier3A = arith.constant 0 : index
    tpu.barrier barrier_id(%barrier3A)
    %scan3A = arith.constant 0 : i32
    %scan3A_5 = arith.constant 0 : i32
    %scan3A_6 = arith.constant 40 : i32
    %scan3A_7 = arith.addi %scan3A_5, %scan3A_6 : i32
    %scan3A_8 = arith.constant 1 : i32
    scf.for %scan3A_18 = %scan3A_5 to %scan3A_7 step %scan3A_8  : i32 {
      %mul3A_19 = arith.constant 32 : i32
      %mul3A_20 = arith.muli %mul3A_19, %scan3A_18 : i32
      %add3A_21 = arith.addi %add3A, %mul3A_20 : i32
      %lt3A = arith.constant 1250 : i32
      %lt3A_22 = arith.cmpi slt, %add3A_21, %lt3A : i32
      %convert_element_type3A = arith.extui %lt3A_22 : i1 to i32
      %cond3A = arith.constant 0 : i32
      %cond3A_23 = arith.cmpi ne, %convert_element_type3A, %cond3A : i32
      scf.if %cond3A_23 {
        %mul3A_24 = arith.constant 128 : i32
        %mul3A_25 = arith.muli %add3A_21, %mul3A_24 : i32
        "tpu.region"() ({
          %run_scoped3A = tpu.sem_alloc : memref<!tpu.dma_semaphore, #tpu.memory_space<semaphore_mem>>
          %dma_start3A = tpu.memref_slice %arg3[%mul3A_25] : memref<160000xi32, #tpu.memory_space<hbm>> -> memref<128xi32, #tpu.memory_space<hbm>>
          %dma_start3A_26 = tpu.memref_slice %arg3[%mul3A_25] : memref<160000xi32, #tpu.memory_space<hbm>> -> memref<128xi32, #tpu.memory_space<hbm>>
          tpu.enqueue_dma source(%dma_start3A_26 : memref<128xi32, #tpu.memory_space<hbm>>) target(%arg6 : memref<128xi32, #tpu.memory_space<vmem>>) target_semaphore(%run_scoped3A : memref<!tpu.dma_semaphore, #tpu.memory_space<semaphore_mem>>)
          %dma_wait3A = tpu.memref_slice %arg3[%mul3A_25] : memref<160000xi32, #tpu.memory_space<hbm>> -> memref<128xi32, #tpu.memory_space<hbm>>
          %dma_wait3A_27 = tpu.memref_slice %arg3[%mul3A_25] : memref<160000xi32, #tpu.memory_space<hbm>> -> memref<128xi32, #tpu.memory_space<hbm>>
          tpu.wait_dma2 semaphore(%run_scoped3A : memref<!tpu.dma_semaphore, #tpu.memory_space<semaphore_mem>>) src(%dma_wait3A_27 : memref<128xi32, #tpu.memory_space<hbm>>) dst(%arg6 : memref<128xi32, #tpu.memory_space<vmem>>)
          tpu.yield
        }) : () -> ()
        "tpu.region"() ({
          %run_scoped3A = tpu.sem_alloc : memref<!tpu.dma_semaphore, #tpu.memory_space<semaphore_mem>>
          %dma_start3A = arith.constant 0 : i32
          %dma_start3A_26 = tpu.memref_slice %arg2[%mul3A_25, %dma_start3A] : memref<160000x80xf32, #tpu.memory_space<hbm>> -> memref<128x80xf32, #tpu.memory_space<hbm>>
          %dma_start3A_27 = arith.constant 0 : i32
          %dma_start3A_28 = tpu.memref_slice %arg2[%mul3A_25, %dma_start3A_27] : memref<160000x80xf32, #tpu.memory_space<hbm>> -> memref<128x80xf32, #tpu.memory_space<hbm>>
          tpu.enqueue_dma source(%dma_start3A_28 : memref<128x80xf32, #tpu.memory_space<hbm>>) target(%arg7 : memref<128x80xf32, #tpu.memory_space<vmem>>) target_semaphore(%run_scoped3A : memref<!tpu.dma_semaphore, #tpu.memory_space<semaphore_mem>>)
          %dma_wait3A = arith.constant 0 : i32
          %dma_wait3A_29 = tpu.memref_slice %arg2[%mul3A_25, %dma_wait3A] : memref<160000x80xf32, #tpu.memory_space<hbm>> -> memref<128x80xf32, #tpu.memory_space<hbm>>
          %dma_wait3A_30 = arith.constant 0 : i32
          %dma_wait3A_31 = tpu.memref_slice %arg2[%mul3A_25, %dma_wait3A_30] : memref<160000x80xf32, #tpu.memory_space<hbm>> -> memref<128x80xf32, #tpu.memory_space<hbm>>
          tpu.wait_dma2 semaphore(%run_scoped3A : memref<!tpu.dma_semaphore, #tpu.memory_space<semaphore_mem>>) src(%dma_wait3A_31 : memref<128x80xf32, #tpu.memory_space<hbm>>) dst(%arg7 : memref<128x80xf32, #tpu.memory_space<vmem>>)
          tpu.yield
        }) : () -> ()
        "tpu.region"() ({
          %run_scoped3A = tpu.sem_alloc : memref<!tpu.dma_semaphore, #tpu.memory_space<semaphore_mem>>
          %dma_start3A = arith.constant 0 : i32
          %dma_start3A_26 = arith.constant 0 : i32
          %dma_start3A_27 = tpu.memref_slice %arg8[%dma_start3A, %dma_start3A_26] : memref<10000x80xf32, #tpu.memory_space<vmem_shared>> -> memref<10000x80xf32, #tpu.memory_space<vmem_shared>>
          tpu.enqueue_indirect_dma source(%arg7 : memref<128x80xf32, #tpu.memory_space<vmem>>) target(%dma_start3A_27 : memref<10000x80xf32, #tpu.memory_space<vmem_shared>>) offsets(%arg6 : memref<128xi32, #tpu.memory_space<vmem>>) semaphore(%run_scoped3A : memref<!tpu.dma_semaphore, #tpu.memory_space<semaphore_mem>>) {add = true}
          %dma_wait3A = arith.constant 0 : i32
          %dma_wait3A_28 = arith.constant 0 : i32
          %dma_wait3A_29 = tpu.memref_slice %arg8[%dma_wait3A, %dma_wait3A_28] : memref<10000x80xf32, #tpu.memory_space<vmem_shared>> -> memref<10000x80xf32, #tpu.memory_space<vmem_shared>>
          tpu.wait_indirect_dma semaphore(%run_scoped3A : memref<!tpu.dma_semaphore, #tpu.memory_space<semaphore_mem>>) src(%arg7 : memref<128x80xf32, #tpu.memory_space<vmem>>) dst(%dma_wait3A_29 : memref<10000x80xf32, #tpu.memory_space<vmem_shared>>)
          tpu.yield
        }) : () -> ()
      } else {
      }
    }
    %scan3A_9 = arith.constant 40 : i32
    %barrier3A_10 = arith.constant 0 : index
    tpu.barrier barrier_id(%barrier3A_10)
    %mul3A_11 = arith.constant 625 : i32
    %mul3A_12 = arith.muli %arg1, %mul3A_11 : i32
    %mul3A_13 = arith.constant 10000 : i32
    %mul3A_14 = arith.muli %arg0, %mul3A_13 : i32
    %mul3A_15 = arith.constant 625 : i32
    %mul3A_16 = arith.muli %arg1, %mul3A_15 : i32
    %add3A_17 = arith.addi %mul3A_14, %mul3A_16 : i32
    "tpu.region"() ({
      %run_scoped3A = tpu.sem_alloc : memref<!tpu.dma_semaphore, #tpu.memory_space<semaphore_mem>>
      %dma_start3A = arith.constant 0 : i32
      %dma_start3A_18 = tpu.memref_slice %arg5[%add3A_17, %dma_start3A] : memref<20000x80xf32, #tpu.memory_space<hbm>> -> memref<625x80xf32, #tpu.memory_space<hbm>>
      %dma_start3A_19 = arith.constant 0 : i32
      %dma_start3A_20 = tpu.memref_slice %arg8[%mul3A_12, %dma_start3A_19] : memref<10000x80xf32, #tpu.memory_space<vmem_shared>> -> memref<625x80xf32, #tpu.memory_space<vmem_shared>>
      tpu.enqueue_dma source(%dma_start3A_20 : memref<625x80xf32, #tpu.memory_space<vmem_shared>>) target(%dma_start3A_18 : memref<625x80xf32, #tpu.memory_space<hbm>>) target_semaphore(%run_scoped3A : memref<!tpu.dma_semaphore, #tpu.memory_space<semaphore_mem>>)
      %dma_wait3A = arith.constant 0 : i32
      %dma_wait3A_21 = tpu.memref_slice %arg5[%add3A_17, %dma_wait3A] : memref<20000x80xf32, #tpu.memory_space<hbm>> -> memref<625x80xf32, #tpu.memory_space<hbm>>
      %dma_wait3A_22 = arith.constant 0 : i32
      %dma_wait3A_23 = tpu.memref_slice %arg8[%mul3A_12, %dma_wait3A_22] : memref<10000x80xf32, #tpu.memory_space<vmem_shared>> -> memref<625x80xf32, #tpu.memory_space<vmem_shared>>
      tpu.wait_dma2 semaphore(%run_scoped3A : memref<!tpu.dma_semaphore, #tpu.memory_space<semaphore_mem>>) src(%dma_wait3A_23 : memref<625x80xf32, #tpu.memory_space<vmem_shared>>) dst(%dma_wait3A_21 : memref<625x80xf32, #tpu.memory_space<hbm>>)
      tpu.yield
    }) : () -> ()
    return
  }
}

#map = affine_map<(d0, d1) -> (0, 0)>
#map1 = affine_map<(d0, d1) -> (0)>
module attributes {stable_mosaic.version = 14 : i64} {
  func.func @_k4_body(%arg0: i32, %arg1: i32, %arg2: memref<160000x80xf32, #tpu.memory_space<hbm>>, %arg3: memref<160000xi32, #tpu.memory_space<hbm>>, %arg4: memref<10000x80xf32, #tpu.memory_space<hbm>>, %arg5: memref<20000x80xf32, #tpu.memory_space<hbm>>, %arg6: memref<128xi32, #tpu.memory_space<vmem>>, %arg7: memref<128x80xf32, #tpu.memory_space<vmem>>, %arg8: memref<10000x80xf32, #tpu.memory_space<vmem_shared>>, %arg9: memref<!tpu.dma_semaphore, #tpu.memory_space<semaphore_mem>>) attributes {dimension_semantics = [#tpu.dimension_semantics<core_parallel>, #tpu.dimension_semantics<subcore_parallel>], iteration_bounds = array<i64: 2, 16>, scalar_prefetch = 0 : i64, scratch_operands = 4 : i64, tpu.core_type = #tpu.core_type<sc_vector_subcore>, window_params = [{transform_indices = #map}, {transform_indices = #map1}, {transform_indices = #map}, {transform_indices = #map}]} {
    %mul3A = arith.constant 2 : i32
    %mul3A_0 = arith.muli %arg1, %mul3A : i32
    %add3A = arith.addi %mul3A_0, %arg0 : i32
    %mul3A_1 = arith.constant 625 : i32
    %mul3A_2 = arith.muli %arg1, %mul3A_1 : i32
    %mul3A_3 = arith.constant 625 : i32
    %mul3A_4 = arith.muli %arg1, %mul3A_3 : i32
    "tpu.region"() ({
      %run_scoped3A = tpu.sem_alloc : memref<!tpu.dma_semaphore, #tpu.memory_space<semaphore_mem>>
      %dma_start3A = arith.constant 0 : i32
      %dma_start3A_18 = tpu.memref_slice %arg8[%mul3A_4, %dma_start3A] : memref<10000x80xf32, #tpu.memory_space<vmem_shared>> -> memref<625x80xf32, #tpu.memory_space<vmem_shared>>
      %dma_start3A_19 = arith.constant 0 : i32
      %dma_start3A_20 = tpu.memref_slice %arg4[%mul3A_2, %dma_start3A_19] : memref<10000x80xf32, #tpu.memory_space<hbm>> -> memref<625x80xf32, #tpu.memory_space<hbm>>
      tpu.enqueue_dma source(%dma_start3A_20 : memref<625x80xf32, #tpu.memory_space<hbm>>) target(%dma_start3A_18 : memref<625x80xf32, #tpu.memory_space<vmem_shared>>) target_semaphore(%run_scoped3A : memref<!tpu.dma_semaphore, #tpu.memory_space<semaphore_mem>>)
      %dma_wait3A = arith.constant 0 : i32
      %dma_wait3A_21 = tpu.memref_slice %arg8[%mul3A_4, %dma_wait3A] : memref<10000x80xf32, #tpu.memory_space<vmem_shared>> -> memref<625x80xf32, #tpu.memory_space<vmem_shared>>
      %dma_wait3A_22 = arith.constant 0 : i32
      %dma_wait3A_23 = tpu.memref_slice %arg4[%mul3A_2, %dma_wait3A_22] : memref<10000x80xf32, #tpu.memory_space<hbm>> -> memref<625x80xf32, #tpu.memory_space<hbm>>
      tpu.wait_dma2 semaphore(%run_scoped3A : memref<!tpu.dma_semaphore, #tpu.memory_space<semaphore_mem>>) src(%dma_wait3A_23 : memref<625x80xf32, #tpu.memory_space<hbm>>) dst(%dma_wait3A_21 : memref<625x80xf32, #tpu.memory_space<vmem_shared>>)
      tpu.yield
    }) : () -> ()
    %barrier3A = arith.constant 0 : index
    tpu.barrier barrier_id(%barrier3A)
    %scan3A = arith.constant 0 : i32
    %scan3A_5 = arith.constant 0 : i32
    %scan3A_6 = arith.constant 40 : i32
    %scan3A_7 = arith.addi %scan3A_5, %scan3A_6 : i32
    %scan3A_8 = arith.constant 1 : i32
    scf.for %scan3A_18 = %scan3A_5 to %scan3A_7 step %scan3A_8  : i32 {
      %mul3A_19 = arith.constant 32 : i32
      %mul3A_20 = arith.muli %mul3A_19, %scan3A_18 : i32
      %add3A_21 = arith.addi %add3A, %mul3A_20 : i32
      %lt3A = arith.constant 1250 : i32
      %lt3A_22 = arith.cmpi slt, %add3A_21, %lt3A : i32
      %convert_element_type3A = arith.extui %lt3A_22 : i1 to i32
      %cond3A = arith.constant 0 : i32
      %cond3A_23 = arith.cmpi ne, %convert_element_type3A, %cond3A : i32
      scf.if %cond3A_23 {
        %mul3A_24 = arith.constant 128 : i32
        %mul3A_25 = arith.muli %add3A_21, %mul3A_24 : i32
        "tpu.region"() ({
          %run_scoped3A = tpu.sem_alloc : memref<!tpu.dma_semaphore, #tpu.memory_space<semaphore_mem>>
          %dma_start3A = tpu.memref_slice %arg3[%mul3A_25] : memref<160000xi32, #tpu.memory_space<hbm>> -> memref<128xi32, #tpu.memory_space<hbm>>
          %dma_start3A_26 = tpu.memref_slice %arg3[%mul3A_25] : memref<160000xi32, #tpu.memory_space<hbm>> -> memref<128xi32, #tpu.memory_space<hbm>>
          tpu.enqueue_dma source(%dma_start3A_26 : memref<128xi32, #tpu.memory_space<hbm>>) target(%arg6 : memref<128xi32, #tpu.memory_space<vmem>>) target_semaphore(%run_scoped3A : memref<!tpu.dma_semaphore, #tpu.memory_space<semaphore_mem>>)
          %dma_wait3A = tpu.memref_slice %arg3[%mul3A_25] : memref<160000xi32, #tpu.memory_space<hbm>> -> memref<128xi32, #tpu.memory_space<hbm>>
          %dma_wait3A_27 = tpu.memref_slice %arg3[%mul3A_25] : memref<160000xi32, #tpu.memory_space<hbm>> -> memref<128xi32, #tpu.memory_space<hbm>>
          tpu.wait_dma2 semaphore(%run_scoped3A : memref<!tpu.dma_semaphore, #tpu.memory_space<semaphore_mem>>) src(%dma_wait3A_27 : memref<128xi32, #tpu.memory_space<hbm>>) dst(%arg6 : memref<128xi32, #tpu.memory_space<vmem>>)
          tpu.yield
        }) : () -> ()
        "tpu.region"() ({
          %run_scoped3A = tpu.sem_alloc : memref<!tpu.dma_semaphore, #tpu.memory_space<semaphore_mem>>
          %dma_start3A = arith.constant 0 : i32
          %dma_start3A_26 = tpu.memref_slice %arg2[%mul3A_25, %dma_start3A] : memref<160000x80xf32, #tpu.memory_space<hbm>> -> memref<128x80xf32, #tpu.memory_space<hbm>>
          %dma_start3A_27 = arith.constant 0 : i32
          %dma_start3A_28 = tpu.memref_slice %arg2[%mul3A_25, %dma_start3A_27] : memref<160000x80xf32, #tpu.memory_space<hbm>> -> memref<128x80xf32, #tpu.memory_space<hbm>>
          tpu.enqueue_dma source(%dma_start3A_28 : memref<128x80xf32, #tpu.memory_space<hbm>>) target(%arg7 : memref<128x80xf32, #tpu.memory_space<vmem>>) target_semaphore(%run_scoped3A : memref<!tpu.dma_semaphore, #tpu.memory_space<semaphore_mem>>)
          %dma_wait3A = arith.constant 0 : i32
          %dma_wait3A_29 = tpu.memref_slice %arg2[%mul3A_25, %dma_wait3A] : memref<160000x80xf32, #tpu.memory_space<hbm>> -> memref<128x80xf32, #tpu.memory_space<hbm>>
          %dma_wait3A_30 = arith.constant 0 : i32
          %dma_wait3A_31 = tpu.memref_slice %arg2[%mul3A_25, %dma_wait3A_30] : memref<160000x80xf32, #tpu.memory_space<hbm>> -> memref<128x80xf32, #tpu.memory_space<hbm>>
          tpu.wait_dma2 semaphore(%run_scoped3A : memref<!tpu.dma_semaphore, #tpu.memory_space<semaphore_mem>>) src(%dma_wait3A_31 : memref<128x80xf32, #tpu.memory_space<hbm>>) dst(%arg7 : memref<128x80xf32, #tpu.memory_space<vmem>>)
          tpu.yield
        }) : () -> ()
        "tpu.region"() ({
          %run_scoped3A = tpu.sem_alloc : memref<!tpu.dma_semaphore, #tpu.memory_space<semaphore_mem>>
          %dma_start3A = arith.constant 0 : i32
          %dma_start3A_26 = arith.constant 0 : i32
          %dma_start3A_27 = tpu.memref_slice %arg8[%dma_start3A, %dma_start3A_26] : memref<10000x80xf32, #tpu.memory_space<vmem_shared>> -> memref<10000x80xf32, #tpu.memory_space<vmem_shared>>
          tpu.enqueue_indirect_dma source(%arg7 : memref<128x80xf32, #tpu.memory_space<vmem>>) target(%dma_start3A_27 : memref<10000x80xf32, #tpu.memory_space<vmem_shared>>) offsets(%arg6 : memref<128xi32, #tpu.memory_space<vmem>>) semaphore(%run_scoped3A : memref<!tpu.dma_semaphore, #tpu.memory_space<semaphore_mem>>) {add = true}
          %dma_wait3A = arith.constant 0 : i32
          %dma_wait3A_28 = arith.constant 0 : i32
          %dma_wait3A_29 = tpu.memref_slice %arg8[%dma_wait3A, %dma_wait3A_28] : memref<10000x80xf32, #tpu.memory_space<vmem_shared>> -> memref<10000x80xf32, #tpu.memory_space<vmem_shared>>
          tpu.wait_indirect_dma semaphore(%run_scoped3A : memref<!tpu.dma_semaphore, #tpu.memory_space<semaphore_mem>>) src(%arg7 : memref<128x80xf32, #tpu.memory_space<vmem>>) dst(%dma_wait3A_29 : memref<10000x80xf32, #tpu.memory_space<vmem_shared>>)
          tpu.yield
        }) : () -> ()
      } else {
      }
    }
    %scan3A_9 = arith.constant 40 : i32
    %barrier3A_10 = arith.constant 0 : index
    tpu.barrier barrier_id(%barrier3A_10)
    %mul3A_11 = arith.constant 625 : i32
    %mul3A_12 = arith.muli %arg1, %mul3A_11 : i32
    %mul3A_13 = arith.constant 10000 : i32
    %mul3A_14 = arith.muli %arg0, %mul3A_13 : i32
    %mul3A_15 = arith.constant 625 : i32
    %mul3A_16 = arith.muli %arg1, %mul3A_15 : i32
    %add3A_17 = arith.addi %mul3A_14, %mul3A_16 : i32
    "tpu.region"() ({
      %run_scoped3A = tpu.sem_alloc : memref<!tpu.dma_semaphore, #tpu.memory_space<semaphore_mem>>
      %dma_start3A = arith.constant 0 : i32
      %dma_start3A_18 = tpu.memref_slice %arg5[%add3A_17, %dma_start3A] : memref<20000x80xf32, #tpu.memory_space<hbm>> -> memref<625x80xf32, #tpu.memory_space<hbm>>
      %dma_start3A_19 = arith.constant 0 : i32
      %dma_start3A_20 = tpu.memref_slice %arg8[%mul3A_12, %dma_start3A_19] : memref<10000x80xf32, #tpu.memory_space<vmem_shared>> -> memref<625x80xf32, #tpu.memory_space<vmem_shared>>
      tpu.enqueue_dma source(%dma_start3A_20 : memref<625x80xf32, #tpu.memory_space<vmem_shared>>) target(%dma_start3A_18 : memref<625x80xf32, #tpu.memory_space<hbm>>) target_semaphore(%run_scoped3A : memref<!tpu.dma_semaphore, #tpu.memory_space<semaphore_mem>>)
      %dma_wait3A = arith.constant 0 : i32
      %dma_wait3A_21 = tpu.memref_slice %arg5[%add3A_17, %dma_wait3A] : memref<20000x80xf32, #tpu.memory_space<hbm>> -> memref<625x80xf32, #tpu.memory_space<hbm>>
      %dma_wait3A_22 = arith.constant 0 : i32
      %dma_wait3A_23 = tpu.memref_slice %arg8[%mul3A_12, %dma_wait3A_22] : memref<10000x80xf32, #tpu.memory_space<vmem_shared>> -> memref<625x80xf32, #tpu.memory_space<vmem_shared>>
      tpu.wait_dma2 semaphore(%run_scoped3A : memref<!tpu.dma_semaphore, #tpu.memory_space<semaphore_mem>>) src(%dma_wait3A_23 : memref<625x80xf32, #tpu.memory_space<vmem_shared>>) dst(%dma_wait3A_21 : memref<625x80xf32, #tpu.memory_space<hbm>>)
      tpu.yield
    }) : () -> ()
    return
  }
}

#map = affine_map<(d0, d1) -> (0, 0)>
#map1 = affine_map<(d0, d1) -> (0)>
module attributes {stable_mosaic.version = 14 : i64} {
  func.func @_k2_body(%arg0: i32, %arg1: i32, %arg2: memref<10000x128xf32, #tpu.memory_space<hbm>>, %arg3: memref<10000x128xf32, #tpu.memory_space<hbm>>, %arg4: memref<160000xi32, #tpu.memory_space<hbm>>, %arg5: memref<160000xi32, #tpu.memory_space<hbm>>, %arg6: memref<160000x128xf32, #tpu.memory_space<hbm>>, %arg7: memref<2x128xi32, #tpu.memory_space<vmem>>, %arg8: memref<2x128xi32, #tpu.memory_space<vmem>>, %arg9: memref<2x128x128xf32, #tpu.memory_space<vmem>>, %arg10: memref<2x128x128xf32, #tpu.memory_space<vmem>>, %arg11: memref<!tpu.dma_semaphore, #tpu.memory_space<semaphore_mem>>, %arg12: memref<!tpu.dma_semaphore, #tpu.memory_space<semaphore_mem>>, %arg13: memref<!tpu.dma_semaphore, #tpu.memory_space<semaphore_mem>>, %arg14: memref<!tpu.dma_semaphore, #tpu.memory_space<semaphore_mem>>) attributes {dimension_semantics = [#tpu.dimension_semantics<core_parallel>, #tpu.dimension_semantics<subcore_parallel>], iteration_bounds = array<i64: 2, 16>, scalar_prefetch = 0 : i64, scratch_operands = 8 : i64, tpu.core_type = #tpu.core_type<sc_vector_subcore>, window_params = [{transform_indices = #map}, {transform_indices = #map}, {transform_indices = #map1}, {transform_indices = #map1}, {transform_indices = #map}]} {
    %mul3A = arith.constant 2 : i32
    %mul3A_0 = arith.muli %arg1, %mul3A : i32
    %add3A = arith.addi %mul3A_0, %arg0 : i32
    %add3A_1 = arith.constant 0 : i32
    %add3A_2 = arith.addi %add3A, %add3A_1 : i32
    %lt3A = arith.constant 1250 : i32
    %lt3A_3 = arith.cmpi slt, %add3A_2, %lt3A : i32
    %convert_element_type3A = arith.extui %lt3A_3 : i1 to i32
    %cond3A = arith.constant 0 : i32
    %cond3A_4 = arith.cmpi ne, %convert_element_type3A, %cond3A : i32
    scf.if %cond3A_4 {
      %mul3A_10 = arith.constant 128 : i32
      %mul3A_11 = arith.muli %add3A_2, %mul3A_10 : i32
      %run_scoped3A = arith.constant 0 : i32
      "tpu.region"() ({
        %run_scoped3A_36 = tpu.sem_alloc : memref<!tpu.dma_semaphore, #tpu.memory_space<semaphore_mem>>
        %dma_start3A_37 = arith.constant 0 : i32
        %dma_start3A_38 = tpu.memref_slice %arg7[%run_scoped3A, %dma_start3A_37] : memref<2x128xi32, #tpu.memory_space<vmem>> -> memref<1x128xi32, #tpu.memory_space<vmem>>
        %dma_start3A_39 = tpu.memref_squeeze %dma_start3A_38 : memref<1x128xi32, #tpu.memory_space<vmem>> -> memref<128xi32, #tpu.memory_space<vmem>>
        %dma_start3A_40 = tpu.memref_slice %arg4[%mul3A_11] : memref<160000xi32, #tpu.memory_space<hbm>> -> memref<128xi32, #tpu.memory_space<hbm>>
        %dma_start3A_41 = arith.constant 0 : i32
        %dma_start3A_42 = tpu.memref_slice %arg7[%run_scoped3A, %dma_start3A_41] : memref<2x128xi32, #tpu.memory_space<vmem>> -> memref<1x128xi32, #tpu.memory_space<vmem>>
        %dma_start3A_43 = tpu.memref_squeeze %dma_start3A_42 : memref<1x128xi32, #tpu.memory_space<vmem>> -> memref<128xi32, #tpu.memory_space<vmem>>
        %dma_start3A_44 = tpu.memref_slice %arg4[%mul3A_11] : memref<160000xi32, #tpu.memory_space<hbm>> -> memref<128xi32, #tpu.memory_space<hbm>>
        tpu.enqueue_dma source(%dma_start3A_44 : memref<128xi32, #tpu.memory_space<hbm>>) target(%dma_start3A_43 : memref<128xi32, #tpu.memory_space<vmem>>) target_semaphore(%run_scoped3A_36 : memref<!tpu.dma_semaphore, #tpu.memory_space<semaphore_mem>>)
        %dma_wait3A = arith.constant 0 : i32
        %dma_wait3A_45 = tpu.memref_slice %arg7[%run_scoped3A, %dma_wait3A] : memref<2x128xi32, #tpu.memory_space<vmem>> -> memref<1x128xi32, #tpu.memory_space<vmem>>
        %dma_wait3A_46 = tpu.memref_squeeze %dma_wait3A_45 : memref<1x128xi32, #tpu.memory_space<vmem>> -> memref<128xi32, #tpu.memory_space<vmem>>
        %dma_wait3A_47 = tpu.memref_slice %arg4[%mul3A_11] : memref<160000xi32, #tpu.memory_space<hbm>> -> memref<128xi32, #tpu.memory_space<hbm>>
        %dma_wait3A_48 = arith.constant 0 : i32
        %dma_wait3A_49 = tpu.memref_slice %arg7[%run_scoped3A, %dma_wait3A_48] : memref<2x128xi32, #tpu.memory_space<vmem>> -> memref<1x128xi32, #tpu.memory_space<vmem>>
        %dma_wait3A_50 = tpu.memref_squeeze %dma_wait3A_49 : memref<1x128xi32, #tpu.memory_space<vmem>> -> memref<128xi32, #tpu.memory_space<vmem>>
        %dma_wait3A_51 = tpu.memref_slice %arg4[%mul3A_11] : memref<160000xi32, #tpu.memory_space<hbm>> -> memref<128xi32, #tpu.memory_space<hbm>>
        tpu.wait_dma2 semaphore(%run_scoped3A_36 : memref<!tpu.dma_semaphore, #tpu.memory_space<semaphore_mem>>) src(%dma_wait3A_51 : memref<128xi32, #tpu.memory_space<hbm>>) dst(%dma_wait3A_50 : memref<128xi32, #tpu.memory_space<vmem>>)
        tpu.yield
      }) : () -> ()
      %run_scoped3A_12 = arith.constant 0 : i32
      "tpu.region"() ({
        %run_scoped3A_36 = tpu.sem_alloc : memref<!tpu.dma_semaphore, #tpu.memory_space<semaphore_mem>>
        %dma_start3A_37 = arith.constant 0 : i32
        %dma_start3A_38 = tpu.memref_slice %arg8[%run_scoped3A_12, %dma_start3A_37] : memref<2x128xi32, #tpu.memory_space<vmem>> -> memref<1x128xi32, #tpu.memory_space<vmem>>
        %dma_start3A_39 = tpu.memref_squeeze %dma_start3A_38 : memref<1x128xi32, #tpu.memory_space<vmem>> -> memref<128xi32, #tpu.memory_space<vmem>>
        %dma_start3A_40 = tpu.memref_slice %arg5[%mul3A_11] : memref<160000xi32, #tpu.memory_space<hbm>> -> memref<128xi32, #tpu.memory_space<hbm>>
        %dma_start3A_41 = arith.constant 0 : i32
        %dma_start3A_42 = tpu.memref_slice %arg8[%run_scoped3A_12, %dma_start3A_41] : memref<2x128xi32, #tpu.memory_space<vmem>> -> memref<1x128xi32, #tpu.memory_space<vmem>>
        %dma_start3A_43 = tpu.memref_squeeze %dma_start3A_42 : memref<1x128xi32, #tpu.memory_space<vmem>> -> memref<128xi32, #tpu.memory_space<vmem>>
        %dma_start3A_44 = tpu.memref_slice %arg5[%mul3A_11] : memref<160000xi32, #tpu.memory_space<hbm>> -> memref<128xi32, #tpu.memory_space<hbm>>
        tpu.enqueue_dma source(%dma_start3A_44 : memref<128xi32, #tpu.memory_space<hbm>>) target(%dma_start3A_43 : memref<128xi32, #tpu.memory_space<vmem>>) target_semaphore(%run_scoped3A_36 : memref<!tpu.dma_semaphore, #tpu.memory_space<semaphore_mem>>)
        %dma_wait3A = arith.constant 0 : i32
        %dma_wait3A_45 = tpu.memref_slice %arg8[%run_scoped3A_12, %dma_wait3A] : memref<2x128xi32, #tpu.memory_space<vmem>> -> memref<1x128xi32, #tpu.memory_space<vmem>>
        %dma_wait3A_46 = tpu.memref_squeeze %dma_wait3A_45 : memref<1x128xi32, #tpu.memory_space<vmem>> -> memref<128xi32, #tpu.memory_space<vmem>>
        %dma_wait3A_47 = tpu.memref_slice %arg5[%mul3A_11] : memref<160000xi32, #tpu.memory_space<hbm>> -> memref<128xi32, #tpu.memory_space<hbm>>
        %dma_wait3A_48 = arith.constant 0 : i32
        %dma_wait3A_49 = tpu.memref_slice %arg8[%run_scoped3A_12, %dma_wait3A_48] : memref<2x128xi32, #tpu.memory_space<vmem>> -> memref<1x128xi32, #tpu.memory_space<vmem>>
        %dma_wait3A_50 = tpu.memref_squeeze %dma_wait3A_49 : memref<1x128xi32, #tpu.memory_space<vmem>> -> memref<128xi32, #tpu.memory_space<vmem>>
        %dma_wait3A_51 = tpu.memref_slice %arg5[%mul3A_11] : memref<160000xi32, #tpu.memory_space<hbm>> -> memref<128xi32, #tpu.memory_space<hbm>>
        tpu.wait_dma2 semaphore(%run_scoped3A_36 : memref<!tpu.dma_semaphore, #tpu.memory_space<semaphore_mem>>) src(%dma_wait3A_51 : memref<128xi32, #tpu.memory_space<hbm>>) dst(%dma_wait3A_50 : memref<128xi32, #tpu.memory_space<vmem>>)
        tpu.yield
      }) : () -> ()
      %dma_start3A = arith.constant 0 : i32
      %dma_start3A_13 = arith.constant 0 : i32
      %dma_start3A_14 = arith.constant 0 : i32
      %dma_start3A_15 = arith.constant 0 : i32
      %dma_start3A_16 = tpu.memref_slice %arg9[%dma_start3A_13, %dma_start3A_14, %dma_start3A_15] : memref<2x128x128xf32, #tpu.memory_space<vmem>> -> memref<1x128x128xf32, #tpu.memory_space<vmem>>
      %dma_start3A_17 = tpu.memref_squeeze %dma_start3A_16 : memref<1x128x128xf32, #tpu.memory_space<vmem>> -> memref<128x128xf32, #tpu.memory_space<vmem>>
      %dma_start3A_18 = arith.constant 0 : i32
      %dma_start3A_19 = tpu.memref_slice %arg7[%dma_start3A, %dma_start3A_18] : memref<2x128xi32, #tpu.memory_space<vmem>> -> memref<1x128xi32, #tpu.memory_space<vmem>>
      %dma_start3A_20 = tpu.memref_squeeze %dma_start3A_19 : memref<1x128xi32, #tpu.memory_space<vmem>> -> memref<128xi32, #tpu.memory_space<vmem>>
      %dma_start3A_21 = arith.constant 0 : i32
      %dma_start3A_22 = arith.constant 0 : i32
      %dma_start3A_23 = tpu.memref_slice %arg2[%dma_start3A_21, %dma_start3A_22] : memref<10000x128xf32, #tpu.memory_space<hbm>> -> memref<10000x128xf32, #tpu.memory_space<hbm>>
      tpu.enqueue_indirect_dma source(%dma_start3A_23 : memref<10000x128xf32, #tpu.memory_space<hbm>>) target(%dma_start3A_17 : memref<128x128xf32, #tpu.memory_space<vmem>>) offsets(%dma_start3A_20 : memref<128xi32, #tpu.memory_space<vmem>>) semaphore(%arg11 : memref<!tpu.dma_semaphore, #tpu.memory_space<semaphore_mem>>)
      %dma_start3A_24 = arith.constant 0 : i32
      %dma_start3A_25 = arith.constant 0 : i32
      %dma_start3A_26 = arith.constant 0 : i32
      %dma_start3A_27 = arith.constant 0 : i32
      %dma_start3A_28 = tpu.memref_slice %arg10[%dma_start3A_25, %dma_start3A_26, %dma_start3A_27] : memref<2x128x128xf32, #tpu.memory_space<vmem>> -> memref<1x128x128xf32, #tpu.memory_space<vmem>>
      %dma_start3A_29 = tpu.memref_squeeze %dma_start3A_28 : memref<1x128x128xf32, #tpu.memory_space<vmem>> -> memref<128x128xf32, #tpu.memory_space<vmem>>
      %dma_start3A_30 = arith.constant 0 : i32
      %dma_start3A_31 = tpu.memref_slice %arg8[%dma_start3A_24, %dma_start3A_30] : memref<2x128xi32, #tpu.memory_space<vmem>> -> memref<1x128xi32, #tpu.memory_space<vmem>>
      %dma_start3A_32 = tpu.memref_squeeze %dma_start3A_31 : memref<1x128xi32, #tpu.memory_space<vmem>> -> memref<128xi32, #tpu.memory_space<vmem>>
      %dma_start3A_33 = arith.constant 0 : i32
      %dma_start3A_34 = arith.constant 0 : i32
      %dma_start3A_35 = tpu.memref_slice %arg3[%dma_start3A_33, %dma_start3A_34] : memref<10000x128xf32, #tpu.memory_space<hbm>> -> memref<10000x128xf32, #tpu.memory_space<hbm>>
      tpu.enqueue_indirect_dma source(%dma_start3A_35 : memref<10000x128xf32, #tpu.memory_space<hbm>>) target(%dma_start3A_29 : memref<128x128xf32, #tpu.memory_space<vmem>>) offsets(%dma_start3A_32 : memref<128xi32, #tpu.memory_space<vmem>>) semaphore(%arg13 : memref<!tpu.dma_semaphore, #tpu.memory_space<semaphore_mem>>)
    } else {
    }
    %scan3A = arith.constant 0 : i32
    %scan3A_5 = arith.constant 0 : i32
    %scan3A_6 = arith.constant 20 : i32
    %scan3A_7 = arith.addi %scan3A_5, %scan3A_6 : i32
    %scan3A_8 = arith.constant 1 : i32
    scf.for %scan3A_10 = %scan3A_5 to %scan3A_7 step %scan3A_8  : i32 {
      %mul3A_11 = arith.constant 2 : i32
      %mul3A_12 = arith.muli %mul3A_11, %scan3A_10 : i32
      %add3A_13 = arith.constant 1 : i32
      %add3A_14 = arith.addi %mul3A_12, %add3A_13 : i32
      %mul3A_15 = arith.constant 32 : i32
      %mul3A_16 = arith.muli %mul3A_15, %add3A_14 : i32
      %add3A_17 = arith.addi %add3A, %mul3A_16 : i32
      %lt3A_18 = arith.constant 1250 : i32
      %lt3A_19 = arith.cmpi slt, %add3A_17, %lt3A_18 : i32
      %convert_element_type3A_20 = arith.extui %lt3A_19 : i1 to i32
      %cond3A_21 = arith.constant 0 : i32
      %cond3A_22 = arith.cmpi ne, %convert_element_type3A_20, %cond3A_21 : i32
      scf.if %cond3A_22 {
        %mul3A_51 = arith.constant 128 : i32
        %mul3A_52 = arith.muli %add3A_17, %mul3A_51 : i32
        %run_scoped3A = arith.constant 1 : i32
        "tpu.region"() ({
          %run_scoped3A_77 = tpu.sem_alloc : memref<!tpu.dma_semaphore, #tpu.memory_space<semaphore_mem>>
          %dma_start3A_78 = arith.constant 0 : i32
          %dma_start3A_79 = tpu.memref_slice %arg7[%run_scoped3A, %dma_start3A_78] : memref<2x128xi32, #tpu.memory_space<vmem>> -> memref<1x128xi32, #tpu.memory_space<vmem>>
          %dma_start3A_80 = tpu.memref_squeeze %dma_start3A_79 : memref<1x128xi32, #tpu.memory_space<vmem>> -> memref<128xi32, #tpu.memory_space<vmem>>
          %dma_start3A_81 = tpu.memref_slice %arg4[%mul3A_52] : memref<160000xi32, #tpu.memory_space<hbm>> -> memref<128xi32, #tpu.memory_space<hbm>>
          %dma_start3A_82 = arith.constant 0 : i32
          %dma_start3A_83 = tpu.memref_slice %arg7[%run_scoped3A, %dma_start3A_82] : memref<2x128xi32, #tpu.memory_space<vmem>> -> memref<1x128xi32, #tpu.memory_space<vmem>>
          %dma_start3A_84 = tpu.memref_squeeze %dma_start3A_83 : memref<1x128xi32, #tpu.memory_space<vmem>> -> memref<128xi32, #tpu.memory_space<vmem>>
          %dma_start3A_85 = tpu.memref_slice %arg4[%mul3A_52] : memref<160000xi32, #tpu.memory_space<hbm>> -> memref<128xi32, #tpu.memory_space<hbm>>
          tpu.enqueue_dma source(%dma_start3A_85 : memref<128xi32, #tpu.memory_space<hbm>>) target(%dma_start3A_84 : memref<128xi32, #tpu.memory_space<vmem>>) target_semaphore(%run_scoped3A_77 : memref<!tpu.dma_semaphore, #tpu.memory_space<semaphore_mem>>)
          %dma_wait3A = arith.constant 0 : i32
          %dma_wait3A_86 = tpu.memref_slice %arg7[%run_scoped3A, %dma_wait3A] : memref<2x128xi32, #tpu.memory_space<vmem>> -> memref<1x128xi32, #tpu.memory_space<vmem>>
          %dma_wait3A_87 = tpu.memref_squeeze %dma_wait3A_86 : memref<1x128xi32, #tpu.memory_space<vmem>> -> memref<128xi32, #tpu.memory_space<vmem>>
          %dma_wait3A_88 = tpu.memref_slice %arg4[%mul3A_52] : memref<160000xi32, #tpu.memory_space<hbm>> -> memref<128xi32, #tpu.memory_space<hbm>>
          %dma_wait3A_89 = arith.constant 0 : i32
          %dma_wait3A_90 = tpu.memref_slice %arg7[%run_scoped3A, %dma_wait3A_89] : memref<2x128xi32, #tpu.memory_space<vmem>> -> memref<1x128xi32, #tpu.memory_space<vmem>>
          %dma_wait3A_91 = tpu.memref_squeeze %dma_wait3A_90 : memref<1x128xi32, #tpu.memory_space<vmem>> -> memref<128xi32, #tpu.memory_space<vmem>>
          %dma_wait3A_92 = tpu.memref_slice %arg4[%mul3A_52] : memref<160000xi32, #tpu.memory_space<hbm>> -> memref<128xi32, #tpu.memory_space<hbm>>
          tpu.wait_dma2 semaphore(%run_scoped3A_77 : memref<!tpu.dma_semaphore, #tpu.memory_space<semaphore_mem>>) src(%dma_wait3A_92 : memref<128xi32, #tpu.memory_space<hbm>>) dst(%dma_wait3A_91 : memref<128xi32, #tpu.memory_space<vmem>>)
          tpu.yield
        }) : () -> ()
        %run_scoped3A_53 = arith.constant 1 : i32
        "tpu.region"() ({
          %run_scoped3A_77 = tpu.sem_alloc : memref<!tpu.dma_semaphore, #tpu.memory_space<semaphore_mem>>
          %dma_start3A_78 = arith.constant 0 : i32
          %dma_start3A_79 = tpu.memref_slice %arg8[%run_scoped3A_53, %dma_start3A_78] : memref<2x128xi32, #tpu.memory_space<vmem>> -> memref<1x128xi32, #tpu.memory_space<vmem>>
          %dma_start3A_80 = tpu.memref_squeeze %dma_start3A_79 : memref<1x128xi32, #tpu.memory_space<vmem>> -> memref<128xi32, #tpu.memory_space<vmem>>
          %dma_start3A_81 = tpu.memref_slice %arg5[%mul3A_52] : memref<160000xi32, #tpu.memory_space<hbm>> -> memref<128xi32, #tpu.memory_space<hbm>>
          %dma_start3A_82 = arith.constant 0 : i32
          %dma_start3A_83 = tpu.memref_slice %arg8[%run_scoped3A_53, %dma_start3A_82] : memref<2x128xi32, #tpu.memory_space<vmem>> -> memref<1x128xi32, #tpu.memory_space<vmem>>
          %dma_start3A_84 = tpu.memref_squeeze %dma_start3A_83 : memref<1x128xi32, #tpu.memory_space<vmem>> -> memref<128xi32, #tpu.memory_space<vmem>>
          %dma_start3A_85 = tpu.memref_slice %arg5[%mul3A_52] : memref<160000xi32, #tpu.memory_space<hbm>> -> memref<128xi32, #tpu.memory_space<hbm>>
          tpu.enqueue_dma source(%dma_start3A_85 : memref<128xi32, #tpu.memory_space<hbm>>) target(%dma_start3A_84 : memref<128xi32, #tpu.memory_space<vmem>>) target_semaphore(%run_scoped3A_77 : memref<!tpu.dma_semaphore, #tpu.memory_space<semaphore_mem>>)
          %dma_wait3A = arith.constant 0 : i32
          %dma_wait3A_86 = tpu.memref_slice %arg8[%run_scoped3A_53, %dma_wait3A] : memref<2x128xi32, #tpu.memory_space<vmem>> -> memref<1x128xi32, #tpu.memory_space<vmem>>
          %dma_wait3A_87 = tpu.memref_squeeze %dma_wait3A_86 : memref<1x128xi32, #tpu.memory_space<vmem>> -> memref<128xi32, #tpu.memory_space<vmem>>
          %dma_wait3A_88 = tpu.memref_slice %arg5[%mul3A_52] : memref<160000xi32, #tpu.memory_space<hbm>> -> memref<128xi32, #tpu.memory_space<hbm>>
          %dma_wait3A_89 = arith.constant 0 : i32
          %dma_wait3A_90 = tpu.memref_slice %arg8[%run_scoped3A_53, %dma_wait3A_89] : memref<2x128xi32, #tpu.memory_space<vmem>> -> memref<1x128xi32, #tpu.memory_space<vmem>>
          %dma_wait3A_91 = tpu.memref_squeeze %dma_wait3A_90 : memref<1x128xi32, #tpu.memory_space<vmem>> -> memref<128xi32, #tpu.memory_space<vmem>>
          %dma_wait3A_92 = tpu.memref_slice %arg5[%mul3A_52] : memref<160000xi32, #tpu.memory_space<hbm>> -> memref<128xi32, #tpu.memory_space<hbm>>
          tpu.wait_dma2 semaphore(%run_scoped3A_77 : memref<!tpu.dma_semaphore, #tpu.memory_space<semaphore_mem>>) src(%dma_wait3A_92 : memref<128xi32, #tpu.memory_space<hbm>>) dst(%dma_wait3A_91 : memref<128xi32, #tpu.memory_space<vmem>>)
          tpu.yield
        }) : () -> ()
        %dma_start3A = arith.constant 1 : i32
        %dma_start3A_54 = arith.constant 1 : i32
        %dma_start3A_55 = arith.constant 0 : i32
        %dma_start3A_56 = arith.constant 0 : i32
        %dma_start3A_57 = tpu.memref_slice %arg9[%dma_start3A_54, %dma_start3A_55, %dma_start3A_56] : memref<2x128x128xf32, #tpu.memory_space<vmem>> -> memref<1x128x128xf32, #tpu.memory_space<vmem>>
        %dma_start3A_58 = tpu.memref_squeeze %dma_start3A_57 : memref<1x128x128xf32, #tpu.memory_space<vmem>> -> memref<128x128xf32, #tpu.memory_space<vmem>>
        %dma_start3A_59 = arith.constant 0 : i32
        %dma_start3A_60 = tpu.memref_slice %arg7[%dma_start3A, %dma_start3A_59] : memref<2x128xi32, #tpu.memory_space<vmem>> -> memref<1x128xi32, #tpu.memory_space<vmem>>
        %dma_start3A_61 = tpu.memref_squeeze %dma_start3A_60 : memref<1x128xi32, #tpu.memory_space<vmem>> -> memref<128xi32, #tpu.memory_space<vmem>>
        %dma_start3A_62 = arith.constant 0 : i32
        %dma_start3A_63 = arith.constant 0 : i32
        %dma_start3A_64 = tpu.memref_slice %arg2[%dma_start3A_62, %dma_start3A_63] : memref<10000x128xf32, #tpu.memory_space<hbm>> -> memref<10000x128xf32, #tpu.memory_space<hbm>>
        tpu.enqueue_indirect_dma source(%dma_start3A_64 : memref<10000x128xf32, #tpu.memory_space<hbm>>) target(%dma_start3A_58 : memref<128x128xf32, #tpu.memory_space<vmem>>) offsets(%dma_start3A_61 : memref<128xi32, #tpu.memory_space<vmem>>) semaphore(%arg12 : memref<!tpu.dma_semaphore, #tpu.memory_space<semaphore_mem>>)
        %dma_start3A_65 = arith.constant 1 : i32
        %dma_start3A_66 = arith.constant 1 : i32
        %dma_start3A_67 = arith.constant 0 : i32
        %dma_start3A_68 = arith.constant 0 : i32
        %dma_start3A_69 = tpu.memref_slice %arg10[%dma_start3A_66, %dma_start3A_67, %dma_start3A_68] : memref<2x128x128xf32, #tpu.memory_space<vmem>> -> memref<1x128x128xf32, #tpu.memory_space<vmem>>
        %dma_start3A_70 = tpu.memref_squeeze %dma_start3A_69 : memref<1x128x128xf32, #tpu.memory_space<vmem>> -> memref<128x128xf32, #tpu.memory_space<vmem>>
        %dma_start3A_71 = arith.constant 0 : i32
        %dma_start3A_72 = tpu.memref_slice %arg8[%dma_start3A_65, %dma_start3A_71] : memref<2x128xi32, #tpu.memory_space<vmem>> -> memref<1x128xi32, #tpu.memory_space<vmem>>
        %dma_start3A_73 = tpu.memref_squeeze %dma_start3A_72 : memref<1x128xi32, #tpu.memory_space<vmem>> -> memref<128xi32, #tpu.memory_space<vmem>>
        %dma_start3A_74 = arith.constant 0 : i32
        %dma_start3A_75 = arith.constant 0 : i32
        %dma_start3A_76 = tpu.memref_slice %arg3[%dma_start3A_74, %dma_start3A_75] : memref<10000x128xf32, #tpu.memory_space<hbm>> -> memref<10000x128xf32, #tpu.memory_space<hbm>>
        tpu.enqueue_indirect_dma source(%dma_start3A_76 : memref<10000x128xf32, #tpu.memory_space<hbm>>) target(%dma_start3A_70 : memref<128x128xf32, #tpu.memory_space<vmem>>) offsets(%dma_start3A_73 : memref<128xi32, #tpu.memory_space<vmem>>) semaphore(%arg14 : memref<!tpu.dma_semaphore, #tpu.memory_space<semaphore_mem>>)
      } else {
      }
      %mul3A_23 = arith.constant 32 : i32
      %mul3A_24 = arith.muli %mul3A_23, %mul3A_12 : i32
      %add3A_25 = arith.addi %add3A, %mul3A_24 : i32
      %lt3A_26 = arith.constant 1250 : i32
      %lt3A_27 = arith.cmpi slt, %add3A_25, %lt3A_26 : i32
      %convert_element_type3A_28 = arith.extui %lt3A_27 : i1 to i32
      %cond3A_29 = arith.constant 0 : i32
      %cond3A_30 = arith.cmpi ne, %convert_element_type3A_28, %cond3A_29 : i32
      scf.if %cond3A_30 {
        %mul3A_51 = arith.constant 128 : i32
        %mul3A_52 = arith.muli %add3A_25, %mul3A_51 : i32
        %dma_wait3A = arith.constant 0 : i32
        %dma_wait3A_53 = arith.constant 0 : i32
        %dma_wait3A_54 = arith.constant 0 : i32
        %dma_wait3A_55 = arith.constant 0 : i32
        %dma_wait3A_56 = tpu.memref_slice %arg9[%dma_wait3A_53, %dma_wait3A_54, %dma_wait3A_55] : memref<2x128x128xf32, #tpu.memory_space<vmem>> -> memref<1x128x128xf32, #tpu.memory_space<vmem>>
        %dma_wait3A_57 = tpu.memref_squeeze %dma_wait3A_56 : memref<1x128x128xf32, #tpu.memory_space<vmem>> -> memref<128x128xf32, #tpu.memory_space<vmem>>
        %dma_wait3A_58 = arith.constant 0 : i32
        %dma_wait3A_59 = tpu.memref_slice %arg7[%dma_wait3A, %dma_wait3A_58] : memref<2x128xi32, #tpu.memory_space<vmem>> -> memref<1x128xi32, #tpu.memory_space<vmem>>
        %dma_wait3A_60 = tpu.memref_squeeze %dma_wait3A_59 : memref<1x128xi32, #tpu.memory_space<vmem>> -> memref<128xi32, #tpu.memory_space<vmem>>
        %dma_wait3A_61 = arith.constant 0 : i32
        %dma_wait3A_62 = arith.constant 0 : i32
        %dma_wait3A_63 = tpu.memref_slice %arg2[%dma_wait3A_61, %dma_wait3A_62] : memref<10000x128xf32, #tpu.memory_space<hbm>> -> memref<10000x128xf32, #tpu.memory_space<hbm>>
        tpu.wait_indirect_dma semaphore(%arg11 : memref<!tpu.dma_semaphore, #tpu.memory_space<semaphore_mem>>) src(%dma_wait3A_63 : memref<10000x128xf32, #tpu.memory_space<hbm>>) dst(%dma_wait3A_57 : memref<128x128xf32, #tpu.memory_space<vmem>>)
        %dma_wait3A_64 = arith.constant 0 : i32
        %dma_wait3A_65 = arith.constant 0 : i32
        %dma_wait3A_66 = arith.constant 0 : i32
        %dma_wait3A_67 = arith.constant 0 : i32
        %dma_wait3A_68 = tpu.memref_slice %arg10[%dma_wait3A_65, %dma_wait3A_66, %dma_wait3A_67] : memref<2x128x128xf32, #tpu.memory_space<vmem>> -> memref<1x128x128xf32, #tpu.memory_space<vmem>>
        %dma_wait3A_69 = tpu.memref_squeeze %dma_wait3A_68 : memref<1x128x128xf32, #tpu.memory_space<vmem>> -> memref<128x128xf32, #tpu.memory_space<vmem>>
        %dma_wait3A_70 = arith.constant 0 : i32
        %dma_wait3A_71 = tpu.memref_slice %arg8[%dma_wait3A_64, %dma_wait3A_70] : memref<2x128xi32, #tpu.memory_space<vmem>> -> memref<1x128xi32, #tpu.memory_space<vmem>>
        %dma_wait3A_72 = tpu.memref_squeeze %dma_wait3A_71 : memref<1x128xi32, #tpu.memory_space<vmem>> -> memref<128xi32, #tpu.memory_space<vmem>>
        %dma_wait3A_73 = arith.constant 0 : i32
        %dma_wait3A_74 = arith.constant 0 : i32
        %dma_wait3A_75 = tpu.memref_slice %arg3[%dma_wait3A_73, %dma_wait3A_74] : memref<10000x128xf32, #tpu.memory_space<hbm>> -> memref<10000x128xf32, #tpu.memory_space<hbm>>
        tpu.wait_indirect_dma semaphore(%arg13 : memref<!tpu.dma_semaphore, #tpu.memory_space<semaphore_mem>>) src(%dma_wait3A_75 : memref<10000x128xf32, #tpu.memory_space<hbm>>) dst(%dma_wait3A_69 : memref<128x128xf32, #tpu.memory_space<vmem>>)
        %scan3A_76 = arith.constant 0 : i32
        %scan3A_77 = arith.constant 0 : i32
        %scan3A_78 = arith.constant 128 : i32
        %scan3A_79 = arith.addi %scan3A_77, %scan3A_78 : i32
        %scan3A_80 = arith.constant 1 : i32
        scf.for %scan3A_82 = %scan3A_77 to %scan3A_79 step %scan3A_80  : i32 {
          %get3A = arith.constant 0 : i32
          %get3A_83 = arith.index_cast %get3A : i32 to index
          %get3A_84 = arith.index_cast %scan3A_82 : i32 to index
          %get3A_85 = arith.constant 0 : index
          %get3A_86 = tpu.vector_load %arg9[%get3A_83, %get3A_84, %get3A_85] {strides = array<i32>} : memref<2x128x128xf32, #tpu.memory_space<vmem>>, vector<1x1x16xf32>,
          %get3A_87 = vector.shape_cast %get3A_86 : vector<1x1x16xf32> to vector<16xf32>
          %get3A_88 = arith.constant 0 : i32
          %get3A_89 = arith.index_cast %get3A_88 : i32 to index
          %get3A_90 = arith.index_cast %scan3A_82 : i32 to index
          %get3A_91 = arith.constant 0 : index
          %get3A_92 = tpu.vector_load %arg10[%get3A_89, %get3A_90, %get3A_91] {strides = array<i32>} : memref<2x128x128xf32, #tpu.memory_space<vmem>>, vector<1x1x16xf32>,
          %get3A_93 = vector.shape_cast %get3A_92 : vector<1x1x16xf32> to vector<16xf32>
          %add3A_94 = arith.addf %get3A_87, %get3A_93 : vector<16xf32>
          %swap3A = arith.constant 0 : i32
          %swap3A_95 = arith.index_cast %swap3A : i32 to index
          %swap3A_96 = arith.index_cast %scan3A_82 : i32 to index
          %swap3A_97 = arith.constant 0 : index
          %swap3A_98 = tpu.vector_load %arg9[%swap3A_95, %swap3A_96, %swap3A_97] {strides = array<i32>} : memref<2x128x128xf32, #tpu.memory_space<vmem>>, vector<1x1x16xf32>,
          %swap3A_99 = vector.shape_cast %swap3A_98 : vector<1x1x16xf32> to vector<16xf32>
          %swap3A_100 = vector.shape_cast %add3A_94 : vector<16xf32> to vector<1x1x16xf32>
          tpu.vector_store %arg9[%swap3A_95, %swap3A_96, %swap3A_97], %swap3A_100 {strides = array<i32>} : memref<2x128x128xf32, #tpu.memory_space<vmem>>, vector<1x1x16xf32>,
          %get3A_101 = arith.constant 0 : i32
          %get3A_102 = arith.index_cast %get3A_101 : i32 to index
          %get3A_103 = arith.index_cast %scan3A_82 : i32 to index
          %get3A_104 = arith.constant 16 : index
          %get3A_105 = tpu.vector_load %arg9[%get3A_102, %get3A_103, %get3A_104] {strides = array<i32>} : memref<2x128x128xf32, #tpu.memory_space<vmem>>, vector<1x1x16xf32>,
          %get3A_106 = vector.shape_cast %get3A_105 : vector<1x1x16xf32> to vector<16xf32>
          %get3A_107 = arith.constant 0 : i32
          %get3A_108 = arith.index_cast %get3A_107 : i32 to index
          %get3A_109 = arith.index_cast %scan3A_82 : i32 to index
          %get3A_110 = arith.constant 16 : index
          %get3A_111 = tpu.vector_load %arg10[%get3A_108, %get3A_109, %get3A_110] {strides = array<i32>} : memref<2x128x128xf32, #tpu.memory_space<vmem>>, vector<1x1x16xf32>,
          %get3A_112 = vector.shape_cast %get3A_111 : vector<1x1x16xf32> to vector<16xf32>
          %add3A_113 = arith.addf %get3A_106, %get3A_112 : vector<16xf32>
          %swap3A_114 = arith.constant 0 : i32
          %swap3A_115 = arith.index_cast %swap3A_114 : i32 to index
          %swap3A_116 = arith.index_cast %scan3A_82 : i32 to index
          %swap3A_117 = arith.constant 16 : index
          %swap3A_118 = tpu.vector_load %arg9[%swap3A_115, %swap3A_116, %swap3A_117] {strides = array<i32>} : memref<2x128x128xf32, #tpu.memory_space<vmem>>, vector<1x1x16xf32>,
          %swap3A_119 = vector.shape_cast %swap3A_118 : vector<1x1x16xf32> to vector<16xf32>
          %swap3A_120 = vector.shape_cast %add3A_113 : vector<16xf32> to vector<1x1x16xf32>
          tpu.vector_store %arg9[%swap3A_115, %swap3A_116, %swap3A_117], %swap3A_120 {strides = array<i32>} : memref<2x128x128xf32, #tpu.memory_space<vmem>>, vector<1x1x16xf32>,
          %get3A_121 = arith.constant 0 : i32
          %get3A_122 = arith.index_cast %get3A_121 : i32 to index
          %get3A_123 = arith.index_cast %scan3A_82 : i32 to index
          %get3A_124 = arith.constant 32 : index
          %get3A_125 = tpu.vector_load %arg9[%get3A_122, %get3A_123, %get3A_124] {strides = array<i32>} : memref<2x128x128xf32, #tpu.memory_space<vmem>>, vector<1x1x16xf32>,
          %get3A_126 = vector.shape_cast %get3A_125 : vector<1x1x16xf32> to vector<16xf32>
          %get3A_127 = arith.constant 0 : i32
          %get3A_128 = arith.index_cast %get3A_127 : i32 to index
          %get3A_129 = arith.index_cast %scan3A_82 : i32 to index
          %get3A_130 = arith.constant 32 : index
          %get3A_131 = tpu.vector_load %arg10[%get3A_128, %get3A_129, %get3A_130] {strides = array<i32>} : memref<2x128x128xf32, #tpu.memory_space<vmem>>, vector<1x1x16xf32>,
          %get3A_132 = vector.shape_cast %get3A_131 : vector<1x1x16xf32> to vector<16xf32>
          %add3A_133 = arith.addf %get3A_126, %get3A_132 : vector<16xf32>
          %swap3A_134 = arith.constant 0 : i32
          %swap3A_135 = arith.index_cast %swap3A_134 : i32 to index
          %swap3A_136 = arith.index_cast %scan3A_82 : i32 to index
          %swap3A_137 = arith.constant 32 : index
          %swap3A_138 = tpu.vector_load %arg9[%swap3A_135, %swap3A_136, %swap3A_137] {strides = array<i32>} : memref<2x128x128xf32, #tpu.memory_space<vmem>>, vector<1x1x16xf32>,
          %swap3A_139 = vector.shape_cast %swap3A_138 : vector<1x1x16xf32> to vector<16xf32>
          %swap3A_140 = vector.shape_cast %add3A_133 : vector<16xf32> to vector<1x1x16xf32>
          tpu.vector_store %arg9[%swap3A_135, %swap3A_136, %swap3A_137], %swap3A_140 {strides = array<i32>} : memref<2x128x128xf32, #tpu.memory_space<vmem>>, vector<1x1x16xf32>,
          %get3A_141 = arith.constant 0 : i32
          %get3A_142 = arith.index_cast %get3A_141 : i32 to index
          %get3A_143 = arith.index_cast %scan3A_82 : i32 to index
          %get3A_144 = arith.constant 48 : index
          %get3A_145 = tpu.vector_load %arg9[%get3A_142, %get3A_143, %get3A_144] {strides = array<i32>} : memref<2x128x128xf32, #tpu.memory_space<vmem>>, vector<1x1x16xf32>,
          %get3A_146 = vector.shape_cast %get3A_145 : vector<1x1x16xf32> to vector<16xf32>
          %get3A_147 = arith.constant 0 : i32
          %get3A_148 = arith.index_cast %get3A_147 : i32 to index
          %get3A_149 = arith.index_cast %scan3A_82 : i32 to index
          %get3A_150 = arith.constant 48 : index
          %get3A_151 = tpu.vector_load %arg10[%get3A_148, %get3A_149, %get3A_150] {strides = array<i32>} : memref<2x128x128xf32, #tpu.memory_space<vmem>>, vector<1x1x16xf32>,
          %get3A_152 = vector.shape_cast %get3A_151 : vector<1x1x16xf32> to vector<16xf32>
          %add3A_153 = arith.addf %get3A_146, %get3A_152 : vector<16xf32>
          %swap3A_154 = arith.constant 0 : i32
          %swap3A_155 = arith.index_cast %swap3A_154 : i32 to index
          %swap3A_156 = arith.index_cast %scan3A_82 : i32 to index
          %swap3A_157 = arith.constant 48 : index
          %swap3A_158 = tpu.vector_load %arg9[%swap3A_155, %swap3A_156, %swap3A_157] {strides = array<i32>} : memref<2x128x128xf32, #tpu.memory_space<vmem>>, vector<1x1x16xf32>,
          %swap3A_159 = vector.shape_cast %swap3A_158 : vector<1x1x16xf32> to vector<16xf32>
          %swap3A_160 = vector.shape_cast %add3A_153 : vector<16xf32> to vector<1x1x16xf32>
          tpu.vector_store %arg9[%swap3A_155, %swap3A_156, %swap3A_157], %swap3A_160 {strides = array<i32>} : memref<2x128x128xf32, #tpu.memory_space<vmem>>, vector<1x1x16xf32>,
        }
        %scan3A_81 = arith.constant 128 : i32
        %run_scoped3A = arith.constant 0 : i32
        "tpu.region"() ({
          %run_scoped3A_82 = tpu.sem_alloc : memref<!tpu.dma_semaphore, #tpu.memory_space<semaphore_mem>>
          %dma_start3A = arith.constant 0 : i32
          %dma_start3A_83 = arith.constant 0 : i32
          %dma_start3A_84 = tpu.memref_slice %arg9[%run_scoped3A, %dma_start3A, %dma_start3A_83] : memref<2x128x128xf32, #tpu.memory_space<vmem>> -> memref<1x128x128xf32, #tpu.memory_space<vmem>>
          %dma_start3A_85 = tpu.memref_squeeze %dma_start3A_84 : memref<1x128x128xf32, #tpu.memory_space<vmem>> -> memref<128x128xf32, #tpu.memory_space<vmem>>
          %dma_start3A_86 = arith.constant 0 : i32
          %dma_start3A_87 = tpu.memref_slice %arg6[%mul3A_52, %dma_start3A_86] : memref<160000x128xf32, #tpu.memory_space<hbm>> -> memref<128x128xf32, #tpu.memory_space<hbm>>
          %dma_start3A_88 = arith.constant 0 : i32
          %dma_start3A_89 = tpu.memref_slice %arg6[%mul3A_52, %dma_start3A_88] : memref<160000x128xf32, #tpu.memory_space<hbm>> -> memref<128x128xf32, #tpu.memory_space<hbm>>
          %dma_start3A_90 = arith.constant 0 : i32
          %dma_start3A_91 = arith.constant 0 : i32
          %dma_start3A_92 = tpu.memref_slice %arg9[%run_scoped3A, %dma_start3A_90, %dma_start3A_91] : memref<2x128x128xf32, #tpu.memory_space<vmem>> -> memref<1x128x128xf32, #tpu.memory_space<vmem>>
          %dma_start3A_93 = tpu.memref_squeeze %dma_start3A_92 : memref<1x128x128xf32, #tpu.memory_space<vmem>> -> memref<128x128xf32, #tpu.memory_space<vmem>>
          tpu.enqueue_dma source(%dma_start3A_93 : memref<128x128xf32, #tpu.memory_space<vmem>>) target(%dma_start3A_89 : memref<128x128xf32, #tpu.memory_space<hbm>>) target_semaphore(%run_scoped3A_82 : memref<!tpu.dma_semaphore, #tpu.memory_space<semaphore_mem>>)
          %dma_wait3A_94 = arith.constant 0 : i32
          %dma_wait3A_95 = arith.constant 0 : i32
          %dma_wait3A_96 = tpu.memref_slice %arg9[%run_scoped3A, %dma_wait3A_94, %dma_wait3A_95] : memref<2x128x128xf32, #tpu.memory_space<vmem>> -> memref<1x128x128xf32, #tpu.memory_space<vmem>>
          %dma_wait3A_97 = tpu.memref_squeeze %dma_wait3A_96 : memref<1x128x128xf32, #tpu.memory_space<vmem>> -> memref<128x128xf32, #tpu.memory_space<vmem>>
          %dma_wait3A_98 = arith.constant 0 : i32
          %dma_wait3A_99 = tpu.memref_slice %arg6[%mul3A_52, %dma_wait3A_98] : memref<160000x128xf32, #tpu.memory_space<hbm>> -> memref<128x128xf32, #tpu.memory_space<hbm>>
          %dma_wait3A_100 = arith.constant 0 : i32
          %dma_wait3A_101 = tpu.memref_slice %arg6[%mul3A_52, %dma_wait3A_100] : memref<160000x128xf32, #tpu.memory_space<hbm>> -> memref<128x128xf32, #tpu.memory_space<hbm>>
          %dma_wait3A_102 = arith.constant 0 : i32
          %dma_wait3A_103 = arith.constant 0 : i32
          %dma_wait3A_104 = tpu.memref_slice %arg9[%run_scoped3A, %dma_wait3A_102, %dma_wait3A_103] : memref<2x128x128xf32, #tpu.memory_space<vmem>> -> memref<1x128x128xf32, #tpu.memory_space<vmem>>
          %dma_wait3A_105 = tpu.memref_squeeze %dma_wait3A_104 : memref<1x128x128xf32, #tpu.memory_space<vmem>> -> memref<128x128xf32, #tpu.memory_space<vmem>>
          tpu.wait_dma2 semaphore(%run_scoped3A_82 : memref<!tpu.dma_semaphore, #tpu.memory_space<semaphore_mem>>) src(%dma_wait3A_105 : memref<128x128xf32, #tpu.memory_space<vmem>>) dst(%dma_wait3A_101 : memref<128x128xf32, #tpu.memory_space<hbm>>)
          tpu.yield
        }) : () -> ()
      } else {
      }
      %add3A_31 = arith.constant 2 : i32
      %add3A_32 = arith.addi %mul3A_12, %add3A_31 : i32
      %mul3A_33 = arith.constant 32 : i32
      %mul3A_34 = arith.muli %mul3A_33, %add3A_32 : i32
      %add3A_35 = arith.addi %add3A, %mul3A_34 : i32
      %lt3A_36 = arith.constant 1250 : i32
      %lt3A_37 = arith.cmpi slt, %add3A_35, %lt3A_36 : i32
      %convert_element_type3A_38 = arith.extui %lt3A_37 : i1 to i32
      %cond3A_39 = arith.constant 0 : i32
      %cond3A_40 = arith.cmpi ne, %convert_element_type3A_38, %cond3A_39 : i32
      scf.if %cond3A_40 {
        %mul3A_51 = arith.constant 128 : i32
        %mul3A_52 = arith.muli %add3A_35, %mul3A_51 : i32
        %run_scoped3A = arith.constant 0 : i32
        "tpu.region"() ({
          %run_scoped3A_77 = tpu.sem_alloc : memref<!tpu.dma_semaphore, #tpu.memory_space<semaphore_mem>>
          %dma_start3A_78 = arith.constant 0 : i32
          %dma_start3A_79 = tpu.memref_slice %arg7[%run_scoped3A, %dma_start3A_78] : memref<2x128xi32, #tpu.memory_space<vmem>> -> memref<1x128xi32, #tpu.memory_space<vmem>>
          %dma_start3A_80 = tpu.memref_squeeze %dma_start3A_79 : memref<1x128xi32, #tpu.memory_space<vmem>> -> memref<128xi32, #tpu.memory_space<vmem>>
          %dma_start3A_81 = tpu.memref_slice %arg4[%mul3A_52] : memref<160000xi32, #tpu.memory_space<hbm>> -> memref<128xi32, #tpu.memory_space<hbm>>
          %dma_start3A_82 = arith.constant 0 : i32
          %dma_start3A_83 = tpu.memref_slice %arg7[%run_scoped3A, %dma_start3A_82] : memref<2x128xi32, #tpu.memory_space<vmem>> -> memref<1x128xi32, #tpu.memory_space<vmem>>
          %dma_start3A_84 = tpu.memref_squeeze %dma_start3A_83 : memref<1x128xi32, #tpu.memory_space<vmem>> -> memref<128xi32, #tpu.memory_space<vmem>>
          %dma_start3A_85 = tpu.memref_slice %arg4[%mul3A_52] : memref<160000xi32, #tpu.memory_space<hbm>> -> memref<128xi32, #tpu.memory_space<hbm>>
          tpu.enqueue_dma source(%dma_start3A_85 : memref<128xi32, #tpu.memory_space<hbm>>) target(%dma_start3A_84 : memref<128xi32, #tpu.memory_space<vmem>>) target_semaphore(%run_scoped3A_77 : memref<!tpu.dma_semaphore, #tpu.memory_space<semaphore_mem>>)
          %dma_wait3A = arith.constant 0 : i32
          %dma_wait3A_86 = tpu.memref_slice %arg7[%run_scoped3A, %dma_wait3A] : memref<2x128xi32, #tpu.memory_space<vmem>> -> memref<1x128xi32, #tpu.memory_space<vmem>>
          %dma_wait3A_87 = tpu.memref_squeeze %dma_wait3A_86 : memref<1x128xi32, #tpu.memory_space<vmem>> -> memref<128xi32, #tpu.memory_space<vmem>>
          %dma_wait3A_88 = tpu.memref_slice %arg4[%mul3A_52] : memref<160000xi32, #tpu.memory_space<hbm>> -> memref<128xi32, #tpu.memory_space<hbm>>
          %dma_wait3A_89 = arith.constant 0 : i32
          %dma_wait3A_90 = tpu.memref_slice %arg7[%run_scoped3A, %dma_wait3A_89] : memref<2x128xi32, #tpu.memory_space<vmem>> -> memref<1x128xi32, #tpu.memory_space<vmem>>
          %dma_wait3A_91 = tpu.memref_squeeze %dma_wait3A_90 : memref<1x128xi32, #tpu.memory_space<vmem>> -> memref<128xi32, #tpu.memory_space<vmem>>
          %dma_wait3A_92 = tpu.memref_slice %arg4[%mul3A_52] : memref<160000xi32, #tpu.memory_space<hbm>> -> memref<128xi32, #tpu.memory_space<hbm>>
          tpu.wait_dma2 semaphore(%run_scoped3A_77 : memref<!tpu.dma_semaphore, #tpu.memory_space<semaphore_mem>>) src(%dma_wait3A_92 : memref<128xi32, #tpu.memory_space<hbm>>) dst(%dma_wait3A_91 : memref<128xi32, #tpu.memory_space<vmem>>)
          tpu.yield
        }) : () -> ()
        %run_scoped3A_53 = arith.constant 0 : i32
        "tpu.region"() ({
          %run_scoped3A_77 = tpu.sem_alloc : memref<!tpu.dma_semaphore, #tpu.memory_space<semaphore_mem>>
          %dma_start3A_78 = arith.constant 0 : i32
          %dma_start3A_79 = tpu.memref_slice %arg8[%run_scoped3A_53, %dma_start3A_78] : memref<2x128xi32, #tpu.memory_space<vmem>> -> memref<1x128xi32, #tpu.memory_space<vmem>>
          %dma_start3A_80 = tpu.memref_squeeze %dma_start3A_79 : memref<1x128xi32, #tpu.memory_space<vmem>> -> memref<128xi32, #tpu.memory_space<vmem>>
          %dma_start3A_81 = tpu.memref_slice %arg5[%mul3A_52] : memref<160000xi32, #tpu.memory_space<hbm>> -> memref<128xi32, #tpu.memory_space<hbm>>
          %dma_start3A_82 = arith.constant 0 : i32
          %dma_start3A_83 = tpu.memref_slice %arg8[%run_scoped3A_53, %dma_start3A_82] : memref<2x128xi32, #tpu.memory_space<vmem>> -> memref<1x128xi32, #tpu.memory_space<vmem>>
          %dma_start3A_84 = tpu.memref_squeeze %dma_start3A_83 : memref<1x128xi32, #tpu.memory_space<vmem>> -> memref<128xi32, #tpu.memory_space<vmem>>
          %dma_start3A_85 = tpu.memref_slice %arg5[%mul3A_52] : memref<160000xi32, #tpu.memory_space<hbm>> -> memref<128xi32, #tpu.memory_space<hbm>>
          tpu.enqueue_dma source(%dma_start3A_85 : memref<128xi32, #tpu.memory_space<hbm>>) target(%dma_start3A_84 : memref<128xi32, #tpu.memory_space<vmem>>) target_semaphore(%run_scoped3A_77 : memref<!tpu.dma_semaphore, #tpu.memory_space<semaphore_mem>>)
          %dma_wait3A = arith.constant 0 : i32
          %dma_wait3A_86 = tpu.memref_slice %arg8[%run_scoped3A_53, %dma_wait3A] : memref<2x128xi32, #tpu.memory_space<vmem>> -> memref<1x128xi32, #tpu.memory_space<vmem>>
          %dma_wait3A_87 = tpu.memref_squeeze %dma_wait3A_86 : memref<1x128xi32, #tpu.memory_space<vmem>> -> memref<128xi32, #tpu.memory_space<vmem>>
          %dma_wait3A_88 = tpu.memref_slice %arg5[%mul3A_52] : memref<160000xi32, #tpu.memory_space<hbm>> -> memref<128xi32, #tpu.memory_space<hbm>>
          %dma_wait3A_89 = arith.constant 0 : i32
          %dma_wait3A_90 = tpu.memref_slice %arg8[%run_scoped3A_53, %dma_wait3A_89] : memref<2x128xi32, #tpu.memory_space<vmem>> -> memref<1x128xi32, #tpu.memory_space<vmem>>
          %dma_wait3A_91 = tpu.memref_squeeze %dma_wait3A_90 : memref<1x128xi32, #tpu.memory_space<vmem>> -> memref<128xi32, #tpu.memory_space<vmem>>
          %dma_wait3A_92 = tpu.memref_slice %arg5[%mul3A_52] : memref<160000xi32, #tpu.memory_space<hbm>> -> memref<128xi32, #tpu.memory_space<hbm>>
          tpu.wait_dma2 semaphore(%run_scoped3A_77 : memref<!tpu.dma_semaphore, #tpu.memory_space<semaphore_mem>>) src(%dma_wait3A_92 : memref<128xi32, #tpu.memory_space<hbm>>) dst(%dma_wait3A_91 : memref<128xi32, #tpu.memory_space<vmem>>)
          tpu.yield
        }) : () -> ()
        %dma_start3A = arith.constant 0 : i32
        %dma_start3A_54 = arith.constant 0 : i32
        %dma_start3A_55 = arith.constant 0 : i32
        %dma_start3A_56 = arith.constant 0 : i32
        %dma_start3A_57 = tpu.memref_slice %arg9[%dma_start3A_54, %dma_start3A_55, %dma_start3A_56] : memref<2x128x128xf32, #tpu.memory_space<vmem>> -> memref<1x128x128xf32, #tpu.memory_space<vmem>>
        %dma_start3A_58 = tpu.memref_squeeze %dma_start3A_57 : memref<1x128x128xf32, #tpu.memory_space<vmem>> -> memref<128x128xf32, #tpu.memory_space<vmem>>
        %dma_start3A_59 = arith.constant 0 : i32
        %dma_start3A_60 = tpu.memref_slice %arg7[%dma_start3A, %dma_start3A_59] : memref<2x128xi32, #tpu.memory_space<vmem>> -> memref<1x128xi32, #tpu.memory_space<vmem>>
        %dma_start3A_61 = tpu.memref_squeeze %dma_start3A_60 : memref<1x128xi32, #tpu.memory_space<vmem>> -> memref<128xi32, #tpu.memory_space<vmem>>
        %dma_start3A_62 = arith.constant 0 : i32
        %dma_start3A_63 = arith.constant 0 : i32
        %dma_start3A_64 = tpu.memref_slice %arg2[%dma_start3A_62, %dma_start3A_63] : memref<10000x128xf32, #tpu.memory_space<hbm>> -> memref<10000x128xf32, #tpu.memory_space<hbm>>
        tpu.enqueue_indirect_dma source(%dma_start3A_64 : memref<10000x128xf32, #tpu.memory_space<hbm>>) target(%dma_start3A_58 : memref<128x128xf32, #tpu.memory_space<vmem>>) offsets(%dma_start3A_61 : memref<128xi32, #tpu.memory_space<vmem>>) semaphore(%arg11 : memref<!tpu.dma_semaphore, #tpu.memory_space<semaphore_mem>>)
        %dma_start3A_65 = arith.constant 0 : i32
        %dma_start3A_66 = arith.constant 0 : i32
        %dma_start3A_67 = arith.constant 0 : i32
        %dma_start3A_68 = arith.constant 0 : i32
        %dma_start3A_69 = tpu.memref_slice %arg10[%dma_start3A_66, %dma_start3A_67, %dma_start3A_68] : memref<2x128x128xf32, #tpu.memory_space<vmem>> -> memref<1x128x128xf32, #tpu.memory_space<vmem>>
        %dma_start3A_70 = tpu.memref_squeeze %dma_start3A_69 : memref<1x128x128xf32, #tpu.memory_space<vmem>> -> memref<128x128xf32, #tpu.memory_space<vmem>>
        %dma_start3A_71 = arith.constant 0 : i32
        %dma_start3A_72 = tpu.memref_slice %arg8[%dma_start3A_65, %dma_start3A_71] : memref<2x128xi32, #tpu.memory_space<vmem>> -> memref<1x128xi32, #tpu.memory_space<vmem>>
        %dma_start3A_73 = tpu.memref_squeeze %dma_start3A_72 : memref<1x128xi32, #tpu.memory_space<vmem>> -> memref<128xi32, #tpu.memory_space<vmem>>
        %dma_start3A_74 = arith.constant 0 : i32
        %dma_start3A_75 = arith.constant 0 : i32
        %dma_start3A_76 = tpu.memref_slice %arg3[%dma_start3A_74, %dma_start3A_75] : memref<10000x128xf32, #tpu.memory_space<hbm>> -> memref<10000x128xf32, #tpu.memory_space<hbm>>
        tpu.enqueue_indirect_dma source(%dma_start3A_76 : memref<10000x128xf32, #tpu.memory_space<hbm>>) target(%dma_start3A_70 : memref<128x128xf32, #tpu.memory_space<vmem>>) offsets(%dma_start3A_73 : memref<128xi32, #tpu.memory_space<vmem>>) semaphore(%arg13 : memref<!tpu.dma_semaphore, #tpu.memory_space<semaphore_mem>>)
      } else {
      }
      %add3A_41 = arith.constant 1 : i32
      %add3A_42 = arith.addi %mul3A_12, %add3A_41 : i32
      %mul3A_43 = arith.constant 32 : i32
      %mul3A_44 = arith.muli %mul3A_43, %add3A_42 : i32
      %add3A_45 = arith.addi %add3A, %mul3A_44 : i32
      %lt3A_46 = arith.constant 1250 : i32
      %lt3A_47 = arith.cmpi slt, %add3A_45, %lt3A_46 : i32
      %convert_element_type3A_48 = arith.extui %lt3A_47 : i1 to i32
      %cond3A_49 = arith.constant 0 : i32
      %cond3A_50 = arith.cmpi ne, %convert_element_type3A_48, %cond3A_49 : i32
      scf.if %cond3A_50 {
        %mul3A_51 = arith.constant 128 : i32
        %mul3A_52 = arith.muli %add3A_45, %mul3A_51 : i32
        %dma_wait3A = arith.constant 1 : i32
        %dma_wait3A_53 = arith.constant 1 : i32
        %dma_wait3A_54 = arith.constant 0 : i32
        %dma_wait3A_55 = arith.constant 0 : i32
        %dma_wait3A_56 = tpu.memref_slice %arg9[%dma_wait3A_53, %dma_wait3A_54, %dma_wait3A_55] : memref<2x128x128xf32, #tpu.memory_space<vmem>> -> memref<1x128x128xf32, #tpu.memory_space<vmem>>
        %dma_wait3A_57 = tpu.memref_squeeze %dma_wait3A_56 : memref<1x128x128xf32, #tpu.memory_space<vmem>> -> memref<128x128xf32, #tpu.memory_space<vmem>>
        %dma_wait3A_58 = arith.constant 0 : i32
        %dma_wait3A_59 = tpu.memref_slice %arg7[%dma_wait3A, %dma_wait3A_58] : memref<2x128xi32, #tpu.memory_space<vmem>> -> memref<1x128xi32, #tpu.memory_space<vmem>>
        %dma_wait3A_60 = tpu.memref_squeeze %dma_wait3A_59 : memref<1x128xi32, #tpu.memory_space<vmem>> -> memref<128xi32, #tpu.memory_space<vmem>>
        %dma_wait3A_61 = arith.constant 0 : i32
        %dma_wait3A_62 = arith.constant 0 : i32
        %dma_wait3A_63 = tpu.memref_slice %arg2[%dma_wait3A_61, %dma_wait3A_62] : memref<10000x128xf32, #tpu.memory_space<hbm>> -> memref<10000x128xf32, #tpu.memory_space<hbm>>
        tpu.wait_indirect_dma semaphore(%arg12 : memref<!tpu.dma_semaphore, #tpu.memory_space<semaphore_mem>>) src(%dma_wait3A_63 : memref<10000x128xf32, #tpu.memory_space<hbm>>) dst(%dma_wait3A_57 : memref<128x128xf32, #tpu.memory_space<vmem>>)
        %dma_wait3A_64 = arith.constant 1 : i32
        %dma_wait3A_65 = arith.constant 1 : i32
        %dma_wait3A_66 = arith.constant 0 : i32
        %dma_wait3A_67 = arith.constant 0 : i32
        %dma_wait3A_68 = tpu.memref_slice %arg10[%dma_wait3A_65, %dma_wait3A_66, %dma_wait3A_67] : memref<2x128x128xf32, #tpu.memory_space<vmem>> -> memref<1x128x128xf32, #tpu.memory_space<vmem>>
        %dma_wait3A_69 = tpu.memref_squeeze %dma_wait3A_68 : memref<1x128x128xf32, #tpu.memory_space<vmem>> -> memref<128x128xf32, #tpu.memory_space<vmem>>
        %dma_wait3A_70 = arith.constant 0 : i32
        %dma_wait3A_71 = tpu.memref_slice %arg8[%dma_wait3A_64, %dma_wait3A_70] : memref<2x128xi32, #tpu.memory_space<vmem>> -> memref<1x128xi32, #tpu.memory_space<vmem>>
        %dma_wait3A_72 = tpu.memref_squeeze %dma_wait3A_71 : memref<1x128xi32, #tpu.memory_space<vmem>> -> memref<128xi32, #tpu.memory_space<vmem>>
        %dma_wait3A_73 = arith.constant 0 : i32
        %dma_wait3A_74 = arith.constant 0 : i32
        %dma_wait3A_75 = tpu.memref_slice %arg3[%dma_wait3A_73, %dma_wait3A_74] : memref<10000x128xf32, #tpu.memory_space<hbm>> -> memref<10000x128xf32, #tpu.memory_space<hbm>>
        tpu.wait_indirect_dma semaphore(%arg14 : memref<!tpu.dma_semaphore, #tpu.memory_space<semaphore_mem>>) src(%dma_wait3A_75 : memref<10000x128xf32, #tpu.memory_space<hbm>>) dst(%dma_wait3A_69 : memref<128x128xf32, #tpu.memory_space<vmem>>)
        %scan3A_76 = arith.constant 0 : i32
        %scan3A_77 = arith.constant 0 : i32
        %scan3A_78 = arith.constant 128 : i32
        %scan3A_79 = arith.addi %scan3A_77, %scan3A_78 : i32
        %scan3A_80 = arith.constant 1 : i32
        scf.for %scan3A_82 = %scan3A_77 to %scan3A_79 step %scan3A_80  : i32 {
          %get3A = arith.constant 1 : i32
          %get3A_83 = arith.index_cast %get3A : i32 to index
          %get3A_84 = arith.index_cast %scan3A_82 : i32 to index
          %get3A_85 = arith.constant 0 : index
          %get3A_86 = tpu.vector_load %arg9[%get3A_83, %get3A_84, %get3A_85] {strides = array<i32>} : memref<2x128x128xf32, #tpu.memory_space<vmem>>, vector<1x1x16xf32>,
          %get3A_87 = vector.shape_cast %get3A_86 : vector<1x1x16xf32> to vector<16xf32>
          %get3A_88 = arith.constant 1 : i32
          %get3A_89 = arith.index_cast %get3A_88 : i32 to index
          %get3A_90 = arith.index_cast %scan3A_82 : i32 to index
          %get3A_91 = arith.constant 0 : index
          %get3A_92 = tpu.vector_load %arg10[%get3A_89, %get3A_90, %get3A_91] {strides = array<i32>} : memref<2x128x128xf32, #tpu.memory_space<vmem>>, vector<1x1x16xf32>,
          %get3A_93 = vector.shape_cast %get3A_92 : vector<1x1x16xf32> to vector<16xf32>
          %add3A_94 = arith.addf %get3A_87, %get3A_93 : vector<16xf32>
          %swap3A = arith.constant 1 : i32
          %swap3A_95 = arith.index_cast %swap3A : i32 to index
          %swap3A_96 = arith.index_cast %scan3A_82 : i32 to index
          %swap3A_97 = arith.constant 0 : index
          %swap3A_98 = tpu.vector_load %arg9[%swap3A_95, %swap3A_96, %swap3A_97] {strides = array<i32>} : memref<2x128x128xf32, #tpu.memory_space<vmem>>, vector<1x1x16xf32>,
          %swap3A_99 = vector.shape_cast %swap3A_98 : vector<1x1x16xf32> to vector<16xf32>
          %swap3A_100 = vector.shape_cast %add3A_94 : vector<16xf32> to vector<1x1x16xf32>
          tpu.vector_store %arg9[%swap3A_95, %swap3A_96, %swap3A_97], %swap3A_100 {strides = array<i32>} : memref<2x128x128xf32, #tpu.memory_space<vmem>>, vector<1x1x16xf32>,
          %get3A_101 = arith.constant 1 : i32
          %get3A_102 = arith.index_cast %get3A_101 : i32 to index
          %get3A_103 = arith.index_cast %scan3A_82 : i32 to index
          %get3A_104 = arith.constant 16 : index
          %get3A_105 = tpu.vector_load %arg9[%get3A_102, %get3A_103, %get3A_104] {strides = array<i32>} : memref<2x128x128xf32, #tpu.memory_space<vmem>>, vector<1x1x16xf32>,
          %get3A_106 = vector.shape_cast %get3A_105 : vector<1x1x16xf32> to vector<16xf32>
          %get3A_107 = arith.constant 1 : i32
          %get3A_108 = arith.index_cast %get3A_107 : i32 to index
          %get3A_109 = arith.index_cast %scan3A_82 : i32 to index
          %get3A_110 = arith.constant 16 : index
          %get3A_111 = tpu.vector_load %arg10[%get3A_108, %get3A_109, %get3A_110] {strides = array<i32>} : memref<2x128x128xf32, #tpu.memory_space<vmem>>, vector<1x1x16xf32>,
          %get3A_112 = vector.shape_cast %get3A_111 : vector<1x1x16xf32> to vector<16xf32>
          %add3A_113 = arith.addf %get3A_106, %get3A_112 : vector<16xf32>
          %swap3A_114 = arith.constant 1 : i32
          %swap3A_115 = arith.index_cast %swap3A_114 : i32 to index
          %swap3A_116 = arith.index_cast %scan3A_82 : i32 to index
          %swap3A_117 = arith.constant 16 : index
          %swap3A_118 = tpu.vector_load %arg9[%swap3A_115, %swap3A_116, %swap3A_117] {strides = array<i32>} : memref<2x128x128xf32, #tpu.memory_space<vmem>>, vector<1x1x16xf32>,
          %swap3A_119 = vector.shape_cast %swap3A_118 : vector<1x1x16xf32> to vector<16xf32>
          %swap3A_120 = vector.shape_cast %add3A_113 : vector<16xf32> to vector<1x1x16xf32>
          tpu.vector_store %arg9[%swap3A_115, %swap3A_116, %swap3A_117], %swap3A_120 {strides = array<i32>} : memref<2x128x128xf32, #tpu.memory_space<vmem>>, vector<1x1x16xf32>,
          %get3A_121 = arith.constant 1 : i32
          %get3A_122 = arith.index_cast %get3A_121 : i32 to index
          %get3A_123 = arith.index_cast %scan3A_82 : i32 to index
          %get3A_124 = arith.constant 32 : index
          %get3A_125 = tpu.vector_load %arg9[%get3A_122, %get3A_123, %get3A_124] {strides = array<i32>} : memref<2x128x128xf32, #tpu.memory_space<vmem>>, vector<1x1x16xf32>,
          %get3A_126 = vector.shape_cast %get3A_125 : vector<1x1x16xf32> to vector<16xf32>
          %get3A_127 = arith.constant 1 : i32
          %get3A_128 = arith.index_cast %get3A_127 : i32 to index
          %get3A_129 = arith.index_cast %scan3A_82 : i32 to index
          %get3A_130 = arith.constant 32 : index
          %get3A_131 = tpu.vector_load %arg10[%get3A_128, %get3A_129, %get3A_130] {strides = array<i32>} : memref<2x128x128xf32, #tpu.memory_space<vmem>>, vector<1x1x16xf32>,
          %get3A_132 = vector.shape_cast %get3A_131 : vector<1x1x16xf32> to vector<16xf32>
          %add3A_133 = arith.addf %get3A_126, %get3A_132 : vector<16xf32>
          %swap3A_134 = arith.constant 1 : i32
          %swap3A_135 = arith.index_cast %swap3A_134 : i32 to index
          %swap3A_136 = arith.index_cast %scan3A_82 : i32 to index
          %swap3A_137 = arith.constant 32 : index
          %swap3A_138 = tpu.vector_load %arg9[%swap3A_135, %swap3A_136, %swap3A_137] {strides = array<i32>} : memref<2x128x128xf32, #tpu.memory_space<vmem>>, vector<1x1x16xf32>,
          %swap3A_139 = vector.shape_cast %swap3A_138 : vector<1x1x16xf32> to vector<16xf32>
          %swap3A_140 = vector.shape_cast %add3A_133 : vector<16xf32> to vector<1x1x16xf32>
          tpu.vector_store %arg9[%swap3A_135, %swap3A_136, %swap3A_137], %swap3A_140 {strides = array<i32>} : memref<2x128x128xf32, #tpu.memory_space<vmem>>, vector<1x1x16xf32>,
          %get3A_141 = arith.constant 1 : i32
          %get3A_142 = arith.index_cast %get3A_141 : i32 to index
          %get3A_143 = arith.index_cast %scan3A_82 : i32 to index
          %get3A_144 = arith.constant 48 : index
          %get3A_145 = tpu.vector_load %arg9[%get3A_142, %get3A_143, %get3A_144] {strides = array<i32>} : memref<2x128x128xf32, #tpu.memory_space<vmem>>, vector<1x1x16xf32>,
          %get3A_146 = vector.shape_cast %get3A_145 : vector<1x1x16xf32> to vector<16xf32>
          %get3A_147 = arith.constant 1 : i32
          %get3A_148 = arith.index_cast %get3A_147 : i32 to index
          %get3A_149 = arith.index_cast %scan3A_82 : i32 to index
          %get3A_150 = arith.constant 48 : index
          %get3A_151 = tpu.vector_load %arg10[%get3A_148, %get3A_149, %get3A_150] {strides = array<i32>} : memref<2x128x128xf32, #tpu.memory_space<vmem>>, vector<1x1x16xf32>,
          %get3A_152 = vector.shape_cast %get3A_151 : vector<1x1x16xf32> to vector<16xf32>
          %add3A_153 = arith.addf %get3A_146, %get3A_152 : vector<16xf32>
          %swap3A_154 = arith.constant 1 : i32
          %swap3A_155 = arith.index_cast %swap3A_154 : i32 to index
          %swap3A_156 = arith.index_cast %scan3A_82 : i32 to index
          %swap3A_157 = arith.constant 48 : index
          %swap3A_158 = tpu.vector_load %arg9[%swap3A_155, %swap3A_156, %swap3A_157] {strides = array<i32>} : memref<2x128x128xf32, #tpu.memory_space<vmem>>, vector<1x1x16xf32>,
          %swap3A_159 = vector.shape_cast %swap3A_158 : vector<1x1x16xf32> to vector<16xf32>
          %swap3A_160 = vector.shape_cast %add3A_153 : vector<16xf32> to vector<1x1x16xf32>
          tpu.vector_store %arg9[%swap3A_155, %swap3A_156, %swap3A_157], %swap3A_160 {strides = array<i32>} : memref<2x128x128xf32, #tpu.memory_space<vmem>>, vector<1x1x16xf32>,
        }
        %scan3A_81 = arith.constant 128 : i32
        %run_scoped3A = arith.constant 1 : i32
        "tpu.region"() ({
          %run_scoped3A_82 = tpu.sem_alloc : memref<!tpu.dma_semaphore, #tpu.memory_space<semaphore_mem>>
          %dma_start3A = arith.constant 0 : i32
          %dma_start3A_83 = arith.constant 0 : i32
          %dma_start3A_84 = tpu.memref_slice %arg9[%run_scoped3A, %dma_start3A, %dma_start3A_83] : memref<2x128x128xf32, #tpu.memory_space<vmem>> -> memref<1x128x128xf32, #tpu.memory_space<vmem>>
          %dma_start3A_85 = tpu.memref_squeeze %dma_start3A_84 : memref<1x128x128xf32, #tpu.memory_space<vmem>> -> memref<128x128xf32, #tpu.memory_space<vmem>>
          %dma_start3A_86 = arith.constant 0 : i32
          %dma_start3A_87 = tpu.memref_slice %arg6[%mul3A_52, %dma_start3A_86] : memref<160000x128xf32, #tpu.memory_space<hbm>> -> memref<128x128xf32, #tpu.memory_space<hbm>>
          %dma_start3A_88 = arith.constant 0 : i32
          %dma_start3A_89 = tpu.memref_slice %arg6[%mul3A_52, %dma_start3A_88] : memref<160000x128xf32, #tpu.memory_space<hbm>> -> memref<128x128xf32, #tpu.memory_space<hbm>>
          %dma_start3A_90 = arith.constant 0 : i32
          %dma_start3A_91 = arith.constant 0 : i32
          %dma_start3A_92 = tpu.memref_slice %arg9[%run_scoped3A, %dma_start3A_90, %dma_start3A_91] : memref<2x128x128xf32, #tpu.memory_space<vmem>> -> memref<1x128x128xf32, #tpu.memory_space<vmem>>
          %dma_start3A_93 = tpu.memref_squeeze %dma_start3A_92 : memref<1x128x128xf32, #tpu.memory_space<vmem>> -> memref<128x128xf32, #tpu.memory_space<vmem>>
          tpu.enqueue_dma source(%dma_start3A_93 : memref<128x128xf32, #tpu.memory_space<vmem>>) target(%dma_start3A_89 : memref<128x128xf32, #tpu.memory_space<hbm>>) target_semaphore(%run_scoped3A_82 : memref<!tpu.dma_semaphore, #tpu.memory_space<semaphore_mem>>)
          %dma_wait3A_94 = arith.constant 0 : i32
          %dma_wait3A_95 = arith.constant 0 : i32
          %dma_wait3A_96 = tpu.memref_slice %arg9[%run_scoped3A, %dma_wait3A_94, %dma_wait3A_95] : memref<2x128x128xf32, #tpu.memory_space<vmem>> -> memref<1x128x128xf32, #tpu.memory_space<vmem>>
          %dma_wait3A_97 = tpu.memref_squeeze %dma_wait3A_96 : memref<1x128x128xf32, #tpu.memory_space<vmem>> -> memref<128x128xf32, #tpu.memory_space<vmem>>
          %dma_wait3A_98 = arith.constant 0 : i32
          %dma_wait3A_99 = tpu.memref_slice %arg6[%mul3A_52, %dma_wait3A_98] : memref<160000x128xf32, #tpu.memory_space<hbm>> -> memref<128x128xf32, #tpu.memory_space<hbm>>
          %dma_wait3A_100 = arith.constant 0 : i32
          %dma_wait3A_101 = tpu.memref_slice %arg6[%mul3A_52, %dma_wait3A_100] : memref<160000x128xf32, #tpu.memory_space<hbm>> -> memref<128x128xf32, #tpu.memory_space<hbm>>
          %dma_wait3A_102 = arith.constant 0 : i32
          %dma_wait3A_103 = arith.constant 0 : i32
          %dma_wait3A_104 = tpu.memref_slice %arg9[%run_scoped3A, %dma_wait3A_102, %dma_wait3A_103] : memref<2x128x128xf32, #tpu.memory_space<vmem>> -> memref<1x128x128xf32, #tpu.memory_space<vmem>>
          %dma_wait3A_105 = tpu.memref_squeeze %dma_wait3A_104 : memref<1x128x128xf32, #tpu.memory_space<vmem>> -> memref<128x128xf32, #tpu.memory_space<vmem>>
          tpu.wait_dma2 semaphore(%run_scoped3A_82 : memref<!tpu.dma_semaphore, #tpu.memory_space<semaphore_mem>>) src(%dma_wait3A_105 : memref<128x128xf32, #tpu.memory_space<vmem>>) dst(%dma_wait3A_101 : memref<128x128xf32, #tpu.memory_space<hbm>>)
          tpu.yield
        }) : () -> ()
      } else {
      }
    }
    %scan3A_9 = arith.constant 20 : i32
    return
  }
}

#map = affine_map<(d0, d1) -> (0, 0)>
#map1 = affine_map<(d0, d1) -> (0)>
module attributes {stable_mosaic.version = 14 : i64} {
  func.func @_k2_body(%arg0: i32, %arg1: i32, %arg2: memref<10000x128xf32, #tpu.memory_space<hbm>>, %arg3: memref<10000x128xf32, #tpu.memory_space<hbm>>, %arg4: memref<160000xi32, #tpu.memory_space<hbm>>, %arg5: memref<160000xi32, #tpu.memory_space<hbm>>, %arg6: memref<160000x128xf32, #tpu.memory_space<hbm>>, %arg7: memref<2x128xi32, #tpu.memory_space<vmem>>, %arg8: memref<2x128xi32, #tpu.memory_space<vmem>>, %arg9: memref<2x128x128xf32, #tpu.memory_space<vmem>>, %arg10: memref<2x128x128xf32, #tpu.memory_space<vmem>>, %arg11: memref<!tpu.dma_semaphore, #tpu.memory_space<semaphore_mem>>, %arg12: memref<!tpu.dma_semaphore, #tpu.memory_space<semaphore_mem>>, %arg13: memref<!tpu.dma_semaphore, #tpu.memory_space<semaphore_mem>>, %arg14: memref<!tpu.dma_semaphore, #tpu.memory_space<semaphore_mem>>) attributes {dimension_semantics = [#tpu.dimension_semantics<core_parallel>, #tpu.dimension_semantics<subcore_parallel>], iteration_bounds = array<i64: 2, 16>, scalar_prefetch = 0 : i64, scratch_operands = 8 : i64, tpu.core_type = #tpu.core_type<sc_vector_subcore>, window_params = [{transform_indices = #map}, {transform_indices = #map}, {transform_indices = #map1}, {transform_indices = #map1}, {transform_indices = #map}]} {
    %mul3A = arith.constant 2 : i32
    %mul3A_0 = arith.muli %arg1, %mul3A : i32
    %add3A = arith.addi %mul3A_0, %arg0 : i32
    %add3A_1 = arith.constant 0 : i32
    %add3A_2 = arith.addi %add3A, %add3A_1 : i32
    %lt3A = arith.constant 1250 : i32
    %lt3A_3 = arith.cmpi slt, %add3A_2, %lt3A : i32
    %convert_element_type3A = arith.extui %lt3A_3 : i1 to i32
    %cond3A = arith.constant 0 : i32
    %cond3A_4 = arith.cmpi ne, %convert_element_type3A, %cond3A : i32
    scf.if %cond3A_4 {
      %mul3A_10 = arith.constant 128 : i32
      %mul3A_11 = arith.muli %add3A_2, %mul3A_10 : i32
      %run_scoped3A = arith.constant 0 : i32
      "tpu.region"() ({
        %run_scoped3A_36 = tpu.sem_alloc : memref<!tpu.dma_semaphore, #tpu.memory_space<semaphore_mem>>
        %dma_start3A_37 = arith.constant 0 : i32
        %dma_start3A_38 = tpu.memref_slice %arg7[%run_scoped3A, %dma_start3A_37] : memref<2x128xi32, #tpu.memory_space<vmem>> -> memref<1x128xi32, #tpu.memory_space<vmem>>
        %dma_start3A_39 = tpu.memref_squeeze %dma_start3A_38 : memref<1x128xi32, #tpu.memory_space<vmem>> -> memref<128xi32, #tpu.memory_space<vmem>>
        %dma_start3A_40 = tpu.memref_slice %arg4[%mul3A_11] : memref<160000xi32, #tpu.memory_space<hbm>> -> memref<128xi32, #tpu.memory_space<hbm>>
        %dma_start3A_41 = arith.constant 0 : i32
        %dma_start3A_42 = tpu.memref_slice %arg7[%run_scoped3A, %dma_start3A_41] : memref<2x128xi32, #tpu.memory_space<vmem>> -> memref<1x128xi32, #tpu.memory_space<vmem>>
        %dma_start3A_43 = tpu.memref_squeeze %dma_start3A_42 : memref<1x128xi32, #tpu.memory_space<vmem>> -> memref<128xi32, #tpu.memory_space<vmem>>
        %dma_start3A_44 = tpu.memref_slice %arg4[%mul3A_11] : memref<160000xi32, #tpu.memory_space<hbm>> -> memref<128xi32, #tpu.memory_space<hbm>>
        tpu.enqueue_dma source(%dma_start3A_44 : memref<128xi32, #tpu.memory_space<hbm>>) target(%dma_start3A_43 : memref<128xi32, #tpu.memory_space<vmem>>) target_semaphore(%run_scoped3A_36 : memref<!tpu.dma_semaphore, #tpu.memory_space<semaphore_mem>>)
        %dma_wait3A = arith.constant 0 : i32
        %dma_wait3A_45 = tpu.memref_slice %arg7[%run_scoped3A, %dma_wait3A] : memref<2x128xi32, #tpu.memory_space<vmem>> -> memref<1x128xi32, #tpu.memory_space<vmem>>
        %dma_wait3A_46 = tpu.memref_squeeze %dma_wait3A_45 : memref<1x128xi32, #tpu.memory_space<vmem>> -> memref<128xi32, #tpu.memory_space<vmem>>
        %dma_wait3A_47 = tpu.memref_slice %arg4[%mul3A_11] : memref<160000xi32, #tpu.memory_space<hbm>> -> memref<128xi32, #tpu.memory_space<hbm>>
        %dma_wait3A_48 = arith.constant 0 : i32
        %dma_wait3A_49 = tpu.memref_slice %arg7[%run_scoped3A, %dma_wait3A_48] : memref<2x128xi32, #tpu.memory_space<vmem>> -> memref<1x128xi32, #tpu.memory_space<vmem>>
        %dma_wait3A_50 = tpu.memref_squeeze %dma_wait3A_49 : memref<1x128xi32, #tpu.memory_space<vmem>> -> memref<128xi32, #tpu.memory_space<vmem>>
        %dma_wait3A_51 = tpu.memref_slice %arg4[%mul3A_11] : memref<160000xi32, #tpu.memory_space<hbm>> -> memref<128xi32, #tpu.memory_space<hbm>>
        tpu.wait_dma2 semaphore(%run_scoped3A_36 : memref<!tpu.dma_semaphore, #tpu.memory_space<semaphore_mem>>) src(%dma_wait3A_51 : memref<128xi32, #tpu.memory_space<hbm>>) dst(%dma_wait3A_50 : memref<128xi32, #tpu.memory_space<vmem>>)
        tpu.yield
      }) : () -> ()
      %run_scoped3A_12 = arith.constant 0 : i32
      "tpu.region"() ({
        %run_scoped3A_36 = tpu.sem_alloc : memref<!tpu.dma_semaphore, #tpu.memory_space<semaphore_mem>>
        %dma_start3A_37 = arith.constant 0 : i32
        %dma_start3A_38 = tpu.memref_slice %arg8[%run_scoped3A_12, %dma_start3A_37] : memref<2x128xi32, #tpu.memory_space<vmem>> -> memref<1x128xi32, #tpu.memory_space<vmem>>
        %dma_start3A_39 = tpu.memref_squeeze %dma_start3A_38 : memref<1x128xi32, #tpu.memory_space<vmem>> -> memref<128xi32, #tpu.memory_space<vmem>>
        %dma_start3A_40 = tpu.memref_slice %arg5[%mul3A_11] : memref<160000xi32, #tpu.memory_space<hbm>> -> memref<128xi32, #tpu.memory_space<hbm>>
        %dma_start3A_41 = arith.constant 0 : i32
        %dma_start3A_42 = tpu.memref_slice %arg8[%run_scoped3A_12, %dma_start3A_41] : memref<2x128xi32, #tpu.memory_space<vmem>> -> memref<1x128xi32, #tpu.memory_space<vmem>>
        %dma_start3A_43 = tpu.memref_squeeze %dma_start3A_42 : memref<1x128xi32, #tpu.memory_space<vmem>> -> memref<128xi32, #tpu.memory_space<vmem>>
        %dma_start3A_44 = tpu.memref_slice %arg5[%mul3A_11] : memref<160000xi32, #tpu.memory_space<hbm>> -> memref<128xi32, #tpu.memory_space<hbm>>
        tpu.enqueue_dma source(%dma_start3A_44 : memref<128xi32, #tpu.memory_space<hbm>>) target(%dma_start3A_43 : memref<128xi32, #tpu.memory_space<vmem>>) target_semaphore(%run_scoped3A_36 : memref<!tpu.dma_semaphore, #tpu.memory_space<semaphore_mem>>)
        %dma_wait3A = arith.constant 0 : i32
        %dma_wait3A_45 = tpu.memref_slice %arg8[%run_scoped3A_12, %dma_wait3A] : memref<2x128xi32, #tpu.memory_space<vmem>> -> memref<1x128xi32, #tpu.memory_space<vmem>>
        %dma_wait3A_46 = tpu.memref_squeeze %dma_wait3A_45 : memref<1x128xi32, #tpu.memory_space<vmem>> -> memref<128xi32, #tpu.memory_space<vmem>>
        %dma_wait3A_47 = tpu.memref_slice %arg5[%mul3A_11] : memref<160000xi32, #tpu.memory_space<hbm>> -> memref<128xi32, #tpu.memory_space<hbm>>
        %dma_wait3A_48 = arith.constant 0 : i32
        %dma_wait3A_49 = tpu.memref_slice %arg8[%run_scoped3A_12, %dma_wait3A_48] : memref<2x128xi32, #tpu.memory_space<vmem>> -> memref<1x128xi32, #tpu.memory_space<vmem>>
        %dma_wait3A_50 = tpu.memref_squeeze %dma_wait3A_49 : memref<1x128xi32, #tpu.memory_space<vmem>> -> memref<128xi32, #tpu.memory_space<vmem>>
        %dma_wait3A_51 = tpu.memref_slice %arg5[%mul3A_11] : memref<160000xi32, #tpu.memory_space<hbm>> -> memref<128xi32, #tpu.memory_space<hbm>>
        tpu.wait_dma2 semaphore(%run_scoped3A_36 : memref<!tpu.dma_semaphore, #tpu.memory_space<semaphore_mem>>) src(%dma_wait3A_51 : memref<128xi32, #tpu.memory_space<hbm>>) dst(%dma_wait3A_50 : memref<128xi32, #tpu.memory_space<vmem>>)
        tpu.yield
      }) : () -> ()
      %dma_start3A = arith.constant 0 : i32
      %dma_start3A_13 = arith.constant 0 : i32
      %dma_start3A_14 = arith.constant 0 : i32
      %dma_start3A_15 = arith.constant 0 : i32
      %dma_start3A_16 = tpu.memref_slice %arg9[%dma_start3A_13, %dma_start3A_14, %dma_start3A_15] : memref<2x128x128xf32, #tpu.memory_space<vmem>> -> memref<1x128x128xf32, #tpu.memory_space<vmem>>
      %dma_start3A_17 = tpu.memref_squeeze %dma_start3A_16 : memref<1x128x128xf32, #tpu.memory_space<vmem>> -> memref<128x128xf32, #tpu.memory_space<vmem>>
      %dma_start3A_18 = arith.constant 0 : i32
      %dma_start3A_19 = tpu.memref_slice %arg7[%dma_start3A, %dma_start3A_18] : memref<2x128xi32, #tpu.memory_space<vmem>> -> memref<1x128xi32, #tpu.memory_space<vmem>>
      %dma_start3A_20 = tpu.memref_squeeze %dma_start3A_19 : memref<1x128xi32, #tpu.memory_space<vmem>> -> memref<128xi32, #tpu.memory_space<vmem>>
      %dma_start3A_21 = arith.constant 0 : i32
      %dma_start3A_22 = arith.constant 0 : i32
      %dma_start3A_23 = tpu.memref_slice %arg2[%dma_start3A_21, %dma_start3A_22] : memref<10000x128xf32, #tpu.memory_space<hbm>> -> memref<10000x128xf32, #tpu.memory_space<hbm>>
      tpu.enqueue_indirect_dma source(%dma_start3A_23 : memref<10000x128xf32, #tpu.memory_space<hbm>>) target(%dma_start3A_17 : memref<128x128xf32, #tpu.memory_space<vmem>>) offsets(%dma_start3A_20 : memref<128xi32, #tpu.memory_space<vmem>>) semaphore(%arg11 : memref<!tpu.dma_semaphore, #tpu.memory_space<semaphore_mem>>)
      %dma_start3A_24 = arith.constant 0 : i32
      %dma_start3A_25 = arith.constant 0 : i32
      %dma_start3A_26 = arith.constant 0 : i32
      %dma_start3A_27 = arith.constant 0 : i32
      %dma_start3A_28 = tpu.memref_slice %arg10[%dma_start3A_25, %dma_start3A_26, %dma_start3A_27] : memref<2x128x128xf32, #tpu.memory_space<vmem>> -> memref<1x128x128xf32, #tpu.memory_space<vmem>>
      %dma_start3A_29 = tpu.memref_squeeze %dma_start3A_28 : memref<1x128x128xf32, #tpu.memory_space<vmem>> -> memref<128x128xf32, #tpu.memory_space<vmem>>
      %dma_start3A_30 = arith.constant 0 : i32
      %dma_start3A_31 = tpu.memref_slice %arg8[%dma_start3A_24, %dma_start3A_30] : memref<2x128xi32, #tpu.memory_space<vmem>> -> memref<1x128xi32, #tpu.memory_space<vmem>>
      %dma_start3A_32 = tpu.memref_squeeze %dma_start3A_31 : memref<1x128xi32, #tpu.memory_space<vmem>> -> memref<128xi32, #tpu.memory_space<vmem>>
      %dma_start3A_33 = arith.constant 0 : i32
      %dma_start3A_34 = arith.constant 0 : i32
      %dma_start3A_35 = tpu.memref_slice %arg3[%dma_start3A_33, %dma_start3A_34] : memref<10000x128xf32, #tpu.memory_space<hbm>> -> memref<10000x128xf32, #tpu.memory_space<hbm>>
      tpu.enqueue_indirect_dma source(%dma_start3A_35 : memref<10000x128xf32, #tpu.memory_space<hbm>>) target(%dma_start3A_29 : memref<128x128xf32, #tpu.memory_space<vmem>>) offsets(%dma_start3A_32 : memref<128xi32, #tpu.memory_space<vmem>>) semaphore(%arg13 : memref<!tpu.dma_semaphore, #tpu.memory_space<semaphore_mem>>)
    } else {
    }
    %scan3A = arith.constant 0 : i32
    %scan3A_5 = arith.constant 0 : i32
    %scan3A_6 = arith.constant 20 : i32
    %scan3A_7 = arith.addi %scan3A_5, %scan3A_6 : i32
    %scan3A_8 = arith.constant 1 : i32
    scf.for %scan3A_10 = %scan3A_5 to %scan3A_7 step %scan3A_8  : i32 {
      %mul3A_11 = arith.constant 2 : i32
      %mul3A_12 = arith.muli %mul3A_11, %scan3A_10 : i32
      %add3A_13 = arith.constant 1 : i32
      %add3A_14 = arith.addi %mul3A_12, %add3A_13 : i32
      %mul3A_15 = arith.constant 32 : i32
      %mul3A_16 = arith.muli %mul3A_15, %add3A_14 : i32
      %add3A_17 = arith.addi %add3A, %mul3A_16 : i32
      %lt3A_18 = arith.constant 1250 : i32
      %lt3A_19 = arith.cmpi slt, %add3A_17, %lt3A_18 : i32
      %convert_element_type3A_20 = arith.extui %lt3A_19 : i1 to i32
      %cond3A_21 = arith.constant 0 : i32
      %cond3A_22 = arith.cmpi ne, %convert_element_type3A_20, %cond3A_21 : i32
      scf.if %cond3A_22 {
        %mul3A_51 = arith.constant 128 : i32
        %mul3A_52 = arith.muli %add3A_17, %mul3A_51 : i32
        %run_scoped3A = arith.constant 1 : i32
        "tpu.region"() ({
          %run_scoped3A_77 = tpu.sem_alloc : memref<!tpu.dma_semaphore, #tpu.memory_space<semaphore_mem>>
          %dma_start3A_78 = arith.constant 0 : i32
          %dma_start3A_79 = tpu.memref_slice %arg7[%run_scoped3A, %dma_start3A_78] : memref<2x128xi32, #tpu.memory_space<vmem>> -> memref<1x128xi32, #tpu.memory_space<vmem>>
          %dma_start3A_80 = tpu.memref_squeeze %dma_start3A_79 : memref<1x128xi32, #tpu.memory_space<vmem>> -> memref<128xi32, #tpu.memory_space<vmem>>
          %dma_start3A_81 = tpu.memref_slice %arg4[%mul3A_52] : memref<160000xi32, #tpu.memory_space<hbm>> -> memref<128xi32, #tpu.memory_space<hbm>>
          %dma_start3A_82 = arith.constant 0 : i32
          %dma_start3A_83 = tpu.memref_slice %arg7[%run_scoped3A, %dma_start3A_82] : memref<2x128xi32, #tpu.memory_space<vmem>> -> memref<1x128xi32, #tpu.memory_space<vmem>>
          %dma_start3A_84 = tpu.memref_squeeze %dma_start3A_83 : memref<1x128xi32, #tpu.memory_space<vmem>> -> memref<128xi32, #tpu.memory_space<vmem>>
          %dma_start3A_85 = tpu.memref_slice %arg4[%mul3A_52] : memref<160000xi32, #tpu.memory_space<hbm>> -> memref<128xi32, #tpu.memory_space<hbm>>
          tpu.enqueue_dma source(%dma_start3A_85 : memref<128xi32, #tpu.memory_space<hbm>>) target(%dma_start3A_84 : memref<128xi32, #tpu.memory_space<vmem>>) target_semaphore(%run_scoped3A_77 : memref<!tpu.dma_semaphore, #tpu.memory_space<semaphore_mem>>)
          %dma_wait3A = arith.constant 0 : i32
          %dma_wait3A_86 = tpu.memref_slice %arg7[%run_scoped3A, %dma_wait3A] : memref<2x128xi32, #tpu.memory_space<vmem>> -> memref<1x128xi32, #tpu.memory_space<vmem>>
          %dma_wait3A_87 = tpu.memref_squeeze %dma_wait3A_86 : memref<1x128xi32, #tpu.memory_space<vmem>> -> memref<128xi32, #tpu.memory_space<vmem>>
          %dma_wait3A_88 = tpu.memref_slice %arg4[%mul3A_52] : memref<160000xi32, #tpu.memory_space<hbm>> -> memref<128xi32, #tpu.memory_space<hbm>>
          %dma_wait3A_89 = arith.constant 0 : i32
          %dma_wait3A_90 = tpu.memref_slice %arg7[%run_scoped3A, %dma_wait3A_89] : memref<2x128xi32, #tpu.memory_space<vmem>> -> memref<1x128xi32, #tpu.memory_space<vmem>>
          %dma_wait3A_91 = tpu.memref_squeeze %dma_wait3A_90 : memref<1x128xi32, #tpu.memory_space<vmem>> -> memref<128xi32, #tpu.memory_space<vmem>>
          %dma_wait3A_92 = tpu.memref_slice %arg4[%mul3A_52] : memref<160000xi32, #tpu.memory_space<hbm>> -> memref<128xi32, #tpu.memory_space<hbm>>
          tpu.wait_dma2 semaphore(%run_scoped3A_77 : memref<!tpu.dma_semaphore, #tpu.memory_space<semaphore_mem>>) src(%dma_wait3A_92 : memref<128xi32, #tpu.memory_space<hbm>>) dst(%dma_wait3A_91 : memref<128xi32, #tpu.memory_space<vmem>>)
          tpu.yield
        }) : () -> ()
        %run_scoped3A_53 = arith.constant 1 : i32
        "tpu.region"() ({
          %run_scoped3A_77 = tpu.sem_alloc : memref<!tpu.dma_semaphore, #tpu.memory_space<semaphore_mem>>
          %dma_start3A_78 = arith.constant 0 : i32
          %dma_start3A_79 = tpu.memref_slice %arg8[%run_scoped3A_53, %dma_start3A_78] : memref<2x128xi32, #tpu.memory_space<vmem>> -> memref<1x128xi32, #tpu.memory_space<vmem>>
          %dma_start3A_80 = tpu.memref_squeeze %dma_start3A_79 : memref<1x128xi32, #tpu.memory_space<vmem>> -> memref<128xi32, #tpu.memory_space<vmem>>
          %dma_start3A_81 = tpu.memref_slice %arg5[%mul3A_52] : memref<160000xi32, #tpu.memory_space<hbm>> -> memref<128xi32, #tpu.memory_space<hbm>>
          %dma_start3A_82 = arith.constant 0 : i32
          %dma_start3A_83 = tpu.memref_slice %arg8[%run_scoped3A_53, %dma_start3A_82] : memref<2x128xi32, #tpu.memory_space<vmem>> -> memref<1x128xi32, #tpu.memory_space<vmem>>
          %dma_start3A_84 = tpu.memref_squeeze %dma_start3A_83 : memref<1x128xi32, #tpu.memory_space<vmem>> -> memref<128xi32, #tpu.memory_space<vmem>>
          %dma_start3A_85 = tpu.memref_slice %arg5[%mul3A_52] : memref<160000xi32, #tpu.memory_space<hbm>> -> memref<128xi32, #tpu.memory_space<hbm>>
          tpu.enqueue_dma source(%dma_start3A_85 : memref<128xi32, #tpu.memory_space<hbm>>) target(%dma_start3A_84 : memref<128xi32, #tpu.memory_space<vmem>>) target_semaphore(%run_scoped3A_77 : memref<!tpu.dma_semaphore, #tpu.memory_space<semaphore_mem>>)
          %dma_wait3A = arith.constant 0 : i32
          %dma_wait3A_86 = tpu.memref_slice %arg8[%run_scoped3A_53, %dma_wait3A] : memref<2x128xi32, #tpu.memory_space<vmem>> -> memref<1x128xi32, #tpu.memory_space<vmem>>
          %dma_wait3A_87 = tpu.memref_squeeze %dma_wait3A_86 : memref<1x128xi32, #tpu.memory_space<vmem>> -> memref<128xi32, #tpu.memory_space<vmem>>
          %dma_wait3A_88 = tpu.memref_slice %arg5[%mul3A_52] : memref<160000xi32, #tpu.memory_space<hbm>> -> memref<128xi32, #tpu.memory_space<hbm>>
          %dma_wait3A_89 = arith.constant 0 : i32
          %dma_wait3A_90 = tpu.memref_slice %arg8[%run_scoped3A_53, %dma_wait3A_89] : memref<2x128xi32, #tpu.memory_space<vmem>> -> memref<1x128xi32, #tpu.memory_space<vmem>>
          %dma_wait3A_91 = tpu.memref_squeeze %dma_wait3A_90 : memref<1x128xi32, #tpu.memory_space<vmem>> -> memref<128xi32, #tpu.memory_space<vmem>>
          %dma_wait3A_92 = tpu.memref_slice %arg5[%mul3A_52] : memref<160000xi32, #tpu.memory_space<hbm>> -> memref<128xi32, #tpu.memory_space<hbm>>
          tpu.wait_dma2 semaphore(%run_scoped3A_77 : memref<!tpu.dma_semaphore, #tpu.memory_space<semaphore_mem>>) src(%dma_wait3A_92 : memref<128xi32, #tpu.memory_space<hbm>>) dst(%dma_wait3A_91 : memref<128xi32, #tpu.memory_space<vmem>>)
          tpu.yield
        }) : () -> ()
        %dma_start3A = arith.constant 1 : i32
        %dma_start3A_54 = arith.constant 1 : i32
        %dma_start3A_55 = arith.constant 0 : i32
        %dma_start3A_56 = arith.constant 0 : i32
        %dma_start3A_57 = tpu.memref_slice %arg9[%dma_start3A_54, %dma_start3A_55, %dma_start3A_56] : memref<2x128x128xf32, #tpu.memory_space<vmem>> -> memref<1x128x128xf32, #tpu.memory_space<vmem>>
        %dma_start3A_58 = tpu.memref_squeeze %dma_start3A_57 : memref<1x128x128xf32, #tpu.memory_space<vmem>> -> memref<128x128xf32, #tpu.memory_space<vmem>>
        %dma_start3A_59 = arith.constant 0 : i32
        %dma_start3A_60 = tpu.memref_slice %arg7[%dma_start3A, %dma_start3A_59] : memref<2x128xi32, #tpu.memory_space<vmem>> -> memref<1x128xi32, #tpu.memory_space<vmem>>
        %dma_start3A_61 = tpu.memref_squeeze %dma_start3A_60 : memref<1x128xi32, #tpu.memory_space<vmem>> -> memref<128xi32, #tpu.memory_space<vmem>>
        %dma_start3A_62 = arith.constant 0 : i32
        %dma_start3A_63 = arith.constant 0 : i32
        %dma_start3A_64 = tpu.memref_slice %arg2[%dma_start3A_62, %dma_start3A_63] : memref<10000x128xf32, #tpu.memory_space<hbm>> -> memref<10000x128xf32, #tpu.memory_space<hbm>>
        tpu.enqueue_indirect_dma source(%dma_start3A_64 : memref<10000x128xf32, #tpu.memory_space<hbm>>) target(%dma_start3A_58 : memref<128x128xf32, #tpu.memory_space<vmem>>) offsets(%dma_start3A_61 : memref<128xi32, #tpu.memory_space<vmem>>) semaphore(%arg12 : memref<!tpu.dma_semaphore, #tpu.memory_space<semaphore_mem>>)
        %dma_start3A_65 = arith.constant 1 : i32
        %dma_start3A_66 = arith.constant 1 : i32
        %dma_start3A_67 = arith.constant 0 : i32
        %dma_start3A_68 = arith.constant 0 : i32
        %dma_start3A_69 = tpu.memref_slice %arg10[%dma_start3A_66, %dma_start3A_67, %dma_start3A_68] : memref<2x128x128xf32, #tpu.memory_space<vmem>> -> memref<1x128x128xf32, #tpu.memory_space<vmem>>
        %dma_start3A_70 = tpu.memref_squeeze %dma_start3A_69 : memref<1x128x128xf32, #tpu.memory_space<vmem>> -> memref<128x128xf32, #tpu.memory_space<vmem>>
        %dma_start3A_71 = arith.constant 0 : i32
        %dma_start3A_72 = tpu.memref_slice %arg8[%dma_start3A_65, %dma_start3A_71] : memref<2x128xi32, #tpu.memory_space<vmem>> -> memref<1x128xi32, #tpu.memory_space<vmem>>
        %dma_start3A_73 = tpu.memref_squeeze %dma_start3A_72 : memref<1x128xi32, #tpu.memory_space<vmem>> -> memref<128xi32, #tpu.memory_space<vmem>>
        %dma_start3A_74 = arith.constant 0 : i32
        %dma_start3A_75 = arith.constant 0 : i32
        %dma_start3A_76 = tpu.memref_slice %arg3[%dma_start3A_74, %dma_start3A_75] : memref<10000x128xf32, #tpu.memory_space<hbm>> -> memref<10000x128xf32, #tpu.memory_space<hbm>>
        tpu.enqueue_indirect_dma source(%dma_start3A_76 : memref<10000x128xf32, #tpu.memory_space<hbm>>) target(%dma_start3A_70 : memref<128x128xf32, #tpu.memory_space<vmem>>) offsets(%dma_start3A_73 : memref<128xi32, #tpu.memory_space<vmem>>) semaphore(%arg14 : memref<!tpu.dma_semaphore, #tpu.memory_space<semaphore_mem>>)
      } else {
      }
      %mul3A_23 = arith.constant 32 : i32
      %mul3A_24 = arith.muli %mul3A_23, %mul3A_12 : i32
      %add3A_25 = arith.addi %add3A, %mul3A_24 : i32
      %lt3A_26 = arith.constant 1250 : i32
      %lt3A_27 = arith.cmpi slt, %add3A_25, %lt3A_26 : i32
      %convert_element_type3A_28 = arith.extui %lt3A_27 : i1 to i32
      %cond3A_29 = arith.constant 0 : i32
      %cond3A_30 = arith.cmpi ne, %convert_element_type3A_28, %cond3A_29 : i32
      scf.if %cond3A_30 {
        %mul3A_51 = arith.constant 128 : i32
        %mul3A_52 = arith.muli %add3A_25, %mul3A_51 : i32
        %dma_wait3A = arith.constant 0 : i32
        %dma_wait3A_53 = arith.constant 0 : i32
        %dma_wait3A_54 = arith.constant 0 : i32
        %dma_wait3A_55 = arith.constant 0 : i32
        %dma_wait3A_56 = tpu.memref_slice %arg9[%dma_wait3A_53, %dma_wait3A_54, %dma_wait3A_55] : memref<2x128x128xf32, #tpu.memory_space<vmem>> -> memref<1x128x128xf32, #tpu.memory_space<vmem>>
        %dma_wait3A_57 = tpu.memref_squeeze %dma_wait3A_56 : memref<1x128x128xf32, #tpu.memory_space<vmem>> -> memref<128x128xf32, #tpu.memory_space<vmem>>
        %dma_wait3A_58 = arith.constant 0 : i32
        %dma_wait3A_59 = tpu.memref_slice %arg7[%dma_wait3A, %dma_wait3A_58] : memref<2x128xi32, #tpu.memory_space<vmem>> -> memref<1x128xi32, #tpu.memory_space<vmem>>
        %dma_wait3A_60 = tpu.memref_squeeze %dma_wait3A_59 : memref<1x128xi32, #tpu.memory_space<vmem>> -> memref<128xi32, #tpu.memory_space<vmem>>
        %dma_wait3A_61 = arith.constant 0 : i32
        %dma_wait3A_62 = arith.constant 0 : i32
        %dma_wait3A_63 = tpu.memref_slice %arg2[%dma_wait3A_61, %dma_wait3A_62] : memref<10000x128xf32, #tpu.memory_space<hbm>> -> memref<10000x128xf32, #tpu.memory_space<hbm>>
        tpu.wait_indirect_dma semaphore(%arg11 : memref<!tpu.dma_semaphore, #tpu.memory_space<semaphore_mem>>) src(%dma_wait3A_63 : memref<10000x128xf32, #tpu.memory_space<hbm>>) dst(%dma_wait3A_57 : memref<128x128xf32, #tpu.memory_space<vmem>>)
        %dma_wait3A_64 = arith.constant 0 : i32
        %dma_wait3A_65 = arith.constant 0 : i32
        %dma_wait3A_66 = arith.constant 0 : i32
        %dma_wait3A_67 = arith.constant 0 : i32
        %dma_wait3A_68 = tpu.memref_slice %arg10[%dma_wait3A_65, %dma_wait3A_66, %dma_wait3A_67] : memref<2x128x128xf32, #tpu.memory_space<vmem>> -> memref<1x128x128xf32, #tpu.memory_space<vmem>>
        %dma_wait3A_69 = tpu.memref_squeeze %dma_wait3A_68 : memref<1x128x128xf32, #tpu.memory_space<vmem>> -> memref<128x128xf32, #tpu.memory_space<vmem>>
        %dma_wait3A_70 = arith.constant 0 : i32
        %dma_wait3A_71 = tpu.memref_slice %arg8[%dma_wait3A_64, %dma_wait3A_70] : memref<2x128xi32, #tpu.memory_space<vmem>> -> memref<1x128xi32, #tpu.memory_space<vmem>>
        %dma_wait3A_72 = tpu.memref_squeeze %dma_wait3A_71 : memref<1x128xi32, #tpu.memory_space<vmem>> -> memref<128xi32, #tpu.memory_space<vmem>>
        %dma_wait3A_73 = arith.constant 0 : i32
        %dma_wait3A_74 = arith.constant 0 : i32
        %dma_wait3A_75 = tpu.memref_slice %arg3[%dma_wait3A_73, %dma_wait3A_74] : memref<10000x128xf32, #tpu.memory_space<hbm>> -> memref<10000x128xf32, #tpu.memory_space<hbm>>
        tpu.wait_indirect_dma semaphore(%arg13 : memref<!tpu.dma_semaphore, #tpu.memory_space<semaphore_mem>>) src(%dma_wait3A_75 : memref<10000x128xf32, #tpu.memory_space<hbm>>) dst(%dma_wait3A_69 : memref<128x128xf32, #tpu.memory_space<vmem>>)
        %scan3A_76 = arith.constant 0 : i32
        %scan3A_77 = arith.constant 0 : i32
        %scan3A_78 = arith.constant 128 : i32
        %scan3A_79 = arith.addi %scan3A_77, %scan3A_78 : i32
        %scan3A_80 = arith.constant 1 : i32
        scf.for %scan3A_82 = %scan3A_77 to %scan3A_79 step %scan3A_80  : i32 {
          %get3A = arith.constant 0 : i32
          %get3A_83 = arith.index_cast %get3A : i32 to index
          %get3A_84 = arith.index_cast %scan3A_82 : i32 to index
          %get3A_85 = arith.constant 0 : index
          %get3A_86 = tpu.vector_load %arg9[%get3A_83, %get3A_84, %get3A_85] {strides = array<i32>} : memref<2x128x128xf32, #tpu.memory_space<vmem>>, vector<1x1x16xf32>,
          %get3A_87 = vector.shape_cast %get3A_86 : vector<1x1x16xf32> to vector<16xf32>
          %get3A_88 = arith.constant 0 : i32
          %get3A_89 = arith.index_cast %get3A_88 : i32 to index
          %get3A_90 = arith.index_cast %scan3A_82 : i32 to index
          %get3A_91 = arith.constant 0 : index
          %get3A_92 = tpu.vector_load %arg10[%get3A_89, %get3A_90, %get3A_91] {strides = array<i32>} : memref<2x128x128xf32, #tpu.memory_space<vmem>>, vector<1x1x16xf32>,
          %get3A_93 = vector.shape_cast %get3A_92 : vector<1x1x16xf32> to vector<16xf32>
          %add3A_94 = arith.addf %get3A_87, %get3A_93 : vector<16xf32>
          %swap3A = arith.constant 0 : i32
          %swap3A_95 = arith.index_cast %swap3A : i32 to index
          %swap3A_96 = arith.index_cast %scan3A_82 : i32 to index
          %swap3A_97 = arith.constant 0 : index
          %swap3A_98 = tpu.vector_load %arg9[%swap3A_95, %swap3A_96, %swap3A_97] {strides = array<i32>} : memref<2x128x128xf32, #tpu.memory_space<vmem>>, vector<1x1x16xf32>,
          %swap3A_99 = vector.shape_cast %swap3A_98 : vector<1x1x16xf32> to vector<16xf32>
          %swap3A_100 = vector.shape_cast %add3A_94 : vector<16xf32> to vector<1x1x16xf32>
          tpu.vector_store %arg9[%swap3A_95, %swap3A_96, %swap3A_97], %swap3A_100 {strides = array<i32>} : memref<2x128x128xf32, #tpu.memory_space<vmem>>, vector<1x1x16xf32>,
          %get3A_101 = arith.constant 0 : i32
          %get3A_102 = arith.index_cast %get3A_101 : i32 to index
          %get3A_103 = arith.index_cast %scan3A_82 : i32 to index
          %get3A_104 = arith.constant 16 : index
          %get3A_105 = tpu.vector_load %arg9[%get3A_102, %get3A_103, %get3A_104] {strides = array<i32>} : memref<2x128x128xf32, #tpu.memory_space<vmem>>, vector<1x1x16xf32>,
          %get3A_106 = vector.shape_cast %get3A_105 : vector<1x1x16xf32> to vector<16xf32>
          %get3A_107 = arith.constant 0 : i32
          %get3A_108 = arith.index_cast %get3A_107 : i32 to index
          %get3A_109 = arith.index_cast %scan3A_82 : i32 to index
          %get3A_110 = arith.constant 16 : index
          %get3A_111 = tpu.vector_load %arg10[%get3A_108, %get3A_109, %get3A_110] {strides = array<i32>} : memref<2x128x128xf32, #tpu.memory_space<vmem>>, vector<1x1x16xf32>,
          %get3A_112 = vector.shape_cast %get3A_111 : vector<1x1x16xf32> to vector<16xf32>
          %add3A_113 = arith.addf %get3A_106, %get3A_112 : vector<16xf32>
          %swap3A_114 = arith.constant 0 : i32
          %swap3A_115 = arith.index_cast %swap3A_114 : i32 to index
          %swap3A_116 = arith.index_cast %scan3A_82 : i32 to index
          %swap3A_117 = arith.constant 16 : index
          %swap3A_118 = tpu.vector_load %arg9[%swap3A_115, %swap3A_116, %swap3A_117] {strides = array<i32>} : memref<2x128x128xf32, #tpu.memory_space<vmem>>, vector<1x1x16xf32>,
          %swap3A_119 = vector.shape_cast %swap3A_118 : vector<1x1x16xf32> to vector<16xf32>
          %swap3A_120 = vector.shape_cast %add3A_113 : vector<16xf32> to vector<1x1x16xf32>
          tpu.vector_store %arg9[%swap3A_115, %swap3A_116, %swap3A_117], %swap3A_120 {strides = array<i32>} : memref<2x128x128xf32, #tpu.memory_space<vmem>>, vector<1x1x16xf32>,
          %get3A_121 = arith.constant 0 : i32
          %get3A_122 = arith.index_cast %get3A_121 : i32 to index
          %get3A_123 = arith.index_cast %scan3A_82 : i32 to index
          %get3A_124 = arith.constant 32 : index
          %get3A_125 = tpu.vector_load %arg9[%get3A_122, %get3A_123, %get3A_124] {strides = array<i32>} : memref<2x128x128xf32, #tpu.memory_space<vmem>>, vector<1x1x16xf32>,
          %get3A_126 = vector.shape_cast %get3A_125 : vector<1x1x16xf32> to vector<16xf32>
          %get3A_127 = arith.constant 0 : i32
          %get3A_128 = arith.index_cast %get3A_127 : i32 to index
          %get3A_129 = arith.index_cast %scan3A_82 : i32 to index
          %get3A_130 = arith.constant 32 : index
          %get3A_131 = tpu.vector_load %arg10[%get3A_128, %get3A_129, %get3A_130] {strides = array<i32>} : memref<2x128x128xf32, #tpu.memory_space<vmem>>, vector<1x1x16xf32>,
          %get3A_132 = vector.shape_cast %get3A_131 : vector<1x1x16xf32> to vector<16xf32>
          %add3A_133 = arith.addf %get3A_126, %get3A_132 : vector<16xf32>
          %swap3A_134 = arith.constant 0 : i32
          %swap3A_135 = arith.index_cast %swap3A_134 : i32 to index
          %swap3A_136 = arith.index_cast %scan3A_82 : i32 to index
          %swap3A_137 = arith.constant 32 : index
          %swap3A_138 = tpu.vector_load %arg9[%swap3A_135, %swap3A_136, %swap3A_137] {strides = array<i32>} : memref<2x128x128xf32, #tpu.memory_space<vmem>>, vector<1x1x16xf32>,
          %swap3A_139 = vector.shape_cast %swap3A_138 : vector<1x1x16xf32> to vector<16xf32>
          %swap3A_140 = vector.shape_cast %add3A_133 : vector<16xf32> to vector<1x1x16xf32>
          tpu.vector_store %arg9[%swap3A_135, %swap3A_136, %swap3A_137], %swap3A_140 {strides = array<i32>} : memref<2x128x128xf32, #tpu.memory_space<vmem>>, vector<1x1x16xf32>,
          %get3A_141 = arith.constant 0 : i32
          %get3A_142 = arith.index_cast %get3A_141 : i32 to index
          %get3A_143 = arith.index_cast %scan3A_82 : i32 to index
          %get3A_144 = arith.constant 48 : index
          %get3A_145 = tpu.vector_load %arg9[%get3A_142, %get3A_143, %get3A_144] {strides = array<i32>} : memref<2x128x128xf32, #tpu.memory_space<vmem>>, vector<1x1x16xf32>,
          %get3A_146 = vector.shape_cast %get3A_145 : vector<1x1x16xf32> to vector<16xf32>
          %get3A_147 = arith.constant 0 : i32
          %get3A_148 = arith.index_cast %get3A_147 : i32 to index
          %get3A_149 = arith.index_cast %scan3A_82 : i32 to index
          %get3A_150 = arith.constant 48 : index
          %get3A_151 = tpu.vector_load %arg10[%get3A_148, %get3A_149, %get3A_150] {strides = array<i32>} : memref<2x128x128xf32, #tpu.memory_space<vmem>>, vector<1x1x16xf32>,
          %get3A_152 = vector.shape_cast %get3A_151 : vector<1x1x16xf32> to vector<16xf32>
          %add3A_153 = arith.addf %get3A_146, %get3A_152 : vector<16xf32>
          %swap3A_154 = arith.constant 0 : i32
          %swap3A_155 = arith.index_cast %swap3A_154 : i32 to index
          %swap3A_156 = arith.index_cast %scan3A_82 : i32 to index
          %swap3A_157 = arith.constant 48 : index
          %swap3A_158 = tpu.vector_load %arg9[%swap3A_155, %swap3A_156, %swap3A_157] {strides = array<i32>} : memref<2x128x128xf32, #tpu.memory_space<vmem>>, vector<1x1x16xf32>,
          %swap3A_159 = vector.shape_cast %swap3A_158 : vector<1x1x16xf32> to vector<16xf32>
          %swap3A_160 = vector.shape_cast %add3A_153 : vector<16xf32> to vector<1x1x16xf32>
          tpu.vector_store %arg9[%swap3A_155, %swap3A_156, %swap3A_157], %swap3A_160 {strides = array<i32>} : memref<2x128x128xf32, #tpu.memory_space<vmem>>, vector<1x1x16xf32>,
        }
        %scan3A_81 = arith.constant 128 : i32
        %run_scoped3A = arith.constant 0 : i32
        "tpu.region"() ({
          %run_scoped3A_82 = tpu.sem_alloc : memref<!tpu.dma_semaphore, #tpu.memory_space<semaphore_mem>>
          %dma_start3A = arith.constant 0 : i32
          %dma_start3A_83 = arith.constant 0 : i32
          %dma_start3A_84 = tpu.memref_slice %arg9[%run_scoped3A, %dma_start3A, %dma_start3A_83] : memref<2x128x128xf32, #tpu.memory_space<vmem>> -> memref<1x128x128xf32, #tpu.memory_space<vmem>>
          %dma_start3A_85 = tpu.memref_squeeze %dma_start3A_84 : memref<1x128x128xf32, #tpu.memory_space<vmem>> -> memref<128x128xf32, #tpu.memory_space<vmem>>
          %dma_start3A_86 = arith.constant 0 : i32
          %dma_start3A_87 = tpu.memref_slice %arg6[%mul3A_52, %dma_start3A_86] : memref<160000x128xf32, #tpu.memory_space<hbm>> -> memref<128x128xf32, #tpu.memory_space<hbm>>
          %dma_start3A_88 = arith.constant 0 : i32
          %dma_start3A_89 = tpu.memref_slice %arg6[%mul3A_52, %dma_start3A_88] : memref<160000x128xf32, #tpu.memory_space<hbm>> -> memref<128x128xf32, #tpu.memory_space<hbm>>
          %dma_start3A_90 = arith.constant 0 : i32
          %dma_start3A_91 = arith.constant 0 : i32
          %dma_start3A_92 = tpu.memref_slice %arg9[%run_scoped3A, %dma_start3A_90, %dma_start3A_91] : memref<2x128x128xf32, #tpu.memory_space<vmem>> -> memref<1x128x128xf32, #tpu.memory_space<vmem>>
          %dma_start3A_93 = tpu.memref_squeeze %dma_start3A_92 : memref<1x128x128xf32, #tpu.memory_space<vmem>> -> memref<128x128xf32, #tpu.memory_space<vmem>>
          tpu.enqueue_dma source(%dma_start3A_93 : memref<128x128xf32, #tpu.memory_space<vmem>>) target(%dma_start3A_89 : memref<128x128xf32, #tpu.memory_space<hbm>>) target_semaphore(%run_scoped3A_82 : memref<!tpu.dma_semaphore, #tpu.memory_space<semaphore_mem>>)
          %dma_wait3A_94 = arith.constant 0 : i32
          %dma_wait3A_95 = arith.constant 0 : i32
          %dma_wait3A_96 = tpu.memref_slice %arg9[%run_scoped3A, %dma_wait3A_94, %dma_wait3A_95] : memref<2x128x128xf32, #tpu.memory_space<vmem>> -> memref<1x128x128xf32, #tpu.memory_space<vmem>>
          %dma_wait3A_97 = tpu.memref_squeeze %dma_wait3A_96 : memref<1x128x128xf32, #tpu.memory_space<vmem>> -> memref<128x128xf32, #tpu.memory_space<vmem>>
          %dma_wait3A_98 = arith.constant 0 : i32
          %dma_wait3A_99 = tpu.memref_slice %arg6[%mul3A_52, %dma_wait3A_98] : memref<160000x128xf32, #tpu.memory_space<hbm>> -> memref<128x128xf32, #tpu.memory_space<hbm>>
          %dma_wait3A_100 = arith.constant 0 : i32
          %dma_wait3A_101 = tpu.memref_slice %arg6[%mul3A_52, %dma_wait3A_100] : memref<160000x128xf32, #tpu.memory_space<hbm>> -> memref<128x128xf32, #tpu.memory_space<hbm>>
          %dma_wait3A_102 = arith.constant 0 : i32
          %dma_wait3A_103 = arith.constant 0 : i32
          %dma_wait3A_104 = tpu.memref_slice %arg9[%run_scoped3A, %dma_wait3A_102, %dma_wait3A_103] : memref<2x128x128xf32, #tpu.memory_space<vmem>> -> memref<1x128x128xf32, #tpu.memory_space<vmem>>
          %dma_wait3A_105 = tpu.memref_squeeze %dma_wait3A_104 : memref<1x128x128xf32, #tpu.memory_space<vmem>> -> memref<128x128xf32, #tpu.memory_space<vmem>>
          tpu.wait_dma2 semaphore(%run_scoped3A_82 : memref<!tpu.dma_semaphore, #tpu.memory_space<semaphore_mem>>) src(%dma_wait3A_105 : memref<128x128xf32, #tpu.memory_space<vmem>>) dst(%dma_wait3A_101 : memref<128x128xf32, #tpu.memory_space<hbm>>)
          tpu.yield
        }) : () -> ()
      } else {
      }
      %add3A_31 = arith.constant 2 : i32
      %add3A_32 = arith.addi %mul3A_12, %add3A_31 : i32
      %mul3A_33 = arith.constant 32 : i32
      %mul3A_34 = arith.muli %mul3A_33, %add3A_32 : i32
      %add3A_35 = arith.addi %add3A, %mul3A_34 : i32
      %lt3A_36 = arith.constant 1250 : i32
      %lt3A_37 = arith.cmpi slt, %add3A_35, %lt3A_36 : i32
      %convert_element_type3A_38 = arith.extui %lt3A_37 : i1 to i32
      %cond3A_39 = arith.constant 0 : i32
      %cond3A_40 = arith.cmpi ne, %convert_element_type3A_38, %cond3A_39 : i32
      scf.if %cond3A_40 {
        %mul3A_51 = arith.constant 128 : i32
        %mul3A_52 = arith.muli %add3A_35, %mul3A_51 : i32
        %run_scoped3A = arith.constant 0 : i32
        "tpu.region"() ({
          %run_scoped3A_77 = tpu.sem_alloc : memref<!tpu.dma_semaphore, #tpu.memory_space<semaphore_mem>>
          %dma_start3A_78 = arith.constant 0 : i32
          %dma_start3A_79 = tpu.memref_slice %arg7[%run_scoped3A, %dma_start3A_78] : memref<2x128xi32, #tpu.memory_space<vmem>> -> memref<1x128xi32, #tpu.memory_space<vmem>>
          %dma_start3A_80 = tpu.memref_squeeze %dma_start3A_79 : memref<1x128xi32, #tpu.memory_space<vmem>> -> memref<128xi32, #tpu.memory_space<vmem>>
          %dma_start3A_81 = tpu.memref_slice %arg4[%mul3A_52] : memref<160000xi32, #tpu.memory_space<hbm>> -> memref<128xi32, #tpu.memory_space<hbm>>
          %dma_start3A_82 = arith.constant 0 : i32
          %dma_start3A_83 = tpu.memref_slice %arg7[%run_scoped3A, %dma_start3A_82] : memref<2x128xi32, #tpu.memory_space<vmem>> -> memref<1x128xi32, #tpu.memory_space<vmem>>
          %dma_start3A_84 = tpu.memref_squeeze %dma_start3A_83 : memref<1x128xi32, #tpu.memory_space<vmem>> -> memref<128xi32, #tpu.memory_space<vmem>>
          %dma_start3A_85 = tpu.memref_slice %arg4[%mul3A_52] : memref<160000xi32, #tpu.memory_space<hbm>> -> memref<128xi32, #tpu.memory_space<hbm>>
          tpu.enqueue_dma source(%dma_start3A_85 : memref<128xi32, #tpu.memory_space<hbm>>) target(%dma_start3A_84 : memref<128xi32, #tpu.memory_space<vmem>>) target_semaphore(%run_scoped3A_77 : memref<!tpu.dma_semaphore, #tpu.memory_space<semaphore_mem>>)
          %dma_wait3A = arith.constant 0 : i32
          %dma_wait3A_86 = tpu.memref_slice %arg7[%run_scoped3A, %dma_wait3A] : memref<2x128xi32, #tpu.memory_space<vmem>> -> memref<1x128xi32, #tpu.memory_space<vmem>>
          %dma_wait3A_87 = tpu.memref_squeeze %dma_wait3A_86 : memref<1x128xi32, #tpu.memory_space<vmem>> -> memref<128xi32, #tpu.memory_space<vmem>>
          %dma_wait3A_88 = tpu.memref_slice %arg4[%mul3A_52] : memref<160000xi32, #tpu.memory_space<hbm>> -> memref<128xi32, #tpu.memory_space<hbm>>
          %dma_wait3A_89 = arith.constant 0 : i32
          %dma_wait3A_90 = tpu.memref_slice %arg7[%run_scoped3A, %dma_wait3A_89] : memref<2x128xi32, #tpu.memory_space<vmem>> -> memref<1x128xi32, #tpu.memory_space<vmem>>
          %dma_wait3A_91 = tpu.memref_squeeze %dma_wait3A_90 : memref<1x128xi32, #tpu.memory_space<vmem>> -> memref<128xi32, #tpu.memory_space<vmem>>
          %dma_wait3A_92 = tpu.memref_slice %arg4[%mul3A_52] : memref<160000xi32, #tpu.memory_space<hbm>> -> memref<128xi32, #tpu.memory_space<hbm>>
          tpu.wait_dma2 semaphore(%run_scoped3A_77 : memref<!tpu.dma_semaphore, #tpu.memory_space<semaphore_mem>>) src(%dma_wait3A_92 : memref<128xi32, #tpu.memory_space<hbm>>) dst(%dma_wait3A_91 : memref<128xi32, #tpu.memory_space<vmem>>)
          tpu.yield
        }) : () -> ()
        %run_scoped3A_53 = arith.constant 0 : i32
        "tpu.region"() ({
          %run_scoped3A_77 = tpu.sem_alloc : memref<!tpu.dma_semaphore, #tpu.memory_space<semaphore_mem>>
          %dma_start3A_78 = arith.constant 0 : i32
          %dma_start3A_79 = tpu.memref_slice %arg8[%run_scoped3A_53, %dma_start3A_78] : memref<2x128xi32, #tpu.memory_space<vmem>> -> memref<1x128xi32, #tpu.memory_space<vmem>>
          %dma_start3A_80 = tpu.memref_squeeze %dma_start3A_79 : memref<1x128xi32, #tpu.memory_space<vmem>> -> memref<128xi32, #tpu.memory_space<vmem>>
          %dma_start3A_81 = tpu.memref_slice %arg5[%mul3A_52] : memref<160000xi32, #tpu.memory_space<hbm>> -> memref<128xi32, #tpu.memory_space<hbm>>
          %dma_start3A_82 = arith.constant 0 : i32
          %dma_start3A_83 = tpu.memref_slice %arg8[%run_scoped3A_53, %dma_start3A_82] : memref<2x128xi32, #tpu.memory_space<vmem>> -> memref<1x128xi32, #tpu.memory_space<vmem>>
          %dma_start3A_84 = tpu.memref_squeeze %dma_start3A_83 : memref<1x128xi32, #tpu.memory_space<vmem>> -> memref<128xi32, #tpu.memory_space<vmem>>
          %dma_start3A_85 = tpu.memref_slice %arg5[%mul3A_52] : memref<160000xi32, #tpu.memory_space<hbm>> -> memref<128xi32, #tpu.memory_space<hbm>>
          tpu.enqueue_dma source(%dma_start3A_85 : memref<128xi32, #tpu.memory_space<hbm>>) target(%dma_start3A_84 : memref<128xi32, #tpu.memory_space<vmem>>) target_semaphore(%run_scoped3A_77 : memref<!tpu.dma_semaphore, #tpu.memory_space<semaphore_mem>>)
          %dma_wait3A = arith.constant 0 : i32
          %dma_wait3A_86 = tpu.memref_slice %arg8[%run_scoped3A_53, %dma_wait3A] : memref<2x128xi32, #tpu.memory_space<vmem>> -> memref<1x128xi32, #tpu.memory_space<vmem>>
          %dma_wait3A_87 = tpu.memref_squeeze %dma_wait3A_86 : memref<1x128xi32, #tpu.memory_space<vmem>> -> memref<128xi32, #tpu.memory_space<vmem>>
          %dma_wait3A_88 = tpu.memref_slice %arg5[%mul3A_52] : memref<160000xi32, #tpu.memory_space<hbm>> -> memref<128xi32, #tpu.memory_space<hbm>>
          %dma_wait3A_89 = arith.constant 0 : i32
          %dma_wait3A_90 = tpu.memref_slice %arg8[%run_scoped3A_53, %dma_wait3A_89] : memref<2x128xi32, #tpu.memory_space<vmem>> -> memref<1x128xi32, #tpu.memory_space<vmem>>
          %dma_wait3A_91 = tpu.memref_squeeze %dma_wait3A_90 : memref<1x128xi32, #tpu.memory_space<vmem>> -> memref<128xi32, #tpu.memory_space<vmem>>
          %dma_wait3A_92 = tpu.memref_slice %arg5[%mul3A_52] : memref<160000xi32, #tpu.memory_space<hbm>> -> memref<128xi32, #tpu.memory_space<hbm>>
          tpu.wait_dma2 semaphore(%run_scoped3A_77 : memref<!tpu.dma_semaphore, #tpu.memory_space<semaphore_mem>>) src(%dma_wait3A_92 : memref<128xi32, #tpu.memory_space<hbm>>) dst(%dma_wait3A_91 : memref<128xi32, #tpu.memory_space<vmem>>)
          tpu.yield
        }) : () -> ()
        %dma_start3A = arith.constant 0 : i32
        %dma_start3A_54 = arith.constant 0 : i32
        %dma_start3A_55 = arith.constant 0 : i32
        %dma_start3A_56 = arith.constant 0 : i32
        %dma_start3A_57 = tpu.memref_slice %arg9[%dma_start3A_54, %dma_start3A_55, %dma_start3A_56] : memref<2x128x128xf32, #tpu.memory_space<vmem>> -> memref<1x128x128xf32, #tpu.memory_space<vmem>>
        %dma_start3A_58 = tpu.memref_squeeze %dma_start3A_57 : memref<1x128x128xf32, #tpu.memory_space<vmem>> -> memref<128x128xf32, #tpu.memory_space<vmem>>
        %dma_start3A_59 = arith.constant 0 : i32
        %dma_start3A_60 = tpu.memref_slice %arg7[%dma_start3A, %dma_start3A_59] : memref<2x128xi32, #tpu.memory_space<vmem>> -> memref<1x128xi32, #tpu.memory_space<vmem>>
        %dma_start3A_61 = tpu.memref_squeeze %dma_start3A_60 : memref<1x128xi32, #tpu.memory_space<vmem>> -> memref<128xi32, #tpu.memory_space<vmem>>
        %dma_start3A_62 = arith.constant 0 : i32
        %dma_start3A_63 = arith.constant 0 : i32
        %dma_start3A_64 = tpu.memref_slice %arg2[%dma_start3A_62, %dma_start3A_63] : memref<10000x128xf32, #tpu.memory_space<hbm>> -> memref<10000x128xf32, #tpu.memory_space<hbm>>
        tpu.enqueue_indirect_dma source(%dma_start3A_64 : memref<10000x128xf32, #tpu.memory_space<hbm>>) target(%dma_start3A_58 : memref<128x128xf32, #tpu.memory_space<vmem>>) offsets(%dma_start3A_61 : memref<128xi32, #tpu.memory_space<vmem>>) semaphore(%arg11 : memref<!tpu.dma_semaphore, #tpu.memory_space<semaphore_mem>>)
        %dma_start3A_65 = arith.constant 0 : i32
        %dma_start3A_66 = arith.constant 0 : i32
        %dma_start3A_67 = arith.constant 0 : i32
        %dma_start3A_68 = arith.constant 0 : i32
        %dma_start3A_69 = tpu.memref_slice %arg10[%dma_start3A_66, %dma_start3A_67, %dma_start3A_68] : memref<2x128x128xf32, #tpu.memory_space<vmem>> -> memref<1x128x128xf32, #tpu.memory_space<vmem>>
        %dma_start3A_70 = tpu.memref_squeeze %dma_start3A_69 : memref<1x128x128xf32, #tpu.memory_space<vmem>> -> memref<128x128xf32, #tpu.memory_space<vmem>>
        %dma_start3A_71 = arith.constant 0 : i32
        %dma_start3A_72 = tpu.memref_slice %arg8[%dma_start3A_65, %dma_start3A_71] : memref<2x128xi32, #tpu.memory_space<vmem>> -> memref<1x128xi32, #tpu.memory_space<vmem>>
        %dma_start3A_73 = tpu.memref_squeeze %dma_start3A_72 : memref<1x128xi32, #tpu.memory_space<vmem>> -> memref<128xi32, #tpu.memory_space<vmem>>
        %dma_start3A_74 = arith.constant 0 : i32
        %dma_start3A_75 = arith.constant 0 : i32
        %dma_start3A_76 = tpu.memref_slice %arg3[%dma_start3A_74, %dma_start3A_75] : memref<10000x128xf32, #tpu.memory_space<hbm>> -> memref<10000x128xf32, #tpu.memory_space<hbm>>
        tpu.enqueue_indirect_dma source(%dma_start3A_76 : memref<10000x128xf32, #tpu.memory_space<hbm>>) target(%dma_start3A_70 : memref<128x128xf32, #tpu.memory_space<vmem>>) offsets(%dma_start3A_73 : memref<128xi32, #tpu.memory_space<vmem>>) semaphore(%arg13 : memref<!tpu.dma_semaphore, #tpu.memory_space<semaphore_mem>>)
      } else {
      }
      %add3A_41 = arith.constant 1 : i32
      %add3A_42 = arith.addi %mul3A_12, %add3A_41 : i32
      %mul3A_43 = arith.constant 32 : i32
      %mul3A_44 = arith.muli %mul3A_43, %add3A_42 : i32
      %add3A_45 = arith.addi %add3A, %mul3A_44 : i32
      %lt3A_46 = arith.constant 1250 : i32
      %lt3A_47 = arith.cmpi slt, %add3A_45, %lt3A_46 : i32
      %convert_element_type3A_48 = arith.extui %lt3A_47 : i1 to i32
      %cond3A_49 = arith.constant 0 : i32
      %cond3A_50 = arith.cmpi ne, %convert_element_type3A_48, %cond3A_49 : i32
      scf.if %cond3A_50 {
        %mul3A_51 = arith.constant 128 : i32
        %mul3A_52 = arith.muli %add3A_45, %mul3A_51 : i32
        %dma_wait3A = arith.constant 1 : i32
        %dma_wait3A_53 = arith.constant 1 : i32
        %dma_wait3A_54 = arith.constant 0 : i32
        %dma_wait3A_55 = arith.constant 0 : i32
        %dma_wait3A_56 = tpu.memref_slice %arg9[%dma_wait3A_53, %dma_wait3A_54, %dma_wait3A_55] : memref<2x128x128xf32, #tpu.memory_space<vmem>> -> memref<1x128x128xf32, #tpu.memory_space<vmem>>
        %dma_wait3A_57 = tpu.memref_squeeze %dma_wait3A_56 : memref<1x128x128xf32, #tpu.memory_space<vmem>> -> memref<128x128xf32, #tpu.memory_space<vmem>>
        %dma_wait3A_58 = arith.constant 0 : i32
        %dma_wait3A_59 = tpu.memref_slice %arg7[%dma_wait3A, %dma_wait3A_58] : memref<2x128xi32, #tpu.memory_space<vmem>> -> memref<1x128xi32, #tpu.memory_space<vmem>>
        %dma_wait3A_60 = tpu.memref_squeeze %dma_wait3A_59 : memref<1x128xi32, #tpu.memory_space<vmem>> -> memref<128xi32, #tpu.memory_space<vmem>>
        %dma_wait3A_61 = arith.constant 0 : i32
        %dma_wait3A_62 = arith.constant 0 : i32
        %dma_wait3A_63 = tpu.memref_slice %arg2[%dma_wait3A_61, %dma_wait3A_62] : memref<10000x128xf32, #tpu.memory_space<hbm>> -> memref<10000x128xf32, #tpu.memory_space<hbm>>
        tpu.wait_indirect_dma semaphore(%arg12 : memref<!tpu.dma_semaphore, #tpu.memory_space<semaphore_mem>>) src(%dma_wait3A_63 : memref<10000x128xf32, #tpu.memory_space<hbm>>) dst(%dma_wait3A_57 : memref<128x128xf32, #tpu.memory_space<vmem>>)
        %dma_wait3A_64 = arith.constant 1 : i32
        %dma_wait3A_65 = arith.constant 1 : i32
        %dma_wait3A_66 = arith.constant 0 : i32
        %dma_wait3A_67 = arith.constant 0 : i32
        %dma_wait3A_68 = tpu.memref_slice %arg10[%dma_wait3A_65, %dma_wait3A_66, %dma_wait3A_67] : memref<2x128x128xf32, #tpu.memory_space<vmem>> -> memref<1x128x128xf32, #tpu.memory_space<vmem>>
        %dma_wait3A_69 = tpu.memref_squeeze %dma_wait3A_68 : memref<1x128x128xf32, #tpu.memory_space<vmem>> -> memref<128x128xf32, #tpu.memory_space<vmem>>
        %dma_wait3A_70 = arith.constant 0 : i32
        %dma_wait3A_71 = tpu.memref_slice %arg8[%dma_wait3A_64, %dma_wait3A_70] : memref<2x128xi32, #tpu.memory_space<vmem>> -> memref<1x128xi32, #tpu.memory_space<vmem>>
        %dma_wait3A_72 = tpu.memref_squeeze %dma_wait3A_71 : memref<1x128xi32, #tpu.memory_space<vmem>> -> memref<128xi32, #tpu.memory_space<vmem>>
        %dma_wait3A_73 = arith.constant 0 : i32
        %dma_wait3A_74 = arith.constant 0 : i32
        %dma_wait3A_75 = tpu.memref_slice %arg3[%dma_wait3A_73, %dma_wait3A_74] : memref<10000x128xf32, #tpu.memory_space<hbm>> -> memref<10000x128xf32, #tpu.memory_space<hbm>>
        tpu.wait_indirect_dma semaphore(%arg14 : memref<!tpu.dma_semaphore, #tpu.memory_space<semaphore_mem>>) src(%dma_wait3A_75 : memref<10000x128xf32, #tpu.memory_space<hbm>>) dst(%dma_wait3A_69 : memref<128x128xf32, #tpu.memory_space<vmem>>)
        %scan3A_76 = arith.constant 0 : i32
        %scan3A_77 = arith.constant 0 : i32
        %scan3A_78 = arith.constant 128 : i32
        %scan3A_79 = arith.addi %scan3A_77, %scan3A_78 : i32
        %scan3A_80 = arith.constant 1 : i32
        scf.for %scan3A_82 = %scan3A_77 to %scan3A_79 step %scan3A_80  : i32 {
          %get3A = arith.constant 1 : i32
          %get3A_83 = arith.index_cast %get3A : i32 to index
          %get3A_84 = arith.index_cast %scan3A_82 : i32 to index
          %get3A_85 = arith.constant 0 : index
          %get3A_86 = tpu.vector_load %arg9[%get3A_83, %get3A_84, %get3A_85] {strides = array<i32>} : memref<2x128x128xf32, #tpu.memory_space<vmem>>, vector<1x1x16xf32>,
          %get3A_87 = vector.shape_cast %get3A_86 : vector<1x1x16xf32> to vector<16xf32>
          %get3A_88 = arith.constant 1 : i32
          %get3A_89 = arith.index_cast %get3A_88 : i32 to index
          %get3A_90 = arith.index_cast %scan3A_82 : i32 to index
          %get3A_91 = arith.constant 0 : index
          %get3A_92 = tpu.vector_load %arg10[%get3A_89, %get3A_90, %get3A_91] {strides = array<i32>} : memref<2x128x128xf32, #tpu.memory_space<vmem>>, vector<1x1x16xf32>,
          %get3A_93 = vector.shape_cast %get3A_92 : vector<1x1x16xf32> to vector<16xf32>
          %add3A_94 = arith.addf %get3A_87, %get3A_93 : vector<16xf32>
          %swap3A = arith.constant 1 : i32
          %swap3A_95 = arith.index_cast %swap3A : i32 to index
          %swap3A_96 = arith.index_cast %scan3A_82 : i32 to index
          %swap3A_97 = arith.constant 0 : index
          %swap3A_98 = tpu.vector_load %arg9[%swap3A_95, %swap3A_96, %swap3A_97] {strides = array<i32>} : memref<2x128x128xf32, #tpu.memory_space<vmem>>, vector<1x1x16xf32>,
          %swap3A_99 = vector.shape_cast %swap3A_98 : vector<1x1x16xf32> to vector<16xf32>
          %swap3A_100 = vector.shape_cast %add3A_94 : vector<16xf32> to vector<1x1x16xf32>
          tpu.vector_store %arg9[%swap3A_95, %swap3A_96, %swap3A_97], %swap3A_100 {strides = array<i32>} : memref<2x128x128xf32, #tpu.memory_space<vmem>>, vector<1x1x16xf32>,
          %get3A_101 = arith.constant 1 : i32
          %get3A_102 = arith.index_cast %get3A_101 : i32 to index
          %get3A_103 = arith.index_cast %scan3A_82 : i32 to index
          %get3A_104 = arith.constant 16 : index
          %get3A_105 = tpu.vector_load %arg9[%get3A_102, %get3A_103, %get3A_104] {strides = array<i32>} : memref<2x128x128xf32, #tpu.memory_space<vmem>>, vector<1x1x16xf32>,
          %get3A_106 = vector.shape_cast %get3A_105 : vector<1x1x16xf32> to vector<16xf32>
          %get3A_107 = arith.constant 1 : i32
          %get3A_108 = arith.index_cast %get3A_107 : i32 to index
          %get3A_109 = arith.index_cast %scan3A_82 : i32 to index
          %get3A_110 = arith.constant 16 : index
          %get3A_111 = tpu.vector_load %arg10[%get3A_108, %get3A_109, %get3A_110] {strides = array<i32>} : memref<2x128x128xf32, #tpu.memory_space<vmem>>, vector<1x1x16xf32>,
          %get3A_112 = vector.shape_cast %get3A_111 : vector<1x1x16xf32> to vector<16xf32>
          %add3A_113 = arith.addf %get3A_106, %get3A_112 : vector<16xf32>
          %swap3A_114 = arith.constant 1 : i32
          %swap3A_115 = arith.index_cast %swap3A_114 : i32 to index
          %swap3A_116 = arith.index_cast %scan3A_82 : i32 to index
          %swap3A_117 = arith.constant 16 : index
          %swap3A_118 = tpu.vector_load %arg9[%swap3A_115, %swap3A_116, %swap3A_117] {strides = array<i32>} : memref<2x128x128xf32, #tpu.memory_space<vmem>>, vector<1x1x16xf32>,
          %swap3A_119 = vector.shape_cast %swap3A_118 : vector<1x1x16xf32> to vector<16xf32>
          %swap3A_120 = vector.shape_cast %add3A_113 : vector<16xf32> to vector<1x1x16xf32>
          tpu.vector_store %arg9[%swap3A_115, %swap3A_116, %swap3A_117], %swap3A_120 {strides = array<i32>} : memref<2x128x128xf32, #tpu.memory_space<vmem>>, vector<1x1x16xf32>,
          %get3A_121 = arith.constant 1 : i32
          %get3A_122 = arith.index_cast %get3A_121 : i32 to index
          %get3A_123 = arith.index_cast %scan3A_82 : i32 to index
          %get3A_124 = arith.constant 32 : index
          %get3A_125 = tpu.vector_load %arg9[%get3A_122, %get3A_123, %get3A_124] {strides = array<i32>} : memref<2x128x128xf32, #tpu.memory_space<vmem>>, vector<1x1x16xf32>,
          %get3A_126 = vector.shape_cast %get3A_125 : vector<1x1x16xf32> to vector<16xf32>
          %get3A_127 = arith.constant 1 : i32
          %get3A_128 = arith.index_cast %get3A_127 : i32 to index
          %get3A_129 = arith.index_cast %scan3A_82 : i32 to index
          %get3A_130 = arith.constant 32 : index
          %get3A_131 = tpu.vector_load %arg10[%get3A_128, %get3A_129, %get3A_130] {strides = array<i32>} : memref<2x128x128xf32, #tpu.memory_space<vmem>>, vector<1x1x16xf32>,
          %get3A_132 = vector.shape_cast %get3A_131 : vector<1x1x16xf32> to vector<16xf32>
          %add3A_133 = arith.addf %get3A_126, %get3A_132 : vector<16xf32>
          %swap3A_134 = arith.constant 1 : i32
          %swap3A_135 = arith.index_cast %swap3A_134 : i32 to index
          %swap3A_136 = arith.index_cast %scan3A_82 : i32 to index
          %swap3A_137 = arith.constant 32 : index
          %swap3A_138 = tpu.vector_load %arg9[%swap3A_135, %swap3A_136, %swap3A_137] {strides = array<i32>} : memref<2x128x128xf32, #tpu.memory_space<vmem>>, vector<1x1x16xf32>,
          %swap3A_139 = vector.shape_cast %swap3A_138 : vector<1x1x16xf32> to vector<16xf32>
          %swap3A_140 = vector.shape_cast %add3A_133 : vector<16xf32> to vector<1x1x16xf32>
          tpu.vector_store %arg9[%swap3A_135, %swap3A_136, %swap3A_137], %swap3A_140 {strides = array<i32>} : memref<2x128x128xf32, #tpu.memory_space<vmem>>, vector<1x1x16xf32>,
          %get3A_141 = arith.constant 1 : i32
          %get3A_142 = arith.index_cast %get3A_141 : i32 to index
          %get3A_143 = arith.index_cast %scan3A_82 : i32 to index
          %get3A_144 = arith.constant 48 : index
          %get3A_145 = tpu.vector_load %arg9[%get3A_142, %get3A_143, %get3A_144] {strides = array<i32>} : memref<2x128x128xf32, #tpu.memory_space<vmem>>, vector<1x1x16xf32>,
          %get3A_146 = vector.shape_cast %get3A_145 : vector<1x1x16xf32> to vector<16xf32>
          %get3A_147 = arith.constant 1 : i32
          %get3A_148 = arith.index_cast %get3A_147 : i32 to index
          %get3A_149 = arith.index_cast %scan3A_82 : i32 to index
          %get3A_150 = arith.constant 48 : index
          %get3A_151 = tpu.vector_load %arg10[%get3A_148, %get3A_149, %get3A_150] {strides = array<i32>} : memref<2x128x128xf32, #tpu.memory_space<vmem>>, vector<1x1x16xf32>,
          %get3A_152 = vector.shape_cast %get3A_151 : vector<1x1x16xf32> to vector<16xf32>
          %add3A_153 = arith.addf %get3A_146, %get3A_152 : vector<16xf32>
          %swap3A_154 = arith.constant 1 : i32
          %swap3A_155 = arith.index_cast %swap3A_154 : i32 to index
          %swap3A_156 = arith.index_cast %scan3A_82 : i32 to index
          %swap3A_157 = arith.constant 48 : index
          %swap3A_158 = tpu.vector_load %arg9[%swap3A_155, %swap3A_156, %swap3A_157] {strides = array<i32>} : memref<2x128x128xf32, #tpu.memory_space<vmem>>, vector<1x1x16xf32>,
          %swap3A_159 = vector.shape_cast %swap3A_158 : vector<1x1x16xf32> to vector<16xf32>
          %swap3A_160 = vector.shape_cast %add3A_153 : vector<16xf32> to vector<1x1x16xf32>
          tpu.vector_store %arg9[%swap3A_155, %swap3A_156, %swap3A_157], %swap3A_160 {strides = array<i32>} : memref<2x128x128xf32, #tpu.memory_space<vmem>>, vector<1x1x16xf32>,
        }
        %scan3A_81 = arith.constant 128 : i32
        %run_scoped3A = arith.constant 1 : i32
        "tpu.region"() ({
          %run_scoped3A_82 = tpu.sem_alloc : memref<!tpu.dma_semaphore, #tpu.memory_space<semaphore_mem>>
          %dma_start3A = arith.constant 0 : i32
          %dma_start3A_83 = arith.constant 0 : i32
          %dma_start3A_84 = tpu.memref_slice %arg9[%run_scoped3A, %dma_start3A, %dma_start3A_83] : memref<2x128x128xf32, #tpu.memory_space<vmem>> -> memref<1x128x128xf32, #tpu.memory_space<vmem>>
          %dma_start3A_85 = tpu.memref_squeeze %dma_start3A_84 : memref<1x128x128xf32, #tpu.memory_space<vmem>> -> memref<128x128xf32, #tpu.memory_space<vmem>>
          %dma_start3A_86 = arith.constant 0 : i32
          %dma_start3A_87 = tpu.memref_slice %arg6[%mul3A_52, %dma_start3A_86] : memref<160000x128xf32, #tpu.memory_space<hbm>> -> memref<128x128xf32, #tpu.memory_space<hbm>>
          %dma_start3A_88 = arith.constant 0 : i32
          %dma_start3A_89 = tpu.memref_slice %arg6[%mul3A_52, %dma_start3A_88] : memref<160000x128xf32, #tpu.memory_space<hbm>> -> memref<128x128xf32, #tpu.memory_space<hbm>>
          %dma_start3A_90 = arith.constant 0 : i32
          %dma_start3A_91 = arith.constant 0 : i32
          %dma_start3A_92 = tpu.memref_slice %arg9[%run_scoped3A, %dma_start3A_90, %dma_start3A_91] : memref<2x128x128xf32, #tpu.memory_space<vmem>> -> memref<1x128x128xf32, #tpu.memory_space<vmem>>
          %dma_start3A_93 = tpu.memref_squeeze %dma_start3A_92 : memref<1x128x128xf32, #tpu.memory_space<vmem>> -> memref<128x128xf32, #tpu.memory_space<vmem>>
          tpu.enqueue_dma source(%dma_start3A_93 : memref<128x128xf32, #tpu.memory_space<vmem>>) target(%dma_start3A_89 : memref<128x128xf32, #tpu.memory_space<hbm>>) target_semaphore(%run_scoped3A_82 : memref<!tpu.dma_semaphore, #tpu.memory_space<semaphore_mem>>)
          %dma_wait3A_94 = arith.constant 0 : i32
          %dma_wait3A_95 = arith.constant 0 : i32
          %dma_wait3A_96 = tpu.memref_slice %arg9[%run_scoped3A, %dma_wait3A_94, %dma_wait3A_95] : memref<2x128x128xf32, #tpu.memory_space<vmem>> -> memref<1x128x128xf32, #tpu.memory_space<vmem>>
          %dma_wait3A_97 = tpu.memref_squeeze %dma_wait3A_96 : memref<1x128x128xf32, #tpu.memory_space<vmem>> -> memref<128x128xf32, #tpu.memory_space<vmem>>
          %dma_wait3A_98 = arith.constant 0 : i32
          %dma_wait3A_99 = tpu.memref_slice %arg6[%mul3A_52, %dma_wait3A_98] : memref<160000x128xf32, #tpu.memory_space<hbm>> -> memref<128x128xf32, #tpu.memory_space<hbm>>
          %dma_wait3A_100 = arith.constant 0 : i32
          %dma_wait3A_101 = tpu.memref_slice %arg6[%mul3A_52, %dma_wait3A_100] : memref<160000x128xf32, #tpu.memory_space<hbm>> -> memref<128x128xf32, #tpu.memory_space<hbm>>
          %dma_wait3A_102 = arith.constant 0 : i32
          %dma_wait3A_103 = arith.constant 0 : i32
          %dma_wait3A_104 = tpu.memref_slice %arg9[%run_scoped3A, %dma_wait3A_102, %dma_wait3A_103] : memref<2x128x128xf32, #tpu.memory_space<vmem>> -> memref<1x128x128xf32, #tpu.memory_space<vmem>>
          %dma_wait3A_105 = tpu.memref_squeeze %dma_wait3A_104 : memref<1x128x128xf32, #tpu.memory_space<vmem>> -> memref<128x128xf32, #tpu.memory_space<vmem>>
          tpu.wait_dma2 semaphore(%run_scoped3A_82 : memref<!tpu.dma_semaphore, #tpu.memory_space<semaphore_mem>>) src(%dma_wait3A_105 : memref<128x128xf32, #tpu.memory_space<vmem>>) dst(%dma_wait3A_101 : memref<128x128xf32, #tpu.memory_space<hbm>>)
          tpu.yield
        }) : () -> ()
      } else {
      }
    }
    %scan3A_9 = arith.constant 20 : i32
    return
  }
}

module attributes {stable_mosaic.version = 14 : i64} {
  func.func @_k1_body(%arg0: i32, %arg1: memref<2000x128xf32, #tpu.memory_space<vmem>>, %arg2: memref<1x1x2000xi32, #tpu.memory_space<vmem>>, %arg3: memref<16x16xf32, #tpu.memory_space<vmem>>, %arg4: memref<288x64xf32, #tpu.memory_space<vmem>>, %arg5: memref<1x64xf32, #tpu.memory_space<vmem>>, %arg6: memref<192x64xf32, #tpu.memory_space<vmem>>, %arg7: memref<1x64xf32, #tpu.memory_space<vmem>>, %arg8: memref<2000x128xf32, #tpu.memory_space<vmem>>, %arg9: memref<2000x128xf32, #tpu.memory_space<vmem>>) attributes {dimension_semantics = [#tpu.dimension_semantics<arbitrary>], iteration_bounds = array<i64: 5>, scalar_prefetch = 0 : i64, scratch_operands = 0 : i64, tpu.core_type = #tpu.core_type<tc>, window_params = [{transform_indices = @transform_0, window_bounds = array<i64: 2000, 128>}, {transform_indices = @transform_1, window_bounds = array<i64: 1, 1, 2000>}, {pipeline_mode = #tpu.pipeline_mode<synchronous>, transform_indices = @transform_2, window_bounds = array<i64: 16, 16>}, {pipeline_mode = #tpu.pipeline_mode<synchronous>, transform_indices = @transform_3, window_bounds = array<i64: 288, 64>}, {pipeline_mode = #tpu.pipeline_mode<synchronous>, transform_indices = @transform_4, window_bounds = array<i64: 1, 64>}, {pipeline_mode = #tpu.pipeline_mode<synchronous>, transform_indices = @transform_5, window_bounds = array<i64: 192, 64>}, {pipeline_mode = #tpu.pipeline_mode<synchronous>, transform_indices = @transform_6, window_bounds = array<i64: 1, 64>}, {transform_indices = @transform_7, window_bounds = array<i64: 2000, 128>}, {transform_indices = @transform_8, window_bounds = array<i64: 2000, 128>}]} {
    %get3A = arith.constant 0 : index
    %get3A_0 = arith.constant 0 : index
    %get3A_1 = vector.load %arg1[%get3A, %get3A_0] : memref<2000x128xf32, #tpu.memory_space<vmem>>, vector<2000x128xf32>
    %get3A_2 = arith.constant 0 : index
    %get3A_3 = arith.constant 0 : index
    %get3A_4 = arith.constant 0 : index
    %get3A_5 = vector.load %arg2[%get3A_2, %get3A_3, %get3A_4] : memref<1x1x2000xi32, #tpu.memory_space<vmem>>, vector<1x1x2000xi32>
    %get3A_6 = vector.shape_cast %get3A_5 : vector<1x1x2000xi32> to vector<2000xi32>
    %broadcast_in_dim3A = vector.shape_cast %get3A_6 : vector<2000xi32> to vector<2000x1xi32>
    %iota3A = tpu.iota {dimensions = array<i32: 1>} : vector<2000x16xi32>
    %eq3A = vector.broadcast %broadcast_in_dim3A : vector<2000x1xi32> to vector<2000x16xi32>
    %eq3A_7 = arith.cmpi eq, %eq3A, %iota3A : vector<2000x16xi32>
    %convert_element_type3A = arith.extui %eq3A_7 : vector<2000x16xi1> to vector<2000x16xi32>
    %convert_element_type3A_8 = arith.sitofp %convert_element_type3A : vector<2000x16xi32> to vector<2000x16xf32>
    %get3A_9 = arith.constant 0 : index
    %get3A_10 = arith.constant 0 : index
    %get3A_11 = vector.load %arg3[%get3A_9, %get3A_10] : memref<16x16xf32, #tpu.memory_space<vmem>>, vector<16x16xf32>
    %get3A_12 = arith.constant 272 : index
    %get3A_13 = arith.constant 0 : index
    %get3A_14 = vector.load %arg4[%get3A_12, %get3A_13] : memref<288x64xf32, #tpu.memory_space<vmem>>, vector<16x64xf32>
    %dot_general3A = arith.constant dense<0.000000e+00> : vector<16x64xf32>
    %dot_general3A_15 = tpu.matmul %get3A_11, %get3A_14, %dot_general3A {dimension_numbers = #tpu.dot_dimension_numbers<[1], [0], [0], [1], [0, 0, 1, 1], [], []>, transpose_lhs_hint = false} : vector<16x16xf32>, vector<16x64xf32>, vector<16x64xf32> -> vector<16x64xf32>
    %get3A_16 = arith.constant 0 : index
    %get3A_17 = arith.constant 0 : index
    %get3A_18 = vector.load %arg4[%get3A_16, %get3A_17] : memref<288x64xf32, #tpu.memory_space<vmem>>, vector<128x64xf32>
    %dot_general3A_19 = arith.constant dense<0.000000e+00> : vector<2000x64xf32>
    %dot_general3A_20 = tpu.matmul %get3A_1, %get3A_18, %dot_general3A_19 {dimension_numbers = #tpu.dot_dimension_numbers<[1], [0], [0], [1], [0, 0, 1, 1], [], []>, transpose_lhs_hint = false} : vector<2000x128xf32>, vector<128x64xf32>, vector<2000x64xf32> -> vector<2000x64xf32>
    %dot_general3A_21 = arith.constant dense<0.000000e+00> : vector<2000x64xf32>
    %dot_general3A_22 = tpu.matmul %convert_element_type3A_8, %dot_general3A_15, %dot_general3A_21 {dimension_numbers = #tpu.dot_dimension_numbers<[1], [0], [0], [1], [0, 0, 1, 1], [], []>, transpose_lhs_hint = false} : vector<2000x16xf32>, vector<16x64xf32>, vector<2000x64xf32> -> vector<2000x64xf32>
    %add3A = arith.addf %dot_general3A_20, %dot_general3A_22 : vector<2000x64xf32>
    %get3A_23 = arith.constant 0 : index
    %get3A_24 = arith.constant 0 : index
    %get3A_25 = vector.load %arg5[%get3A_23, %get3A_24] : memref<1x64xf32, #tpu.memory_space<vmem>>, vector<1x64xf32>
    %add3A_26 = vector.broadcast %get3A_25 : vector<1x64xf32> to vector<2000x64xf32>
    %add3A_27 = arith.addf %add3A, %add3A_26 : vector<2000x64xf32>
    %get3A_28 = arith.constant 0 : index
    %get3A_29 = arith.constant 0 : index
    %get3A_30 = vector.load %arg6[%get3A_28, %get3A_29] : memref<192x64xf32, #tpu.memory_space<vmem>>, vector<128x64xf32>
    %dot_general3A_31 = arith.constant dense<0.000000e+00> : vector<2000x64xf32>
    %dot_general3A_32 = tpu.matmul %get3A_1, %get3A_30, %dot_general3A_31 {dimension_numbers = #tpu.dot_dimension_numbers<[1], [0], [0], [1], [0, 0, 1, 1], [], []>, transpose_lhs_hint = false} : vector<2000x128xf32>, vector<128x64xf32>, vector<2000x64xf32> -> vector<2000x64xf32>
    %get3A_33 = arith.constant 0 : index
    %get3A_34 = arith.constant 0 : index
    %get3A_35 = vector.load %arg7[%get3A_33, %get3A_34] : memref<1x64xf32, #tpu.memory_space<vmem>>, vector<1x64xf32>
    %add3A_36 = vector.broadcast %get3A_35 : vector<1x64xf32> to vector<2000x64xf32>
    %add3A_37 = arith.addf %dot_general3A_32, %add3A_36 : vector<2000x64xf32>
    %concatenate3A = tpu.concatenate %add3A_27, %add3A_37 in 1 : vector<2000x64xf32>, vector<2000x64xf32> -> vector<2000x128xf32>
    %swap3A = arith.constant 0 : index
    %swap3A_38 = arith.constant 0 : index
    %swap3A_39 = vector.load %arg8[%swap3A, %swap3A_38] : memref<2000x128xf32, #tpu.memory_space<vmem>>, vector<2000x128xf32>
    tpu.vector_store %arg8[%swap3A, %swap3A_38], %concatenate3A {strides = array<i32>} : memref<2000x128xf32, #tpu.memory_space<vmem>>, vector<2000x128xf32>,
    %get3A_40 = arith.constant 128 : index
    %get3A_41 = arith.constant 0 : index
    %get3A_42 = vector.load %arg4[%get3A_40, %get3A_41] : memref<288x64xf32, #tpu.memory_space<vmem>>, vector<128x64xf32>
    %dot_general3A_43 = arith.constant dense<0.000000e+00> : vector<2000x64xf32>
    %dot_general3A_44 = tpu.matmul %get3A_1, %get3A_42, %dot_general3A_43 {dimension_numbers = #tpu.dot_dimension_numbers<[1], [0], [0], [1], [0, 0, 1, 1], [], []>, transpose_lhs_hint = false} : vector<2000x128xf32>, vector<128x64xf32>, vector<2000x64xf32> -> vector<2000x64xf32>
    %broadcast_in_dim3A_45 = arith.constant 0.000000e+00 : f32
    %broadcast_in_dim3A_46 = vector.broadcast %broadcast_in_dim3A_45 : f32 to vector<2000x64xf32>
    %concatenate3A_47 = tpu.concatenate %dot_general3A_44, %broadcast_in_dim3A_46 in 1 : vector<2000x64xf32>, vector<2000x64xf32> -> vector<2000x128xf32>
    %swap3A_48 = arith.constant 0 : index
    %swap3A_49 = arith.constant 0 : index
    %swap3A_50 = vector.load %arg9[%swap3A_48, %swap3A_49] : memref<2000x128xf32, #tpu.memory_space<vmem>>, vector<2000x128xf32>
    tpu.vector_store %arg9[%swap3A_48, %swap3A_49], %concatenate3A_47 {strides = array<i32>} : memref<2000x128xf32, #tpu.memory_space<vmem>>, vector<2000x128xf32>,
    return
  }
  func.func @transform_0(%arg0: i32) -> (i32, i32) {
    %c0_i32 = arith.constant 0 : i32
    %c0_i32_0 = arith.constant 0 : i32
    return %arg0, %c0_i32 : i32, i32
  }
  func.func @transform_1(%arg0: i32) -> (i32, i32, i32) {
    %c0_i32 = arith.constant 0 : i32
    %c0_i32_0 = arith.constant 0 : i32
    %c0_i32_1 = arith.constant 0 : i32
    return %arg0, %c0_i32, %c0_i32_0 : i32, i32, i32
  }
  func.func @transform_2(%arg0: i32) -> (i32, i32) {
    %c0_i32 = arith.constant 0 : i32
    %c0_i32_0 = arith.constant 0 : i32
    %c0_i32_1 = arith.constant 0 : i32
    return %c0_i32, %c0_i32_0 : i32, i32
  }
  func.func @transform_3(%arg0: i32) -> (i32, i32) {
    %c0_i32 = arith.constant 0 : i32
    %c0_i32_0 = arith.constant 0 : i32
    %c0_i32_1 = arith.constant 0 : i32
    return %c0_i32, %c0_i32_0 : i32, i32
  }
  func.func @transform_4(%arg0: i32) -> (i32, i32) {
    %c0_i32 = arith.constant 0 : i32
    %c0_i32_0 = arith.constant 0 : i32
    %c0_i32_1 = arith.constant 0 : i32
    return %c0_i32, %c0_i32_0 : i32, i32
  }
  func.func @transform_5(%arg0: i32) -> (i32, i32) {
    %c0_i32 = arith.constant 0 : i32
    %c0_i32_0 = arith.constant 0 : i32
    %c0_i32_1 = arith.constant 0 : i32
    return %c0_i32, %c0_i32_0 : i32, i32
  }
  func.func @transform_6(%arg0: i32) -> (i32, i32) {
    %c0_i32 = arith.constant 0 : i32
    %c0_i32_0 = arith.constant 0 : i32
    %c0_i32_1 = arith.constant 0 : i32
    return %c0_i32, %c0_i32_0 : i32, i32
  }
  func.func @transform_7(%arg0: i32) -> (i32, i32) {
    %c0_i32 = arith.constant 0 : i32
    %c0_i32_0 = arith.constant 0 : i32
    return %arg0, %c0_i32 : i32, i32
  }
  func.func @transform_8(%arg0: i32) -> (i32, i32) {
    %c0_i32 = arith.constant 0 : i32
    %c0_i32_0 = arith.constant 0 : i32
    return %arg0, %c0_i32 : i32, i32
  }
}

module attributes {stable_mosaic.version = 14 : i64} {
  func.func @_k3_body(%arg0: i32, %arg1: memref<2000x128xf32, #tpu.memory_space<vmem>>, %arg2: memref<2000x16xf32, #tpu.memory_space<vmem>>, %arg3: memref<288x64xf32, #tpu.memory_space<vmem>>, %arg4: memref<64x64xf32, #tpu.memory_space<vmem>>, %arg5: memref<1x64xf32, #tpu.memory_space<vmem>>, %arg6: memref<192x64xf32, #tpu.memory_space<vmem>>, %arg7: memref<2000x64xf32, #tpu.memory_space<vmem>>, %arg8: memref<2000x80xf32, #tpu.memory_space<vmem>>) attributes {dimension_semantics = [#tpu.dimension_semantics<arbitrary>], iteration_bounds = array<i64: 80>, scalar_prefetch = 0 : i64, scratch_operands = 0 : i64, tpu.core_type = #tpu.core_type<tc>, window_params = [{transform_indices = @transform_0, window_bounds = array<i64: 2000, 128>}, {transform_indices = @transform_1, window_bounds = array<i64: 2000, 16>}, {pipeline_mode = #tpu.pipeline_mode<synchronous>, transform_indices = @transform_2, window_bounds = array<i64: 288, 64>}, {pipeline_mode = #tpu.pipeline_mode<synchronous>, transform_indices = @transform_3, window_bounds = array<i64: 64, 64>}, {pipeline_mode = #tpu.pipeline_mode<synchronous>, transform_indices = @transform_4, window_bounds = array<i64: 1, 64>}, {pipeline_mode = #tpu.pipeline_mode<synchronous>, transform_indices = @transform_5, window_bounds = array<i64: 192, 64>}, {transform_indices = @transform_6, window_bounds = array<i64: 2000, 64>}, {transform_indices = @transform_7, window_bounds = array<i64: 2000, 80>}]} {
    %get3A = arith.constant 0 : index
    %get3A_0 = arith.constant 0 : index
    %get3A_1 = vector.load %arg1[%get3A, %get3A_0] : memref<2000x128xf32, #tpu.memory_space<vmem>>, vector<2000x128xf32>
    %slice3A = vector.extract_strided_slice %get3A_1 {offsets = [0, 0], sizes = [2000, 64], strides = [1, 1]} : vector<2000x128xf32> to vector<2000x64xf32>
    %get3A_2 = arith.constant 0 : index
    %get3A_3 = arith.constant 0 : index
    %get3A_4 = vector.load %arg2[%get3A_2, %get3A_3] : memref<2000x16xf32, #tpu.memory_space<vmem>>, vector<2000x16xf32>
    %get3A_5 = arith.constant 256 : index
    %get3A_6 = arith.constant 0 : index
    %get3A_7 = vector.load %arg3[%get3A_5, %get3A_6] : memref<288x64xf32, #tpu.memory_space<vmem>>, vector<16x64xf32>
    %dot_general3A = arith.constant dense<0.000000e+00> : vector<2000x64xf32>
    %dot_general3A_8 = tpu.matmul %get3A_4, %get3A_7, %dot_general3A {dimension_numbers = #tpu.dot_dimension_numbers<[1], [0], [0], [1], [0, 0, 1, 1], [], []>, transpose_lhs_hint = false} : vector<2000x16xf32>, vector<16x64xf32>, vector<2000x64xf32> -> vector<2000x64xf32>
    %add3A = arith.addf %slice3A, %dot_general3A_8 : vector<2000x64xf32>
    %max3A = arith.constant 0.000000e+00 : f32
    %max3A_9 = vector.broadcast %max3A : f32 to vector<2000x64xf32>
    %max3A_10 = arith.maximumf %add3A, %max3A_9 : vector<2000x64xf32>
    %get3A_11 = arith.constant 0 : index
    %get3A_12 = arith.constant 0 : index
    %get3A_13 = vector.load %arg4[%get3A_11, %get3A_12] : memref<64x64xf32, #tpu.memory_space<vmem>>, vector<64x64xf32>
    %dot_general3A_14 = arith.constant dense<0.000000e+00> : vector<2000x64xf32>
    %dot_general3A_15 = tpu.matmul %max3A_10, %get3A_13, %dot_general3A_14 {dimension_numbers = #tpu.dot_dimension_numbers<[1], [0], [0], [1], [0, 0, 1, 1], [], []>, transpose_lhs_hint = false} : vector<2000x64xf32>, vector<64x64xf32>, vector<2000x64xf32> -> vector<2000x64xf32>
    %get3A_16 = arith.constant 0 : index
    %get3A_17 = arith.constant 0 : index
    %get3A_18 = vector.load %arg5[%get3A_16, %get3A_17] : memref<1x64xf32, #tpu.memory_space<vmem>>, vector<1x64xf32>
    %add3A_19 = vector.broadcast %get3A_18 : vector<1x64xf32> to vector<2000x64xf32>
    %add3A_20 = arith.addf %dot_general3A_15, %add3A_19 : vector<2000x64xf32>
    %swap3A = arith.constant 0 : index
    %swap3A_21 = arith.constant 0 : index
    %swap3A_22 = vector.load %arg7[%swap3A, %swap3A_21] : memref<2000x64xf32, #tpu.memory_space<vmem>>, vector<2000x64xf32>
    tpu.vector_store %arg7[%swap3A, %swap3A_21], %add3A_20 {strides = array<i32>} : memref<2000x64xf32, #tpu.memory_space<vmem>>, vector<2000x64xf32>,
    %slice3A_23 = vector.extract_strided_slice %get3A_1 {offsets = [0, 64], sizes = [2000, 64], strides = [1, 1]} : vector<2000x128xf32> to vector<2000x64xf32>
    %get3A_24 = arith.constant 128 : index
    %get3A_25 = arith.constant 0 : index
    %get3A_26 = vector.load %arg6[%get3A_24, %get3A_25] : memref<192x64xf32, #tpu.memory_space<vmem>>, vector<64x64xf32>
    %dot_general3A_27 = arith.constant dense<0.000000e+00> : vector<2000x64xf32>
    %dot_general3A_28 = tpu.matmul %add3A_20, %get3A_26, %dot_general3A_27 {dimension_numbers = #tpu.dot_dimension_numbers<[1], [0], [0], [1], [0, 0, 1, 1], [], []>, transpose_lhs_hint = false} : vector<2000x64xf32>, vector<64x64xf32>, vector<2000x64xf32> -> vector<2000x64xf32>
    %add3A_29 = arith.addf %slice3A_23, %dot_general3A_28 : vector<2000x64xf32>
    %max3A_30 = arith.constant 0.000000e+00 : f32
    %max3A_31 = vector.broadcast %max3A_30 : f32 to vector<2000x64xf32>
    %max3A_32 = arith.maximumf %add3A_29, %max3A_31 : vector<2000x64xf32>
    %iota3A = tpu.iota {dimensions = array<i32: 1>} : vector<2000x16xi32>
    %eq3A = arith.constant 0 : i32
    %eq3A_33 = vector.broadcast %eq3A : i32 to vector<2000x16xi32>
    %eq3A_34 = arith.cmpi eq, %iota3A, %eq3A_33 : vector<2000x16xi32>
    %convert_element_type3A = arith.extui %eq3A_34 : vector<2000x16xi1> to vector<2000x16xi32>
    %convert_element_type3A_35 = arith.sitofp %convert_element_type3A : vector<2000x16xi32> to vector<2000x16xf32>
    %concatenate3A = tpu.concatenate %max3A_32, %convert_element_type3A_35 in 1 : vector<2000x64xf32>, vector<2000x16xf32> -> vector<2000x80xf32>
    %swap3A_36 = arith.constant 0 : index
    %swap3A_37 = arith.constant 0 : index
    %swap3A_38 = vector.load %arg8[%swap3A_36, %swap3A_37] : memref<2000x80xf32, #tpu.memory_space<vmem>>, vector<2000x80xf32>
    tpu.vector_store %arg8[%swap3A_36, %swap3A_37], %concatenate3A {strides = array<i32>} : memref<2000x80xf32, #tpu.memory_space<vmem>>, vector<2000x80xf32>,
    return
  }
  func.func @transform_0(%arg0: i32) -> (i32, i32) {
    %c0_i32 = arith.constant 0 : i32
    %c0_i32_0 = arith.constant 0 : i32
    return %arg0, %c0_i32 : i32, i32
  }
  func.func @transform_1(%arg0: i32) -> (i32, i32) {
    %c0_i32 = arith.constant 0 : i32
    %c0_i32_0 = arith.constant 0 : i32
    return %arg0, %c0_i32 : i32, i32
  }
  func.func @transform_2(%arg0: i32) -> (i32, i32) {
    %c0_i32 = arith.constant 0 : i32
    %c0_i32_0 = arith.constant 0 : i32
    %c0_i32_1 = arith.constant 0 : i32
    return %c0_i32, %c0_i32_0 : i32, i32
  }
  func.func @transform_3(%arg0: i32) -> (i32, i32) {
    %c0_i32 = arith.constant 0 : i32
    %c0_i32_0 = arith.constant 0 : i32
    %c0_i32_1 = arith.constant 0 : i32
    return %c0_i32, %c0_i32_0 : i32, i32
  }
  func.func @transform_4(%arg0: i32) -> (i32, i32) {
    %c0_i32 = arith.constant 0 : i32
    %c0_i32_0 = arith.constant 0 : i32
    %c0_i32_1 = arith.constant 0 : i32
    return %c0_i32, %c0_i32_0 : i32, i32
  }
  func.func @transform_5(%arg0: i32) -> (i32, i32) {
    %c0_i32 = arith.constant 0 : i32
    %c0_i32_0 = arith.constant 0 : i32
    %c0_i32_1 = arith.constant 0 : i32
    return %c0_i32, %c0_i32_0 : i32, i32
  }
  func.func @transform_6(%arg0: i32) -> (i32, i32) {
    %c0_i32 = arith.constant 0 : i32
    %c0_i32_0 = arith.constant 0 : i32
    return %arg0, %c0_i32 : i32, i32
  }
  func.func @transform_7(%arg0: i32) -> (i32, i32) {
    %c0_i32 = arith.constant 0 : i32
    %c0_i32_0 = arith.constant 0 : i32
    return %arg0, %c0_i32 : i32, i32
  }
}

module attributes {stable_mosaic.version = 14 : i64} {
  func.func @_k5_body(%arg0: i32, %arg1: memref<2000x128xf32, #tpu.memory_space<vmem>>, %arg2: memref<2000x80xf32, #tpu.memory_space<vmem>>, %arg3: memref<2000x80xf32, #tpu.memory_space<vmem>>, %arg4: memref<2000x80xf32, #tpu.memory_space<vmem>>, %arg5: memref<2000x80xf32, #tpu.memory_space<vmem>>, %arg6: memref<1x1x2000xi32, #tpu.memory_space<vmem>>, %arg7: memref<16x16xf32, #tpu.memory_space<vmem>>, %arg8: memref<64x64xf32, #tpu.memory_space<vmem>>, %arg9: memref<1x64xf32, #tpu.memory_space<vmem>>, %arg10: memref<208x64xf32, #tpu.memory_space<vmem>>, %arg11: memref<1x64xf32, #tpu.memory_space<vmem>>, %arg12: memref<64x64xf32, #tpu.memory_space<vmem>>, %arg13: memref<1x64xf32, #tpu.memory_space<vmem>>, %arg14: memref<80x64xf32, #tpu.memory_space<vmem>>, %arg15: memref<1x64xf32, #tpu.memory_space<vmem>>, %arg16: memref<64x64xf32, #tpu.memory_space<vmem>>, %arg17: memref<1x64xf32, #tpu.memory_space<vmem>>, %arg18: memref<2000x64xf32, #tpu.memory_space<vmem>>, %arg19: memref<16x64xf32, #tpu.memory_space<vmem>>, %arg20: memref<16x65xf32, #tpu.memory_space<vmem>>) attributes {dimension_semantics = [#tpu.dimension_semantics<arbitrary>], iteration_bounds = array<i64: 5>, scalar_prefetch = 0 : i64, scratch_operands = 1 : i64, tpu.core_type = #tpu.core_type<tc>, window_params = [{transform_indices = @transform_0, window_bounds = array<i64: 2000, 128>}, {transform_indices = @transform_1, window_bounds = array<i64: 2000, 80>}, {transform_indices = @transform_2, window_bounds = array<i64: 2000, 80>}, {transform_indices = @transform_3, window_bounds = array<i64: 2000, 80>}, {transform_indices = @transform_4, window_bounds = array<i64: 2000, 80>}, {transform_indices = @transform_5, window_bounds = array<i64: 1, 1, 2000>}, {pipeline_mode = #tpu.pipeline_mode<synchronous>, transform_indices = @transform_6, window_bounds = array<i64: 16, 16>}, {pipeline_mode = #tpu.pipeline_mode<synchronous>, transform_indices = @transform_7, window_bounds = array<i64: 64, 64>}, {pipeline_mode = #tpu.pipeline_mode<synchronous>, transform_indices = @transform_8, window_bounds = array<i64: 1, 64>}, {pipeline_mode = #tpu.pipeline_mode<synchronous>, transform_indices = @transform_9, window_bounds = array<i64: 208, 64>}, {pipeline_mode = #tpu.pipeline_mode<synchronous>, transform_indices = @transform_10, window_bounds = array<i64: 1, 64>}, {pipeline_mode = #tpu.pipeline_mode<synchronous>, transform_indices = @transform_11, window_bounds = array<i64: 64, 64>}, {pipeline_mode = #tpu.pipeline_mode<synchronous>, transform_indices = @transform_12, window_bounds = array<i64: 1, 64>}, {pipeline_mode = #tpu.pipeline_mode<synchronous>, transform_indices = @transform_13, window_bounds = array<i64: 80, 64>}, {pipeline_mode = #tpu.pipeline_mode<synchronous>, transform_indices = @transform_14, window_bounds = array<i64: 1, 64>}, {pipeline_mode = #tpu.pipeline_mode<synchronous>, transform_indices = @transform_15, window_bounds = array<i64: 64, 64>}, {pipeline_mode = #tpu.pipeline_mode<synchronous>, transform_indices = @transform_16, window_bounds = array<i64: 1, 64>}, {transform_indices = @transform_17, window_bounds = array<i64: 2000, 64>}, {pipeline_mode = #tpu.pipeline_mode<synchronous>, transform_indices = @transform_18, window_bounds = array<i64: 16, 64>}]} {
    %get3A = arith.constant 0 : index
    %get3A_0 = arith.constant 0 : index
    %get3A_1 = vector.load %arg2[%get3A, %get3A_0] : memref<2000x80xf32, #tpu.memory_space<vmem>>, vector<2000x80xf32>
    %get3A_2 = arith.constant 0 : index
    %get3A_3 = arith.constant 0 : index
    %get3A_4 = vector.load %arg3[%get3A_2, %get3A_3] : memref<2000x80xf32, #tpu.memory_space<vmem>>, vector<2000x80xf32>
    %add3A = arith.addf %get3A_1, %get3A_4 : vector<2000x80xf32>
    %get3A_5 = arith.constant 0 : index
    %get3A_6 = arith.constant 0 : index
    %get3A_7 = vector.load %arg4[%get3A_5, %get3A_6] : memref<2000x80xf32, #tpu.memory_space<vmem>>, vector<2000x80xf32>
    %add3A_8 = arith.addf %add3A, %get3A_7 : vector<2000x80xf32>
    %get3A_9 = arith.constant 0 : index
    %get3A_10 = arith.constant 0 : index
    %get3A_11 = vector.load %arg5[%get3A_9, %get3A_10] : memref<2000x80xf32, #tpu.memory_space<vmem>>, vector<2000x80xf32>
    %add3A_12 = arith.addf %add3A_8, %get3A_11 : vector<2000x80xf32>
    %slice3A = vector.extract_strided_slice %add3A_12 {offsets = [0, 64], sizes = [2000, 1], strides = [1, 1]} : vector<2000x80xf32> to vector<2000x1xf32>
    %slice3A_13 = vector.extract_strided_slice %add3A_12 {offsets = [0, 0], sizes = [2000, 64], strides = [1, 1]} : vector<2000x80xf32> to vector<2000x64xf32>
    %max3A = arith.constant 1.000000e+00 : f32
    %max3A_14 = vector.broadcast %max3A : f32 to vector<2000x1xf32>
    %max3A_15 = arith.maximumf %slice3A, %max3A_14 : vector<2000x1xf32>
    %div3A = vector.broadcast %max3A_15 : vector<2000x1xf32> to vector<2000x64xf32>
    %div3A_16 = arith.divf %slice3A_13, %div3A : vector<2000x64xf32>
    %get3A_17 = arith.constant 0 : index
    %get3A_18 = arith.constant 0 : index
    %get3A_19 = vector.load %arg8[%get3A_17, %get3A_18] : memref<64x64xf32, #tpu.memory_space<vmem>>, vector<64x64xf32>
    %dot_general3A = arith.constant dense<0.000000e+00> : vector<2000x64xf32>
    %dot_general3A_20 = tpu.matmul %div3A_16, %get3A_19, %dot_general3A {dimension_numbers = #tpu.dot_dimension_numbers<[1], [0], [0], [1], [0, 0, 1, 1], [], []>, transpose_lhs_hint = false} : vector<2000x64xf32>, vector<64x64xf32>, vector<2000x64xf32> -> vector<2000x64xf32>
    %get3A_21 = arith.constant 0 : index
    %get3A_22 = arith.constant 0 : index
    %get3A_23 = vector.load %arg9[%get3A_21, %get3A_22] : memref<1x64xf32, #tpu.memory_space<vmem>>, vector<1x64xf32>
    %add3A_24 = vector.broadcast %get3A_23 : vector<1x64xf32> to vector<2000x64xf32>
    %add3A_25 = arith.addf %dot_general3A_20, %add3A_24 : vector<2000x64xf32>
    %gt3A = arith.constant 0.000000e+00 : f32
    %gt3A_26 = vector.broadcast %gt3A : f32 to vector<2000x1xf32>
    %gt3A_27 = arith.cmpf ogt, %slice3A, %gt3A_26 : vector<2000x1xf32>
    %jit3A = arith.constant 0.000000e+00 : f32
    %broadcast_in_dim3A = vector.shape_cast %gt3A_27 : vector<2000x1xi1> to vector<2000x1xi1>
    %broadcast_in_dim3A_28 = vector.broadcast %broadcast_in_dim3A : vector<2000x1xi1> to vector<2000x64xi1>
    %broadcast_in_dim3A_29 = vector.broadcast %jit3A : f32 to vector<2000x64xf32>
    %select_n3A = arith.select %broadcast_in_dim3A_28, %add3A_25, %broadcast_in_dim3A_29 : vector<2000x64xi1>, vector<2000x64xf32>
    %get3A_30 = arith.constant 0 : index
    %get3A_31 = arith.constant 0 : index
    %get3A_32 = arith.constant 0 : index
    %get3A_33 = vector.load %arg6[%get3A_30, %get3A_31, %get3A_32] : memref<1x1x2000xi32, #tpu.memory_space<vmem>>, vector<1x1x2000xi32>
    %get3A_34 = vector.shape_cast %get3A_33 : vector<1x1x2000xi32> to vector<2000xi32>
    %broadcast_in_dim3A_35 = vector.shape_cast %get3A_34 : vector<2000xi32> to vector<2000x1xi32>
    %iota3A = tpu.iota {dimensions = array<i32: 1>} : vector<2000x16xi32>
    %eq3A = vector.broadcast %broadcast_in_dim3A_35 : vector<2000x1xi32> to vector<2000x16xi32>
    %eq3A_36 = arith.cmpi eq, %eq3A, %iota3A : vector<2000x16xi32>
    %convert_element_type3A = arith.extui %eq3A_36 : vector<2000x16xi1> to vector<2000x16xi32>
    %convert_element_type3A_37 = arith.sitofp %convert_element_type3A : vector<2000x16xi32> to vector<2000x16xf32>
    %get3A_38 = arith.constant 0 : index
    %get3A_39 = arith.constant 0 : index
    %get3A_40 = vector.load %arg7[%get3A_38, %get3A_39] : memref<16x16xf32, #tpu.memory_space<vmem>>, vector<16x16xf32>
    %get3A_41 = arith.constant 192 : index
    %get3A_42 = arith.constant 0 : index
    %get3A_43 = vector.load %arg10[%get3A_41, %get3A_42] : memref<208x64xf32, #tpu.memory_space<vmem>>, vector<16x64xf32>
    %dot_general3A_44 = arith.constant dense<0.000000e+00> : vector<16x64xf32>
    %dot_general3A_45 = tpu.matmul %get3A_40, %get3A_43, %dot_general3A_44 {dimension_numbers = #tpu.dot_dimension_numbers<[1], [0], [0], [1], [0, 0, 1, 1], [], []>, transpose_lhs_hint = false} : vector<16x16xf32>, vector<16x64xf32>, vector<16x64xf32> -> vector<16x64xf32>
    %get3A_46 = arith.constant 0 : index
    %get3A_47 = arith.constant 0 : index
    %get3A_48 = vector.load %arg1[%get3A_46, %get3A_47] : memref<2000x128xf32, #tpu.memory_space<vmem>>, vector<2000x128xf32>
    %get3A_49 = arith.constant 0 : index
    %get3A_50 = arith.constant 0 : index
    %get3A_51 = vector.load %arg10[%get3A_49, %get3A_50] : memref<208x64xf32, #tpu.memory_space<vmem>>, vector<128x64xf32>
    %dot_general3A_52 = arith.constant dense<0.000000e+00> : vector<2000x64xf32>
    %dot_general3A_53 = tpu.matmul %get3A_48, %get3A_51, %dot_general3A_52 {dimension_numbers = #tpu.dot_dimension_numbers<[1], [0], [0], [1], [0, 0, 1, 1], [], []>, transpose_lhs_hint = false} : vector<2000x128xf32>, vector<128x64xf32>, vector<2000x64xf32> -> vector<2000x64xf32>
    %get3A_54 = arith.constant 128 : index
    %get3A_55 = arith.constant 0 : index
    %get3A_56 = vector.load %arg10[%get3A_54, %get3A_55] : memref<208x64xf32, #tpu.memory_space<vmem>>, vector<64x64xf32>
    %dot_general3A_57 = arith.constant dense<0.000000e+00> : vector<2000x64xf32>
    %dot_general3A_58 = tpu.matmul %select_n3A, %get3A_56, %dot_general3A_57 {dimension_numbers = #tpu.dot_dimension_numbers<[1], [0], [0], [1], [0, 0, 1, 1], [], []>, transpose_lhs_hint = false} : vector<2000x64xf32>, vector<64x64xf32>, vector<2000x64xf32> -> vector<2000x64xf32>
    %add3A_59 = arith.addf %dot_general3A_53, %dot_general3A_58 : vector<2000x64xf32>
    %dot_general3A_60 = arith.constant dense<0.000000e+00> : vector<2000x64xf32>
    %dot_general3A_61 = tpu.matmul %convert_element_type3A_37, %dot_general3A_45, %dot_general3A_60 {dimension_numbers = #tpu.dot_dimension_numbers<[1], [0], [0], [1], [0, 0, 1, 1], [], []>, transpose_lhs_hint = false} : vector<2000x16xf32>, vector<16x64xf32>, vector<2000x64xf32> -> vector<2000x64xf32>
    %add3A_62 = arith.addf %add3A_59, %dot_general3A_61 : vector<2000x64xf32>
    %get3A_63 = arith.constant 0 : index
    %get3A_64 = arith.constant 0 : index
    %get3A_65 = vector.load %arg11[%get3A_63, %get3A_64] : memref<1x64xf32, #tpu.memory_space<vmem>>, vector<1x64xf32>
    %add3A_66 = vector.broadcast %get3A_65 : vector<1x64xf32> to vector<2000x64xf32>
    %add3A_67 = arith.addf %add3A_62, %add3A_66 : vector<2000x64xf32>
    %max3A_68 = arith.constant 0.000000e+00 : f32
    %max3A_69 = vector.broadcast %max3A_68 : f32 to vector<2000x64xf32>
    %max3A_70 = arith.maximumf %add3A_67, %max3A_69 : vector<2000x64xf32>
    %get3A_71 = arith.constant 0 : index
    %get3A_72 = arith.constant 0 : index
    %get3A_73 = vector.load %arg12[%get3A_71, %get3A_72] : memref<64x64xf32, #tpu.memory_space<vmem>>, vector<64x64xf32>
    %dot_general3A_74 = arith.constant dense<0.000000e+00> : vector<2000x64xf32>
    %dot_general3A_75 = tpu.matmul %max3A_70, %get3A_73, %dot_general3A_74 {dimension_numbers = #tpu.dot_dimension_numbers<[1], [0], [0], [1], [0, 0, 1, 1], [], []>, transpose_lhs_hint = false} : vector<2000x64xf32>, vector<64x64xf32>, vector<2000x64xf32> -> vector<2000x64xf32>
    %get3A_76 = arith.constant 0 : index
    %get3A_77 = arith.constant 0 : index
    %get3A_78 = vector.load %arg13[%get3A_76, %get3A_77] : memref<1x64xf32, #tpu.memory_space<vmem>>, vector<1x64xf32>
    %add3A_79 = vector.broadcast %get3A_78 : vector<1x64xf32> to vector<2000x64xf32>
    %add3A_80 = arith.addf %dot_general3A_75, %add3A_79 : vector<2000x64xf32>
    %swap3A = arith.constant 0 : index
    %swap3A_81 = arith.constant 0 : index
    %swap3A_82 = vector.load %arg18[%swap3A, %swap3A_81] : memref<2000x64xf32, #tpu.memory_space<vmem>>, vector<2000x64xf32>
    tpu.vector_store %arg18[%swap3A, %swap3A_81], %add3A_80 {strides = array<i32>} : memref<2000x64xf32, #tpu.memory_space<vmem>>, vector<2000x64xf32>,
    %broadcast_in_dim3A_83 = arith.constant 1.000000e+00 : f32
    %broadcast_in_dim3A_84 = vector.broadcast %broadcast_in_dim3A_83 : f32 to vector<2000x1xf32>
    %concatenate3A = tpu.concatenate %add3A_80, %broadcast_in_dim3A_84 in 1 : vector<2000x64xf32>, vector<2000x1xf32> -> vector<2000x65xf32>
    %dot_general3A_85 = arith.constant dense<0.000000e+00> : vector<16x65xf32>
    %dot_general3A_86 = tpu.matmul %convert_element_type3A_37, %concatenate3A, %dot_general3A_85 {dimension_numbers = #tpu.dot_dimension_numbers<[0], [0], [1], [1], [0, 1, 1, 1], [], []>, transpose_lhs_hint = false} : vector<2000x16xf32>, vector<2000x65xf32>, vector<16x65xf32> -> vector<16x65xf32>
    %eq3A_87 = arith.constant 0 : i32
    %eq3A_88 = arith.cmpi eq, %arg0, %eq3A_87 : i32
    %convert_element_type3A_89 = arith.extui %eq3A_88 : i1 to i32
    %cond3A = arith.constant 0 : i32
    %cond3A_90 = arith.cmpi ne, %convert_element_type3A_89, %cond3A : i32
    scf.if %cond3A_90 {
      %broadcast_in_dim3A_103 = arith.constant 0.000000e+00 : f32
      %broadcast_in_dim3A_104 = vector.broadcast %broadcast_in_dim3A_103 : f32 to vector<16x65xf32>
      %swap3A_105 = arith.constant 0 : index
      %swap3A_106 = arith.constant 0 : index
      %swap3A_107 = vector.load %arg20[%swap3A_105, %swap3A_106] : memref<16x65xf32, #tpu.memory_space<vmem>>, vector<16x65xf32>
      tpu.vector_store %arg20[%swap3A_105, %swap3A_106], %broadcast_in_dim3A_104 {strides = array<i32>} : memref<16x65xf32, #tpu.memory_space<vmem>>, vector<16x65xf32>,
    } else {
    }
    %get3A_91 = arith.constant 0 : index
    %get3A_92 = arith.constant 0 : index
    %get3A_93 = vector.load %arg20[%get3A_91, %get3A_92] : memref<16x65xf32, #tpu.memory_space<vmem>>, vector<16x65xf32>
    %add3A_94 = arith.addf %get3A_93, %dot_general3A_86 : vector<16x65xf32>
    %swap3A_95 = arith.constant 0 : index
    %swap3A_96 = arith.constant 0 : index
    %swap3A_97 = vector.load %arg20[%swap3A_95, %swap3A_96] : memref<16x65xf32, #tpu.memory_space<vmem>>, vector<16x65xf32>
    tpu.vector_store %arg20[%swap3A_95, %swap3A_96], %add3A_94 {strides = array<i32>} : memref<16x65xf32, #tpu.memory_space<vmem>>, vector<16x65xf32>,
    %eq3A_98 = arith.constant 4 : i32
    %eq3A_99 = arith.cmpi eq, %arg0, %eq3A_98 : i32
    %convert_element_type3A_100 = arith.extui %eq3A_99 : i1 to i32
    %cond3A_101 = arith.constant 0 : i32
    %cond3A_102 = arith.cmpi ne, %convert_element_type3A_100, %cond3A_101 : i32
    scf.if %cond3A_102 {
      %get3A_103 = arith.constant 0 : index
      %get3A_104 = arith.constant 0 : index
      %get3A_105 = vector.load %arg20[%get3A_103, %get3A_104] : memref<16x65xf32, #tpu.memory_space<vmem>>, vector<16x65xf32>
      %slice3A_106 = vector.extract_strided_slice %get3A_105 {offsets = [0, 0], sizes = [16, 64], strides = [1, 1]} : vector<16x65xf32> to vector<16x64xf32>
      %slice3A_107 = vector.extract_strided_slice %get3A_105 {offsets = [0, 64], sizes = [16, 1], strides = [1, 1]} : vector<16x65xf32> to vector<16x1xf32>
      %max3A_108 = arith.constant 1.000000e+00 : f32
      %max3A_109 = vector.broadcast %max3A_108 : f32 to vector<16x1xf32>
      %max3A_110 = arith.maximumf %slice3A_107, %max3A_109 : vector<16x1xf32>
      %div3A_111 = vector.broadcast %max3A_110 : vector<16x1xf32> to vector<16x64xf32>
      %div3A_112 = arith.divf %slice3A_106, %div3A_111 : vector<16x64xf32>
      %get3A_113 = arith.constant 0 : index
      %get3A_114 = arith.constant 0 : index
      %get3A_115 = vector.load %arg7[%get3A_113, %get3A_114] : memref<16x16xf32, #tpu.memory_space<vmem>>, vector<16x16xf32>
      %get3A_116 = arith.constant 0 : index
      %get3A_117 = arith.constant 0 : index
      %get3A_118 = vector.load %arg14[%get3A_116, %get3A_117] : memref<80x64xf32, #tpu.memory_space<vmem>>, vector<16x64xf32>
      %dot_general3A_119 = arith.constant dense<0.000000e+00> : vector<16x64xf32>
      %dot_general3A_120 = tpu.matmul %get3A_115, %get3A_118, %dot_general3A_119 {dimension_numbers = #tpu.dot_dimension_numbers<[1], [0], [0], [1], [0, 0, 1, 1], [], []>, transpose_lhs_hint = false} : vector<16x16xf32>, vector<16x64xf32>, vector<16x64xf32> -> vector<16x64xf32>
      %get3A_121 = arith.constant 16 : index
      %get3A_122 = arith.constant 0 : index
      %get3A_123 = vector.load %arg14[%get3A_121, %get3A_122] : memref<80x64xf32, #tpu.memory_space<vmem>>, vector<64x64xf32>
      %dot_general3A_124 = arith.constant dense<0.000000e+00> : vector<16x64xf32>
      %dot_general3A_125 = tpu.matmul %div3A_112, %get3A_123, %dot_general3A_124 {dimension_numbers = #tpu.dot_dimension_numbers<[1], [0], [0], [1], [0, 0, 1, 1], [], []>, transpose_lhs_hint = false} : vector<16x64xf32>, vector<64x64xf32>, vector<16x64xf32> -> vector<16x64xf32>
      %add3A_126 = arith.addf %dot_general3A_120, %dot_general3A_125 : vector<16x64xf32>
      %get3A_127 = arith.constant 0 : index
      %get3A_128 = arith.constant 0 : index
      %get3A_129 = vector.load %arg15[%get3A_127, %get3A_128] : memref<1x64xf32, #tpu.memory_space<vmem>>, vector<1x64xf32>
      %add3A_130 = vector.broadcast %get3A_129 : vector<1x64xf32> to vector<16x64xf32>
      %add3A_131 = arith.addf %add3A_126, %add3A_130 : vector<16x64xf32>
      %max3A_132 = arith.constant 0.000000e+00 : f32
      %max3A_133 = vector.broadcast %max3A_132 : f32 to vector<16x64xf32>
      %max3A_134 = arith.maximumf %add3A_131, %max3A_133 : vector<16x64xf32>
      %get3A_135 = arith.constant 0 : index
      %get3A_136 = arith.constant 0 : index
      %get3A_137 = vector.load %arg16[%get3A_135, %get3A_136] : memref<64x64xf32, #tpu.memory_space<vmem>>, vector<64x64xf32>
      %dot_general3A_138 = arith.constant dense<0.000000e+00> : vector<16x64xf32>
      %dot_general3A_139 = tpu.matmul %max3A_134, %get3A_137, %dot_general3A_138 {dimension_numbers = #tpu.dot_dimension_numbers<[1], [0], [0], [1], [0, 0, 1, 1], [], []>, transpose_lhs_hint = false} : vector<16x64xf32>, vector<64x64xf32>, vector<16x64xf32> -> vector<16x64xf32>
      %get3A_140 = arith.constant 0 : index
      %get3A_141 = arith.constant 0 : index
      %get3A_142 = vector.load %arg17[%get3A_140, %get3A_141] : memref<1x64xf32, #tpu.memory_space<vmem>>, vector<1x64xf32>
      %add3A_143 = vector.broadcast %get3A_142 : vector<1x64xf32> to vector<16x64xf32>
      %add3A_144 = arith.addf %dot_general3A_139, %add3A_143 : vector<16x64xf32>
      %swap3A_145 = arith.constant 0 : index
      %swap3A_146 = arith.constant 0 : index
      %swap3A_147 = vector.load %arg19[%swap3A_145, %swap3A_146] : memref<16x64xf32, #tpu.memory_space<vmem>>, vector<16x64xf32>
      tpu.vector_store %arg19[%swap3A_145, %swap3A_146], %add3A_144 {strides = array<i32>} : memref<16x64xf32, #tpu.memory_space<vmem>>, vector<16x64xf32>,
    } else {
    }
    return
  }
  func.func @transform_0(%arg0: i32) -> (i32, i32) {
    %c0_i32 = arith.constant 0 : i32
    %c0_i32_0 = arith.constant 0 : i32
    return %arg0, %c0_i32 : i32, i32
  }
  func.func @transform_1(%arg0: i32) -> (i32, i32) {
    %c0_i32 = arith.constant 0 : i32
    %c0_i32_0 = arith.constant 0 : i32
    return %arg0, %c0_i32 : i32, i32
  }
  func.func @transform_2(%arg0: i32) -> (i32, i32) {
    %c0_i32 = arith.constant 0 : i32
    %c0_i32_0 = arith.constant 0 : i32
    return %arg0, %c0_i32 : i32, i32
  }
  func.func @transform_3(%arg0: i32) -> (i32, i32) {
    %c0_i32 = arith.constant 0 : i32
    %c0_i32_0 = arith.constant 0 : i32
    return %arg0, %c0_i32 : i32, i32
  }
  func.func @transform_4(%arg0: i32) -> (i32, i32) {
    %c0_i32 = arith.constant 0 : i32
    %c0_i32_0 = arith.constant 0 : i32
    return %arg0, %c0_i32 : i32, i32
  }
  func.func @transform_5(%arg0: i32) -> (i32, i32, i32) {
    %c0_i32 = arith.constant 0 : i32
    %c0_i32_0 = arith.constant 0 : i32
    %c0_i32_1 = arith.constant 0 : i32
    return %arg0, %c0_i32, %c0_i32_0 : i32, i32, i32
  }
  func.func @transform_6(%arg0: i32) -> (i32, i32) {
    %c0_i32 = arith.constant 0 : i32
    %c0_i32_0 = arith.constant 0 : i32
    %c0_i32_1 = arith.constant 0 : i32
    return %c0_i32, %c0_i32_0 : i32, i32
  }
  func.func @transform_7(%arg0: i32) -> (i32, i32) {
    %c0_i32 = arith.constant 0 : i32
    %c0_i32_0 = arith.constant 0 : i32
    %c0_i32_1 = arith.constant 0 : i32
    return %c0_i32, %c0_i32_0 : i32, i32
  }
  func.func @transform_8(%arg0: i32) -> (i32, i32) {
    %c0_i32 = arith.constant 0 : i32
    %c0_i32_0 = arith.constant 0 : i32
    %c0_i32_1 = arith.constant 0 : i32
    return %c0_i32, %c0_i32_0 : i32, i32
  }
  func.func @transform_9(%arg0: i32) -> (i32, i32) {
    %c0_i32 = arith.constant 0 : i32
    %c0_i32_0 = arith.constant 0 : i32
    %c0_i32_1 = arith.constant 0 : i32
    return %c0_i32, %c0_i32_0 : i32, i32
  }
  func.func @transform_10(%arg0: i32) -> (i32, i32) {
    %c0_i32 = arith.constant 0 : i32
    %c0_i32_0 = arith.constant 0 : i32
    %c0_i32_1 = arith.constant 0 : i32
    return %c0_i32, %c0_i32_0 : i32, i32
  }
  func.func @transform_11(%arg0: i32) -> (i32, i32) {
    %c0_i32 = arith.constant 0 : i32
    %c0_i32_0 = arith.constant 0 : i32
    %c0_i32_1 = arith.constant 0 : i32
    return %c0_i32, %c0_i32_0 : i32, i32
  }
  func.func @transform_12(%arg0: i32) -> (i32, i32) {
    %c0_i32 = arith.constant 0 : i32
    %c0_i32_0 = arith.constant 0 : i32
    %c0_i32_1 = arith.constant 0 : i32
    return %c0_i32, %c0_i32_0 : i32, i32
  }
  func.func @transform_13(%arg0: i32) -> (i32, i32) {
    %c0_i32 = arith.constant 0 : i32
    %c0_i32_0 = arith.constant 0 : i32
    %c0_i32_1 = arith.constant 0 : i32
    return %c0_i32, %c0_i32_0 : i32, i32
  }
  func.func @transform_14(%arg0: i32) -> (i32, i32) {
    %c0_i32 = arith.constant 0 : i32
    %c0_i32_0 = arith.constant 0 : i32
    %c0_i32_1 = arith.constant 0 : i32
    return %c0_i32, %c0_i32_0 : i32, i32
  }
  func.func @transform_15(%arg0: i32) -> (i32, i32) {
    %c0_i32 = arith.constant 0 : i32
    %c0_i32_0 = arith.constant 0 : i32
    %c0_i32_1 = arith.constant 0 : i32
    return %c0_i32, %c0_i32_0 : i32, i32
  }
  func.func @transform_16(%arg0: i32) -> (i32, i32) {
    %c0_i32 = arith.constant 0 : i32
    %c0_i32_0 = arith.constant 0 : i32
    %c0_i32_1 = arith.constant 0 : i32
    return %c0_i32, %c0_i32_0 : i32, i32
  }
  func.func @transform_17(%arg0: i32) -> (i32, i32) {
    %c0_i32 = arith.constant 0 : i32
    %c0_i32_0 = arith.constant 0 : i32
    return %arg0, %c0_i32 : i32, i32
  }
  func.func @transform_18(%arg0: i32) -> (i32, i32) {
    %c0_i32 = arith.constant 0 : i32
    %c0_i32_0 = arith.constant 0 : i32
    %c0_i32_1 = arith.constant 0 : i32
    return %c0_i32, %c0_i32_0 : i32, i32
  }
}

</mosaic_0001>

<sc_bundles>
// kernel: kernel.10.cloned.1.call-start
scs
__scs_entry_jumppad:
0x0: {  	(pc) =	sbr.rel $0x88, $3  }
0x1: {  	(tag) =	ssettag $0x0;
	lr =	simm.s32 $0x1  }
0x2: {  	[smem:$0x3F8C] =	sst lr;
	_ =	strace $0xD0000000  }
0x3: {  	_ = 	snop  }
0x4: {  	_ = 	snop  }
0x5: {  	_ = 	snop  }
0x6: {  	_ = 	snop  }
0x7: {  	_ = 	snop  }
__scs_overlays_trampoline_lowered:
0x8: {  	[smem:$0x3F9B] =	sst s0  }
0x9: {  	[smem:$0x3F9C] =	sst s1  }
0xa: {  	[smem:$0x3F9D] =	sst s2  }
0xb: {  	[smem:$0x3F9E] =	sst s3  }
0xc: {  	[smem:$0x3F9F] =	sst s4  }
0xd: {  	[smem:$0x3FA0] =	sst s5  }
0xe: {  	[smem:$0x3FA1] =	sst s6  }
0xf: {  	[smem:$0x3FA2] =	sst s7  }
0x10: {  	[smem:$0x3FA3] =	sst s8  }
0x11: {  	[smem:$0x3FA4] =	sst s9;
	s0 =	simm.s32 @!p0 $0x0  }
0x12: {  	s1 =	sld [smem:$0x3F8A];
	s0 =	simm.s32 @p0 $0x1  }
0x13: {  	[smem:$0x3FA5] =	sst s0;
	s0 =	simm.s32 @!p1 $0x0  }
0x14: {  	s2 =	sld [smem:$0x3F89];
	s0 =	simm.s32 @p1 $0x1  }
0x15: {  	[smem:$0x3FA6] =	sst s0;
	s0 =	simm.s32 @!p2 $0x0  }
0x16: {  	s3 =	sld [smem:$0x3FDB];
	s0 =	simm.s32 @p2 $0x1  }
0x17: {  	s4 =	simm.s32 $0x1BF5;
	[smem:$0x3FA8] =	sst s0  }
0x18: {  	s0 =	sld [smem:$0x3F8B];
	_ =	swait.ge [sflag:s4], $0x0  }
0x19: {  	s7 =	sld [smem:$0x3F8C]  }
0x1a: {  	s8 =	sadd.s32 $0xFFFFE003, lr  }
0x1b: {  	s9 =	sadd.s32 $0xFFFFFEF7, lr;
	s5 =	simm.s32 $0xFFFFFFFF;
	p2 =	slt.u32 s8, $0xFFFFF086  }
0x1c: {  	p1 =	slt.u32 s9, $0xF7A;
	s5 =	simm.s32 @!p2 $0x0  }
0x1d: {  	s5 =	simm.s32 @p1 $0x1;
	p0 =	seq.s32 s7, s2  }
0x1e: {  	s7 =	smul.u32 @!p0 $0xF7A, s2;
	p2 =	seq.s32 @!p0 s5, $0x0  }
0x1f: {  	s9 =	smul.u32 $0xF7A, s1;
	s8 =	simm.s32 @!p0 $0x1BF5;
	p2 =	por !p2, p0  }
0x20: {  	[sflag:s8] =	ssyncset.s32 @!p0 $0xFFFFF086;
	s6 =	sadd.s32 @!p0 s3, s7;
	s7 =	simm.s32 @!p0 $0x108  }
0x21: {  	s3 =	sadd.s32 s3, s9;
	s6 =	sadd.s32 @!p0 $0x88, s6;
	s7 =	simm.s32 @p2 $0x1082  }
0x22: {  	[simem:s7], [sflag:s8] =	dma.local @!p0 [hbm:s6], $0xF7A  }
0x23: {  	s9 =	sor.u32 $0xD0000000, s2;
	s6 =	simm.s32 $0x108;
	_ =	swait.ge @!p0 [sflag:s8], $0x0  }
0x24: {  	s3 =	sadd.s32 $0x88, s3;
	s6 =	simm.s32 @!p1 $0x1082;
	[sflag:s4] =	ssyncset.s32 $0xFFFFF086  }
0x25: {  	[simem:s6], [sflag:s4] =	dma.local [hbm:s3], $0xF7A  }
0x26: {  	[smem:$0x3F8C] =	sst s1;
	(tag) =	ssettag s2;
	_ =	strace s9  }
0x27: {  	s1 =	sld [smem:$0x3F9C]  }
0x28: {  	s2 =	sld [smem:$0x3F9D]  }
0x29: {  	s4 =	sld [smem:$0x3F9F]  }
0x2a: {  	p0 =	seq.s32 s5, $0x0;
	s5 =	sld [smem:$0x3FA0]  }
0x2b: {  	s6 =	sld [smem:$0x3FA1]  }
0x2c: {  	s7 =	sld [smem:$0x3FA2]  }
0x2d: {  	s3 =	simm.s32 $0x108;
	s8 =	sld [smem:$0x3FA3]  }
0x2e: {  	s3 =	simm.s32 @!p0 $0x1082;
	s9 =	sld [smem:$0x3FA4]  }
0x2f: {  	lr =	sadd.s32 s0, s3;
	s0 =	sld [smem:$0x3F9B]  }
0x30: {  	s3 =	sld [smem:$0x3F9E]  }
0x31: {  	[smem:$0x3FA7] =	sst s10  }
0x32: {  	s10 =	sld [smem:$0x3FA5];
	_ =	sdelay $0x3  }
0x33: {  	p0 =	seq.s32 s10, $0x1;
	s10 =	sld [smem:$0x3FA7];
	_ =	sdelay $0x3  }
0x34: {  	[smem:$0x3FA7] =	sst s10  }
0x35: {  	s10 =	sld [smem:$0x3FA6];
	_ =	sdelay $0x3  }
0x36: {  	p1 =	seq.s32 s10, $0x1;
	s10 =	sld [smem:$0x3FA7];
	_ =	sdelay $0x3  }
0x37: {  	[smem:$0x3FA7] =	sst s10  }
0x38: {  	s10 =	sld [smem:$0x3FA8]  }
0x39: {  	_ = 	snop;
	(pc) =	sbr.ind lr, $3  }
0x3a: {  	_ = 	snop  }
0x3b: {  	_ = 	snop  }
0x3c: {  	p2 =	seq.s32 s10, $0x1;
	s10 =	sld [smem:$0x3FA7]  }
0x3d: {  	_ =	shalt  }
0x3e: {  	_ =	shalt  }
0x3f: {  	_ =	shalt  }
0x40: {  	_ =	shalt  }
0x41: {  	_ =	shalt  }
0x42: {  	_ =	shalt  }
0x43: {  	_ =	shalt  }
0x44: {  	_ =	shalt  }
0x45: {  	_ =	shalt  }
0x46: {  	_ =	shalt  }
0x47: {  	_ =	shalt  }
0x48: {  	_ =	shalt  }
0x49: {  	_ =	shalt  }
0x4a: {  	_ =	shalt  }
0x4b: {  	_ =	shalt  }
0x4c: {  	_ =	shalt  }
0x4d: {  	_ =	shalt  }
0x4e: {  	_ =	shalt  }
0x4f: {  	_ =	shalt  }
0x50: {  	_ =	shalt  }
0x51: {  	_ =	shalt  }
0x52: {  	_ =	shalt  }
0x53: {  	_ =	shalt  }
0x54: {  	_ =	shalt  }
0x55: {  	_ =	shalt  }
0x56: {  	_ =	shalt  }
0x57: {  	_ =	shalt  }
0x58: {  	_ =	shalt  }
0x59: {  	_ =	shalt  }
0x5a: {  	_ =	shalt  }
0x5b: {  	_ =	shalt  }
0x5c: {  	_ =	shalt  }
0x5d: {  	_ =	shalt  }
0x5e: {  	_ =	shalt  }
0x5f: {  	_ =	shalt  }
0x60: {  	_ =	shalt  }
0x61: {  	_ =	shalt  }
0x62: {  	_ =	shalt  }
0x63: {  	_ =	shalt  }
0x64: {  	_ =	shalt  }
0x65: {  	_ =	shalt  }
0x66: {  	_ =	shalt  }
0x67: {  	_ =	shalt  }
0x68: {  	_ =	shalt  }
0x69: {  	_ =	shalt  }
0x6a: {  	_ =	shalt  }
0x6b: {  	_ =	shalt  }
0x6c: {  	_ =	shalt  }
0x6d: {  	_ =	shalt  }
0x6e: {  	_ =	shalt  }
0x6f: {  	_ =	shalt  }
0x70: {  	_ =	shalt  }
0x71: {  	_ =	shalt  }
0x72: {  	_ =	shalt  }
0x73: {  	_ =	shalt  }
0x74: {  	_ =	shalt  }
0x75: {  	_ =	shalt  }
0x76: {  	_ =	shalt  }
0x77: {  	_ =	shalt  }
0x78: {  	_ =	shalt  }
0x79: {  	_ =	shalt  }
0x7a: {  	_ =	shalt  }
0x7b: {  	_ =	shalt  }
0x7c: {  	_ =	shalt  }
0x7d: {  	_ =	shalt  }
0x7e: {  	_ =	shalt  }
0x7f: {  	_ =	shalt  }
0x80: {  	_ =	shalt  }
0x81: {  	_ =	shalt  }
0x82: {  	_ =	shalt  }
0x83: {  	_ =	shalt  }
0x84: {  	_ =	shalt  }
0x85: {  	_ =	shalt  }
0x86: {  	_ =	shalt  }
0x87: {  	_ =	shalt  }
.Lfunc_end0:
.L_simem_size_0:
called_computation.1_lowered:
.L_overlay_start_0:
0x88: {  	s2 =	sld [smem:$0x3FD9]  }
0x89: {  	s3 =	sld [smem:$0x3FFE];
	_ =	sdelay $0x1  }
0x8a: {  	s1 =	srdreg.scid  }
0x8b: {  	s0 =	sand.u32 $0x1, s1  }
0x8c: {  	s16 =	sshll.u32 s0, $0xA;
	s2 =	sadd.s32 s3, s2  }
0x8d: {  	s2 =	sadd.s32 s2, s16  }
0x8e: {  	[smem:$0x3FB3] =	sst s2  }
0x8f: {  	_ = 	snop  }
0x90: {  	(tm) =	ssettm $0x1  }
0x91: {  	s17 =	sld [smem:$0x3FFB];
	_ =	sdelay $0x3  }
0x92: {  	_ =	strace s17  }
0x93: {  	s2 =	sld [smem:$0x3FFC];
	_ =	sdelay $0x3  }
0x94: {  	_ =	strace s2  }
0x95: {  	s2 =	sld [smem:$0x3FFD];
	_ =	sdelay $0x3  }
0x96: {  	_ =	strace s2  }
0x97: {  	_ =	strace $0x8FFFFFFF  }
0x98: {  	s18 =	sld [smem:$0x3FDB];
	_ =	sdelay $0x1  }
0x99: {  	s19 =	simm.s32 $_scs_section_size  }
0x9a: {  	s4 =	simm.s32 $_size__tile_overlayer_lowered;
	s5 =	simm.s32 $_tile_overlayer_lowered  }
0x9b: {  	s22 =	simm.s32 $0x1BFF;
	s21 =	sshll.u32 s5, $0x1;
	s2 =	sadd.s32 s19, s18  }
0x9c: {  	s6 =	simm.s32 $0x0;
	s20 =	sshll.u32 s4, $0x1;
	s4 =	sadd.s32 s21, s2  }
0x9d: {  	[timem:s6], [sflag:s22] =	dma.local [hbm:s4], s20  }
0x9e: {  	_ =	swait.ge [sflag:s22], s20  }
0x9f: {  	s3 =	ssub.s32 $0x0, s20;
	[sflag:s22] =	ssyncset.done $0x0  }
0xa0: {  	[sflag:s22] =	ssyncadd.s32 s3;
	_ =	sdelay $0x1  }
0xa1: {  	s23 =	simm.s32 $0x1B8B  }
0xa2: {  	_ =	swait.ge [sflag:s23], $0x1  }
0xa3: {  	[sflag:s23] =	ssyncset.done $0x0  }
0xa4: {  	s25 =	simm.s32 $0x1B8E;
	s24 =	sld [smem:$0x3FFE];
	[sflag:s23] =	ssyncadd.s32 $0xFFFFFFFF  }
0xa5: {  	s26 =	simm.s32 $execute0_lowered;
	[smem:$0x3FD2] =	sst s25  }
0xa6: {  	s4 =	sshll.u32 s26, $0x1;
	_ =	strace $0x80000046;
	[dreg:$0x1] =	wrdreg $0xFFFFFFFF  }
0xa7: {  	s28 =	simm.s32 $_size_execute0_lowered;
	s2 =	sadd.s32 s2, s4;
	[dreg:$0x0] =	wrdreg $0x0  }
0xa8: {  	s4 =	sshll.u32 s28, $0x1;
	[dreg:$0x2] =	wrdreg s2  }
0xa9: {  	[dreg:$0x3] =	wrdreg s4  }
0xaa: {  	[dreg:$0x4] =	wrdreg $0xC0  }
0xab: {  	_ =	task [dreg:s6], $0x5FFFF  }
0xac: {  	[dreg:$0x1] =	wrdreg $0xFFFFFFFF  }
0xad: {  	[dreg:$0x0] =	wrdreg $0x60  }
0xae: {  	[dreg:$0x2] =	wrdreg s24  }
0xaf: {  	[dreg:$0x3] =	wrdreg $0x9  }
0xb0: {  	_ =	task.clear_ibuf [dreg:s6], $0x4FFFF;
	_ =	strace $0x90000046  }
0xb1: {  	s29 =	simm.s32 $0x9;
	_ =	strace $0x80000048  }
0xb2: {  	_ =	swait.ge [sflag:s29], $0x1  }
0xb3: {  	[sflag:s29] =	ssyncadd.s32 $0xFFFFFFFF  }
0xb4: {  	_ =	strace $0x90000048  }
0xb5: {  	_ =	sfence  }
0xb6: {  	s30 =	sld [smem:$0x0];
	_ =	sdelay $0x2  }
0xb7: {  	s31 =	sshll.u32 s1, $0xD;
	s1 =	sshrl.u32 s1, $0x2  }
0xb8: {  	s3 =	sand.u32 $0x4000, s31;
	s1 =	sadd.s32 s1, s30  }
0xb9: {  	s0 =	sor.u32 s3, s0;
	s1 =	sshll.u32 s1, $0x11  }
0xba: {  	s0 =	sor.u32 s1, s0  }
0xbb: {  	s0 =	sadd.s32 $0x8F2B, s0  }
0xbc: {  	[sflag:s0] =	ssyncadd.remote.s32 $0x1  }
0xbd: {  	_ =	sfence.sel $0xFFFF  }
0xbe: {  	[dreg:$0x0] =	wrdreg $0xFFFFFFFF;
	(pc) =	sbr.abs _section_cstart, $3  }
0xbf: {  	[dreg:$0x1] =	wrdreg $0xFFFFFFFF  }
0xc0: {  	_ =	task.clear_ibuf [dreg:s6], $0x2FFFF;
	_ =	strace $0x9FFFFFFF  }
0xc1: {  	(tm) =	ssettm $0x7FFFFFFF  }
tec
execute0_lowered:
.L_overlay_start_1:
0x0: {  	(tag) =	ssettag $0x1  }
0x1: {  	s8 =	rddreg [dreg:$0x0]  }
0x2: {  	s1 =	simm.s32 $0x0;
	s5 =	srdreg.scid;
	s0 =	stileid.u32  }
0x3: {  	s13 =	simm.s32 $0x5;
	s14 =	simm.s32 $0x100;
	s15 =	simm.s32 $0x80  }
0x4: {  	s16 =	simm.s32 $0x200;
	s18 =	simm.s32 $0x1;
	s19 =	simm.s32 $0x3  }
0x5: {  	s20 =	simm.s32 $0x6;
	s21 =	simm.s32 $0x2;
	s22 =	simm.s32 $0x4  }
0x6: {  	s23 =	simm.s32 $0x4200;
	s24 =	simm.s32 $0x0;
	[smem:$0x7FF] =	sst s1  }
0x7: {  	s3 =	sadd.s32 $0x12E00, s8;
	s4 =	sadd.s32 $0x3A000, s8;
	s6 =	sand.u32 $0x1, s5  }
.Ltmp0:
0x8: {  	s7 =	sshll.u32 s0, $0x1;
	s5 =	sadd.s32 $0x8E00, s8;
	(pc) =	sbr.rel .LBB2_1-.Ltmp0, $4  }
0x9: {  	_ =	strace $0x80000047;
	s9 =	ssub.s32 $0x2, s6;
	s6 =	sor.u32 s6, s7  }
0xa: {  	s7 =	sadd.s32 $0xDE00, s8;
	s10 =	sshrl.u32 s9, $0x1;
	s11 =	sshll.u32 s6, $0x4  }
0xb: {  	s8 =	sadd.s32 $0x61200, s8;
	s12 =	ssub.s32 s9, s10;
	s9 =	sadd.s32 s5, s11  }
0xc: {  	s10 =	sadd.s32 s7, s11;
	s11 =	sor.u32 $0x40, s6;
	s12 =	smax.u32 s12, $0x1  }
.LBB2_9:
0xd: {  	s24 =	sadd.s32 $0x1, s24  }
0xe: {  	p0 =	sne.s32 s24, s12  }
.Ltmp1:
0xf: {  	_ = 	snop;
	(pc) =	sbr.rel @!p0 .LBB2_10-.Ltmp1, $1  }
0x10: {  	_ =	sdelay $0x3  }
.LBB2_1:
0x11: {  	[tilespmem:s1], [sflag:$0x5] =	stream.linear.gather [hbm4b:s9+s1], $0x80, $0x38;
	[tilespmem:$0x10200] =	vst v63  }
0x12: {  	_ =	swait.ge [sflag:s13], $0x80  }
0x13: {  	[sflag:s13] =	ssyncset.done $0x0  }
0x14: {  	[sflag:s13] =	ssyncadd.s32 $0xFFFFFF80  }
0x15: {  	[tilespmem:s14], [sflag:$0x5] =	stream.linear.gather [hbm4b:s10+s1], $0x80, $0x38;
	[tilespmem:$0x10200] =	vst v63  }
0x16: {  	_ =	swait.ge [sflag:s13], $0x80  }
.Ltmp2:
0x17: {  	[sflag:s13] =	ssyncset.done $0x0;
	(pc) =	sbr.rel .LBB2_2-.Ltmp2, $4  }
0x18: {  	[sflag:s13] =	ssyncadd.s32 $0xFFFFFF80  }
0x19: {  	[tilespmem:s16], [sflag:$0x1] =	stream.indirect.gather [hbm4b:s3+s15], $0x80, s1, s15, $0xb8;
	[tilespmem:$0x10200] =	vst v63  }
0x1a: {  	s0 =	simm.s32 $0x8200;
	s25 =	simm.s32 $0x0  }
0x1b: {  	[tilespmem:s0], [sflag:$0x3] =	stream.indirect.gather [hbm4b:s4+s15], $0x80, s14, s15, $0xb8;
	[tilespmem:$0x10200] =	vst v63  }
.LBB2_8:
0x1c: {  	s25 =	sadd.s32 $0x1, s25  }
0x1d: {  	p0 =	sne.s32 s25, $0x14  }
.Ltmp3:
0x1e: {  	_ = 	snop;
	(pc) =	sbr.rel @!p0 .LBB2_9-.Ltmp3, $1  }
0x1f: {  	_ =	sdelay $0x3  }
.LBB2_2:
0x20: {  	s28 =	sshll.u32 s25, $0x6  }
0x21: {  	s29 =	sor.u32 s28, s6  }
0x22: {  	s26 =	sor.u32 $0x20, s29  }
0x23: {  	p0 =	sgt.u32 s26, $0x4E1  }
0x24: {  	s30 =	sshll.u32 @!p0 s26, $0x4  }
0x25: {  	s0 =	simm.s32 @!p0 $0x0;
	s2 =	simm.s32 @!p0 $0x80;
	s31 =	sadd.s32 @!p0 s5, s30  }
0x26: {  	[tilespmem:s2], [sflag:$0x6] =	stream.linear.gather @!p0 [hbm4b:s31+s0], $0x80, $0x38;
	[tilespmem:$0x10200] =	vst v63  }
0x27: {  	s31 =	simm.s32 @!p0 $0x6  }
0x28: {  	_ =	swait.ge @!p0 [sflag:s31], $0x80  }
0x29: {  	[sflag:s31] =	ssyncset.done @!p0 $0x0  }
0x2a: {  	s17 =	simm.s32 @!p0 $0x180;
	s30 =	sadd.s32 @!p0 s7, s30;
	[sflag:s31] =	ssyncadd.s32 @!p0 $0xFFFFFF80  }
0x2b: {  	[tilespmem:s17], [sflag:$0x6] =	stream.linear.gather @!p0 [hbm4b:s30+s0], $0x80, $0x38;
	[tilespmem:$0x10200] =	vst v63  }
0x2c: {  	_ =	swait.ge @!p0 [sflag:s31], $0x80  }
0x2d: {  	[sflag:s31] =	ssyncset.done @!p0 $0x0  }
0x2e: {  	s0 =	simm.s32 @!p0 $0x4200;
	[sflag:s31] =	ssyncadd.s32 @!p0 $0xFFFFFF80  }
0x2f: {  	[tilespmem:s0], [sflag:$0x2] =	stream.indirect.gather @!p0 [hbm4b:s3+s2], $0x80, s2, s2, $0xb8;
	[tilespmem:$0x10200] =	vst v63  }
0x30: {  	s0 =	simm.s32 @!p0 $0xC200  }
0x31: {  	[tilespmem:s0], [sflag:$0x4] =	stream.indirect.gather @!p0 [hbm4b:s4+s2], $0x80, s17, s2, $0xb8;
	[tilespmem:$0x10200] =	vst v63  }
0x32: {  	_ =	swait.ge [sflag:s18], $0x4000  }
0x33: {  	[sflag:s18] =	ssyncset.done $0x0  }
0x34: {  	[sflag:s18] =	ssyncadd.s32 $0xFFFFC000  }
0x35: {  	_ =	swait.ge [sflag:s19], $0x4000  }
0x36: {  	[sflag:s19] =	ssyncset.done $0x0  }
0x37: {  	s30 =	simm.s32 $0x0;
	[sflag:s19] =	ssyncadd.s32 $0xFFFFC000  }
0x38: {  	v5 =	vld [tilespmem:s30+$0x8200]  }
0x39: {  	v6 =	vld [tilespmem:s30+$0x8210]  }
0x3a: {  	v1 =	vld [tilespmem:s30+$0x8220]  }
0x3b: {  	v0 =	vld [tilespmem:s30+$0x8230]  }
0x3c: {  	v2 =	vld [tilespmem:s30+$0x200]  }
0x3d: {  	v4 =	vld [tilespmem:s30+$0x210]  }
0x3e: {  	s31 =	simm.s32 $0x200;
	v3 =	vld [tilespmem:s30+$0x220]  }
.LBB2_3:
0x3f: {  	s0 =	sshra.s32 s31, $0x2;
	p1 =	sne.s32 s31, $0xFE00;
	v7 =	vld [tilespmem:s30+$0x230];
	v8 =	vmov v1  }
0x40: {  	v9 =	vld [tilespmem:s0+$0x8200];
	v10 =	vmov v0  }
0x41: {  	v11 =	vld [tilespmem:s0+$0x8210];
	v2 =	vadd.f32 v5, v2  }
.Ltmp4:
0x42: {  	v1 =	vld [tilespmem:s0+$0x8220];
	v4 =	vadd.f32 v6, v4;
	(pc) =	sbr.rel @p1 .LBB2_3-.Ltmp4, $4  }
0x43: {  	v0 =	vld [tilespmem:s0+$0x8230];
	[tilespmem:s30+$0x200] =	vst v2;
	v3 =	vadd.f32 v8, v3  }
0x44: {  	v2 =	vld [tilespmem:s0+$0x200];
	[tilespmem:s30+$0x210] =	vst v4;
	v7 =	vadd.f32 v10, v7  }
0x45: {  	v4 =	vld [tilespmem:s0+$0x210];
	[tilespmem:s30+$0x220] =	vst v3;
	v5 =	vmov v9  }
0x46: {  	s31 =	sadd.s32 $0x200, s31;
	v3 =	vld [tilespmem:s0+$0x220];
	[tilespmem:s30+$0x230] =	vst v7;
	v6 =	vmov v11;
	s30 =	smov.u32 s0  }
0x47: {  	v7 =	vld [tilespmem:s30+$0x230];
	_ =	sdelay $0x1  }
0x48: {  	v2 =	vadd.f32 v5, v2  }
0x49: {  	v4 =	vadd.f32 v6, v4  }
0x4a: {  	[tilespmem:s30+$0x200] =	vst v2;
	v1 =	vadd.f32 v1, v3  }
0x4b: {  	[tilespmem:s30+$0x210] =	vst v4;
	v0 =	vadd.f32 v0, v7  }
0x4c: {  	s0 =	sshll.u32 s29, $0xB;
	[tilespmem:s30+$0x220] =	vst v1  }
0x4d: {  	s0 =	sadd.s32 s8, s0;
	[tilespmem:s30+$0x230] =	vst v0  }
0x4e: {  	[hbm4b:s0+s1] =	stream.linear.scatter [tilespmem:s16], [sflag:$0x6], $0x4000, $0x38;
	[tilespmem:$0x10200] =	vst v63  }
0x4f: {  	s0 =	sadd.s32 s11, s28  }
0x50: {  	_ =	swait.ge [sflag:s20], $0x4000;
	p1 =	sgt.u32 s0, $0x4E1  }
0x51: {  	[sflag:s20] =	ssyncset.done $0x0;
	s0 =	sshll.u32 @!p1 s0, $0x4  }
0x52: {  	s17 =	simm.s32 @!p1 $0x0;
	[sflag:s20] =	ssyncadd.s32 $0xFFFFC000;
	s2 =	sadd.s32 @!p1 s5, s0  }
0x53: {  	[tilespmem:s17], [sflag:$0x6] =	stream.linear.gather @!p1 [hbm4b:s2+s17], $0x80, $0x38;
	[tilespmem:$0x10200] =	vst v63  }
0x54: {  	s2 =	simm.s32 @!p1 $0x6  }
0x55: {  	_ =	swait.ge @!p1 [sflag:s2], $0x80  }
0x56: {  	[sflag:s2] =	ssyncset.done @!p1 $0x0  }
0x57: {  	s28 =	simm.s32 @!p1 $0x100;
	s0 =	sadd.s32 @!p1 s7, s0;
	[sflag:s2] =	ssyncadd.s32 @!p1 $0xFFFFFF80  }
0x58: {  	[tilespmem:s28], [sflag:$0x6] =	stream.linear.gather @!p1 [hbm4b:s0+s17], $0x80, $0x38;
	[tilespmem:$0x10200] =	vst v63  }
0x59: {  	_ =	swait.ge @!p1 [sflag:s2], $0x80  }
.Ltmp5:
0x5a: {  	[sflag:s2] =	ssyncset.done @!p1 $0x0;
	(pc) =	sbr.rel @p0 .LBB2_8-.Ltmp5, $4  }
0x5b: {  	s0 =	simm.s32 @!p1 $0x80;
	[sflag:s2] =	ssyncadd.s32 @!p1 $0xFFFFFF80;
	s2 =	simm.s32 @!p1 $0x200  }
0x5c: {  	[tilespmem:s2], [sflag:$0x1] =	stream.indirect.gather @!p1 [hbm4b:s3+s0], $0x80, s17, s0, $0xb8;
	[tilespmem:$0x10200] =	vst v63  }
0x5d: {  	s2 =	simm.s32 @!p1 $0x8200  }
0x5e: {  	[tilespmem:s2], [sflag:$0x3] =	stream.indirect.gather @!p1 [hbm4b:s4+s0], $0x80, s28, s0, $0xb8;
	[tilespmem:$0x10200] =	vst v63  }
0x5f: {  	_ =	swait.ge [sflag:s21], $0x4000  }
0x60: {  	[sflag:s21] =	ssyncset.done $0x0  }
0x61: {  	[sflag:s21] =	ssyncadd.s32 $0xFFFFC000  }
0x62: {  	_ =	swait.ge [sflag:s22], $0x4000  }
0x63: {  	[sflag:s22] =	ssyncset.done $0x0  }
0x64: {  	s28 =	simm.s32 $0x0;
	[sflag:s22] =	ssyncadd.s32 $0xFFFFC000  }
0x65: {  	v5 =	vld [tilespmem:s28+$0xC200]  }
0x66: {  	v6 =	vld [tilespmem:s28+$0xC210]  }
0x67: {  	v1 =	vld [tilespmem:s28+$0xC220]  }
0x68: {  	v0 =	vld [tilespmem:s28+$0xC230]  }
0x69: {  	v2 =	vld [tilespmem:s28+$0x4200]  }
0x6a: {  	v4 =	vld [tilespmem:s28+$0x4210]  }
0x6b: {  	s29 =	simm.s32 $0x200;
	v3 =	vld [tilespmem:s28+$0x4220]  }
.LBB2_6:
0x6c: {  	s0 =	sshra.s32 s29, $0x2;
	p0 =	sne.s32 s29, $0xFE00;
	v7 =	vld [tilespmem:s28+$0x4230];
	v8 =	vmov v1  }
0x6d: {  	v9 =	vld [tilespmem:s0+$0xC200];
	v10 =	vmov v0  }
0x6e: {  	v11 =	vld [tilespmem:s0+$0xC210];
	v2 =	vadd.f32 v5, v2  }
.Ltmp6:
0x6f: {  	v1 =	vld [tilespmem:s0+$0xC220];
	v4 =	vadd.f32 v6, v4;
	(pc) =	sbr.rel @p0 .LBB2_6-.Ltmp6, $4  }
0x70: {  	v0 =	vld [tilespmem:s0+$0xC230];
	[tilespmem:s28+$0x4200] =	vst v2;
	v3 =	vadd.f32 v8, v3  }
0x71: {  	v2 =	vld [tilespmem:s0+$0x4200];
	[tilespmem:s28+$0x4210] =	vst v4;
	v7 =	vadd.f32 v10, v7  }
0x72: {  	v4 =	vld [tilespmem:s0+$0x4210];
	[tilespmem:s28+$0x4220] =	vst v3;
	v5 =	vmov v9  }
0x73: {  	s29 =	sadd.s32 $0x200, s29;
	v3 =	vld [tilespmem:s0+$0x4220];
	[tilespmem:s28+$0x4230] =	vst v7;
	v6 =	vmov v11;
	s28 =	smov.u32 s0  }
0x74: {  	v7 =	vld [tilespmem:s28+$0x4230];
	_ =	sdelay $0x1  }
0x75: {  	v2 =	vadd.f32 v5, v2  }
0x76: {  	v4 =	vadd.f32 v6, v4  }
0x77: {  	[tilespmem:s28+$0x4200] =	vst v2;
	v1 =	vadd.f32 v1, v3  }
0x78: {  	[tilespmem:s28+$0x4210] =	vst v4;
	v0 =	vadd.f32 v0, v7  }
0x79: {  	s0 =	sshll.u32 s26, $0xB;
	[tilespmem:s28+$0x4220] =	vst v1  }
.Ltmp7:
0x7a: {  	s0 =	sadd.s32 s8, s0;
	[tilespmem:s28+$0x4230] =	vst v0;
	(pc) =	sbr.rel .LBB2_8-.Ltmp7, $4  }
0x7b: {  	[hbm4b:s0+s1] =	stream.linear.scatter [tilespmem:s23], [sflag:$0x5], $0x4000, $0x38;
	[tilespmem:$0x10200] =	vst v63  }
0x7c: {  	_ =	swait.ge [sflag:s13], $0x4000  }
0x7d: {  	[sflag:s13] =	ssyncset.done $0x0  }
0x7e: {  	[sflag:s13] =	ssyncadd.s32 $0xFFFFC000  }
.LBB2_10:
0x7f: {  	_ =	sfence.sel $0x180000  }
0x80: {  	[bflag:$0x0] =	sbarrier.arrive $0xFFFF  }
0x81: {  	_ =	strace $0x90000047  }
0x82: {  	s0 =	stileid.u32;
	[bflag:$0x2] =	sbarrier.arrive $0xFFFF  }
0x83: {  	p0 =	sne.s32 s0, $0x0;
	s0 =	rddreg [dreg:$0x1]  }
0x84: {  	s0 =	sadd.s32 @!p0 $0x100000, s0  }
0x85: {  	[sflag:s0] =	ssyncadd.tile.s32 @!p0 $0x1;
	_ =	shalt  }
.Lfunc_end2:
_tile_overlayer_lowered:
.L_overlay_start_2:
0x86: {  	(tag) =	ssettag $0x2  }
0x87: {  	s0 =	rddreg [dreg:$0x0];
	s2 =	stileid.u32  }
0x88: {  	s1 =	rddreg [dreg:$0x1];
	p0 =	sne.s32 s2, $0x0  }
0x89: {  	s3 =	rddreg [dreg:$0x2];
	[bflag:$0x3] =	sbarrier.arrive $0xFFFF;
	s2 =	simm.s32 @!p0 $0x1C05  }
0x8a: {  	[timem:s3], [sflag:s2] =	dma.local @!p0 [hbm:s0], s1  }
0x8b: {  	s0 =	simm.s32 @!p0 $0x5  }
0x8c: {  	_ =	swait.ge @!p0 [sflag:s0], s1  }
0x8d: {  	s1 =	ssub.s32 @!p0 $0x0, s1;
	[sflag:s0] =	ssyncset.done @!p0 $0x0  }
0x8e: {  	[sflag:s0] =	ssyncadd.s32 @!p0 s1  }
0x8f: {  	[bflag:$0x3] =	sbarrier.arrive $0xFFFF  }
0x90: {  	_ =	shalt  }

// kernel: kernel.13.cloned.1.call-start
scs
__scs_entry_jumppad:
0x0: {  	(pc) =	sbr.rel $0x88, $3  }
0x1: {  	(tag) =	ssettag $0x0;
	lr =	simm.s32 $0x1  }
0x2: {  	[smem:$0x3F8C] =	sst lr;
	_ =	strace $0xD0000000  }
0x3: {  	_ = 	snop  }
0x4: {  	_ = 	snop  }
0x5: {  	_ = 	snop  }
0x6: {  	_ = 	snop  }
0x7: {  	_ = 	snop  }
__scs_overlays_trampoline_lowered:
0x8: {  	[smem:$0x3F9B] =	sst s0  }
0x9: {  	[smem:$0x3F9C] =	sst s1  }
0xa: {  	[smem:$0x3F9D] =	sst s2  }
0xb: {  	[smem:$0x3F9E] =	sst s3  }
0xc: {  	[smem:$0x3F9F] =	sst s4  }
0xd: {  	[smem:$0x3FA0] =	sst s5  }
0xe: {  	[smem:$0x3FA1] =	sst s6  }
0xf: {  	[smem:$0x3FA2] =	sst s7  }
0x10: {  	[smem:$0x3FA3] =	sst s8  }
0x11: {  	[smem:$0x3FA4] =	sst s9;
	s0 =	simm.s32 @!p0 $0x0  }
0x12: {  	s1 =	sld [smem:$0x3F8A];
	s0 =	simm.s32 @p0 $0x1  }
0x13: {  	[smem:$0x3FA5] =	sst s0;
	s0 =	simm.s32 @!p1 $0x0  }
0x14: {  	s2 =	sld [smem:$0x3F89];
	s0 =	simm.s32 @p1 $0x1  }
0x15: {  	[smem:$0x3FA6] =	sst s0;
	s0 =	simm.s32 @!p2 $0x0  }
0x16: {  	s3 =	sld [smem:$0x3FDB];
	s0 =	simm.s32 @p2 $0x1  }
0x17: {  	s4 =	simm.s32 $0x1BF5;
	[smem:$0x3FA8] =	sst s0  }
0x18: {  	s0 =	sld [smem:$0x3F8B];
	_ =	swait.ge [sflag:s4], $0x0  }
0x19: {  	s7 =	sld [smem:$0x3F8C]  }
0x1a: {  	s8 =	sadd.s32 $0xFFFFE003, lr  }
0x1b: {  	s9 =	sadd.s32 $0xFFFFFEF7, lr;
	s5 =	simm.s32 $0xFFFFFFFF;
	p2 =	slt.u32 s8, $0xFFFFF086  }
0x1c: {  	p1 =	slt.u32 s9, $0xF7A;
	s5 =	simm.s32 @!p2 $0x0  }
0x1d: {  	s5 =	simm.s32 @p1 $0x1;
	p0 =	seq.s32 s7, s2  }
0x1e: {  	s7 =	smul.u32 @!p0 $0xF7A, s2;
	p2 =	seq.s32 @!p0 s5, $0x0  }
0x1f: {  	s9 =	smul.u32 $0xF7A, s1;
	s8 =	simm.s32 @!p0 $0x1BF5;
	p2 =	por !p2, p0  }
0x20: {  	[sflag:s8] =	ssyncset.s32 @!p0 $0xFFFFF086;
	s6 =	sadd.s32 @!p0 s3, s7;
	s7 =	simm.s32 @!p0 $0x108  }
0x21: {  	s3 =	sadd.s32 s3, s9;
	s6 =	sadd.s32 @!p0 $0x88, s6;
	s7 =	simm.s32 @p2 $0x1082  }
0x22: {  	[simem:s7], [sflag:s8] =	dma.local @!p0 [hbm:s6], $0xF7A  }
0x23: {  	s9 =	sor.u32 $0xD0000000, s2;
	s6 =	simm.s32 $0x108;
	_ =	swait.ge @!p0 [sflag:s8], $0x0  }
0x24: {  	s3 =	sadd.s32 $0x88, s3;
	s6 =	simm.s32 @!p1 $0x1082;
	[sflag:s4] =	ssyncset.s32 $0xFFFFF086  }
0x25: {  	[simem:s6], [sflag:s4] =	dma.local [hbm:s3], $0xF7A  }
0x26: {  	[smem:$0x3F8C] =	sst s1;
	(tag) =	ssettag s2;
	_ =	strace s9  }
0x27: {  	s1 =	sld [smem:$0x3F9C]  }
0x28: {  	s2 =	sld [smem:$0x3F9D]  }
0x29: {  	s4 =	sld [smem:$0x3F9F]  }
0x2a: {  	p0 =	seq.s32 s5, $0x0;
	s5 =	sld [smem:$0x3FA0]  }
0x2b: {  	s6 =	sld [smem:$0x3FA1]  }
0x2c: {  	s7 =	sld [smem:$0x3FA2]  }
0x2d: {  	s3 =	simm.s32 $0x108;
	s8 =	sld [smem:$0x3FA3]  }
0x2e: {  	s3 =	simm.s32 @!p0 $0x1082;
	s9 =	sld [smem:$0x3FA4]  }
0x2f: {  	lr =	sadd.s32 s0, s3;
	s0 =	sld [smem:$0x3F9B]  }
0x30: {  	s3 =	sld [smem:$0x3F9E]  }
0x31: {  	[smem:$0x3FA7] =	sst s10  }
0x32: {  	s10 =	sld [smem:$0x3FA5];
	_ =	sdelay $0x3  }
0x33: {  	p0 =	seq.s32 s10, $0x1;
	s10 =	sld [smem:$0x3FA7];
	_ =	sdelay $0x3  }
0x34: {  	[smem:$0x3FA7] =	sst s10  }
0x35: {  	s10 =	sld [smem:$0x3FA6];
	_ =	sdelay $0x3  }
0x36: {  	p1 =	seq.s32 s10, $0x1;
	s10 =	sld [smem:$0x3FA7];
	_ =	sdelay $0x3  }
0x37: {  	[smem:$0x3FA7] =	sst s10  }
0x38: {  	s10 =	sld [smem:$0x3FA8]  }
0x39: {  	_ = 	snop;
	(pc) =	sbr.ind lr, $3  }
0x3a: {  	_ = 	snop  }
0x3b: {  	_ = 	snop  }
0x3c: {  	p2 =	seq.s32 s10, $0x1;
	s10 =	sld [smem:$0x3FA7]  }
0x3d: {  	_ =	shalt  }
0x3e: {  	_ =	shalt  }
0x3f: {  	_ =	shalt  }
0x40: {  	_ =	shalt  }
0x41: {  	_ =	shalt  }
0x42: {  	_ =	shalt  }
0x43: {  	_ =	shalt  }
0x44: {  	_ =	shalt  }
0x45: {  	_ =	shalt  }
0x46: {  	_ =	shalt  }
0x47: {  	_ =	shalt  }
0x48: {  	_ =	shalt  }
0x49: {  	_ =	shalt  }
0x4a: {  	_ =	shalt  }
0x4b: {  	_ =	shalt  }
0x4c: {  	_ =	shalt  }
0x4d: {  	_ =	shalt  }
0x4e: {  	_ =	shalt  }
0x4f: {  	_ =	shalt  }
0x50: {  	_ =	shalt  }
0x51: {  	_ =	shalt  }
0x52: {  	_ =	shalt  }
0x53: {  	_ =	shalt  }
0x54: {  	_ =	shalt  }
0x55: {  	_ =	shalt  }
0x56: {  	_ =	shalt  }
0x57: {  	_ =	shalt  }
0x58: {  	_ =	shalt  }
0x59: {  	_ =	shalt  }
0x5a: {  	_ =	shalt  }
0x5b: {  	_ =	shalt  }
0x5c: {  	_ =	shalt  }
0x5d: {  	_ =	shalt  }
0x5e: {  	_ =	shalt  }
0x5f: {  	_ =	shalt  }
0x60: {  	_ =	shalt  }
0x61: {  	_ =	shalt  }
0x62: {  	_ =	shalt  }
0x63: {  	_ =	shalt  }
0x64: {  	_ =	shalt  }
0x65: {  	_ =	shalt  }
0x66: {  	_ =	shalt  }
0x67: {  	_ =	shalt  }
0x68: {  	_ =	shalt  }
0x69: {  	_ =	shalt  }
0x6a: {  	_ =	shalt  }
0x6b: {  	_ =	shalt  }
0x6c: {  	_ =	shalt  }
0x6d: {  	_ =	shalt  }
0x6e: {  	_ =	shalt  }
0x6f: {  	_ =	shalt  }
0x70: {  	_ =	shalt  }
0x71: {  	_ =	shalt  }
0x72: {  	_ =	shalt  }
0x73: {  	_ =	shalt  }
0x74: {  	_ =	shalt  }
0x75: {  	_ =	shalt  }
0x76: {  	_ =	shalt  }
0x77: {  	_ =	shalt  }
0x78: {  	_ =	shalt  }
0x79: {  	_ =	shalt  }
0x7a: {  	_ =	shalt  }
0x7b: {  	_ =	shalt  }
0x7c: {  	_ =	shalt  }
0x7d: {  	_ =	shalt  }
0x7e: {  	_ =	shalt  }
0x7f: {  	_ =	shalt  }
0x80: {  	_ =	shalt  }
0x81: {  	_ =	shalt  }
0x82: {  	_ =	shalt  }
0x83: {  	_ =	shalt  }
0x84: {  	_ =	shalt  }
0x85: {  	_ =	shalt  }
0x86: {  	_ =	shalt  }
0x87: {  	_ =	shalt  }
.Lfunc_end0:
.L_simem_size_0:
called_computation.2_lowered:
.L_overlay_start_0:
0x88: {  	s2 =	sld [smem:$0x3FD9]  }
0x89: {  	s3 =	sld [smem:$0x3FFE];
	_ =	sdelay $0x1  }
0x8a: {  	s1 =	srdreg.scid  }
0x8b: {  	s0 =	sand.u32 $0x1, s1  }
0x8c: {  	s17 =	sshll.u32 s0, $0xA;
	s2 =	sadd.s32 s3, s2  }
0x8d: {  	s2 =	sadd.s32 s2, s17  }
0x8e: {  	[smem:$0x3FB3] =	sst s2  }
0x8f: {  	_ = 	snop  }
0x90: {  	(tm) =	ssettm $0x1  }
0x91: {  	s18 =	sld [smem:$0x3FFB];
	_ =	sdelay $0x3  }
0x92: {  	_ =	strace s18  }
0x93: {  	s2 =	sld [smem:$0x3FFC];
	_ =	sdelay $0x3  }
0x94: {  	_ =	strace s2  }
0x95: {  	s2 =	sld [smem:$0x3FFD];
	_ =	sdelay $0x3  }
0x96: {  	_ =	strace s2  }
0x97: {  	_ =	strace $0x8FFFFFFF  }
0x98: {  	s19 =	sld [smem:$0x3FDB];
	_ =	sdelay $0x1  }
0x99: {  	s20 =	simm.s32 $_scs_section_size  }
0x9a: {  	s4 =	simm.s32 $_size__tile_overlayer_lowered;
	s5 =	simm.s32 $_tile_overlayer_lowered  }
0x9b: {  	s6 =	simm.s32 $0x1BFF;
	s21 =	sshll.u32 s5, $0x1;
	s3 =	sadd.s32 s20, s19  }
0x9c: {  	s22 =	simm.s32 $0x0;
	s4 =	sshll.u32 s4, $0x1;
	s5 =	sadd.s32 s21, s3  }
0x9d: {  	[timem:s22], [sflag:s6] =	dma.local [hbm:s5], s4  }
0x9e: {  	_ =	swait.ge [sflag:s6], s4  }
0x9f: {  	s4 =	ssub.s32 $0x0, s4;
	[sflag:s6] =	ssyncset.done $0x0  }
0xa0: {  	[sflag:s6] =	ssyncadd.s32 s4;
	_ =	sdelay $0x1  }
0xa1: {  	s23 =	simm.s32 $0x1B8B  }
0xa2: {  	_ =	swait.ge [sflag:s23], $0x1  }
0xa3: {  	[sflag:s23] =	ssyncset.done $0x0  }
0xa4: {  	[sflag:s23] =	ssyncadd.s32 $0xFFFFFFFF  }
0xa5: {  	s4 =	sld [smem:$0x0]  }
0xa6: {  	s5 =	sand.u32 $0xFFFFFFFE, s1  }
0xa7: {  	p0 =	sne.s32 s1, s5  }
0xa8: {  	s5 =	sshll.u32 @p0 s5, $0xE  }
0xa9: {  	s5 =	sadd.s32 @p0 $0x11B8D, s5;
	s6 =	sshll.u32 @p0 s4, $0x11  }
0xaa: {  	s5 =	sor.u32 @p0 s6, s5  }
0xab: {  	[sflag:s5] =	ssyncadd.remote.s32 @p0 $0x1;
	_ =	sdelay $0x1  }
0xac: {  	s5 =	simm.s32 @p0 $0x1B8D  }
0xad: {  	_ =	swait.eq @p0 [sflag:s5], $0x1  }
0xae: {  	[sflag:s5] =	ssyncadd.s32 @p0 $0xFFFFFFFF  }
0xaf: {  	s6 =	sshll.u32 @!p0 s1, $0xE  }
0xb0: {  	s6 =	sor.u32 @!p0 $0x4000, s6;
	s5 =	simm.s32 @!p0 $0x1B8D  }
0xb1: {  	s4 =	sshll.u32 @!p0 s4, $0x11;
	s6 =	sadd.s32 @!p0 $0x11B8D, s6;
	_ =	swait.eq @!p0 [sflag:s5], $0x1  }
0xb2: {  	s4 =	sor.u32 @!p0 s4, s6;
	[sflag:s5] =	ssyncadd.s32 @!p0 $0xFFFFFFFF  }
0xb3: {  	s25 =	simm.s32 $0x1B8E;
	s24 =	sld [smem:$0x3FFE];
	[sflag:s4] =	ssyncadd.remote.s32 @!p0 $0x1  }
0xb4: {  	s26 =	simm.s32 $execute0_lowered;
	[smem:$0x3FD2] =	sst s25  }
0xb5: {  	s5 =	sshll.u32 s26, $0x1;
	_ =	strace $0x8000004C;
	[dreg:$0x1] =	wrdreg $0xFFFFFFFF  }
0xb6: {  	s28 =	simm.s32 $_size_execute0_lowered;
	s3 =	sadd.s32 s3, s5;
	[dreg:$0x0] =	wrdreg $0x0  }
0xb7: {  	s5 =	sshll.u32 s28, $0x1;
	[dreg:$0x2] =	wrdreg s3  }
0xb8: {  	[dreg:$0x3] =	wrdreg s5  }
0xb9: {  	[dreg:$0x4] =	wrdreg $0xC0  }
0xba: {  	_ =	task [dreg:s22], $0x5FFFF  }
0xbb: {  	[dreg:$0x1] =	wrdreg $0xFFFFFFFF  }
0xbc: {  	[dreg:$0x0] =	wrdreg $0x60  }
0xbd: {  	[dreg:$0x2] =	wrdreg s24  }
0xbe: {  	[dreg:$0x3] =	wrdreg $0x28800  }
0xbf: {  	[dreg:$0x4] =	wrdreg $0x9  }
0xc0: {  	_ =	task.clear_ibuf [dreg:s22], $0x5FFFF;
	_ =	strace $0x9000004C  }
0xc1: {  	s29 =	simm.s32 $0x9;
	_ =	strace $0x8000004E  }
0xc2: {  	_ =	swait.ge [sflag:s29], $0x1  }
0xc3: {  	[sflag:s29] =	ssyncadd.s32 $0xFFFFFFFF  }
0xc4: {  	_ =	strace $0x9000004E  }
0xc5: {  	_ =	sfence  }
0xc6: {  	s30 =	sld [smem:$0x0];
	_ =	sdelay $0x2  }
0xc7: {  	s31 =	sshll.u32 s1, $0xD;
	s1 =	sshrl.u32 s1, $0x2  }
0xc8: {  	s4 =	sand.u32 $0x4000, s31;
	s1 =	sadd.s32 s1, s30  }
0xc9: {  	s0 =	sor.u32 s4, s0;
	s1 =	sshll.u32 s1, $0x11  }
0xca: {  	s0 =	sor.u32 s1, s0  }
0xcb: {  	s0 =	sadd.s32 $0x8F2B, s0  }
0xcc: {  	[sflag:s0] =	ssyncadd.remote.s32 $0x1  }
0xcd: {  	_ =	sfence.sel $0xFFFF  }
0xce: {  	[dreg:$0x0] =	wrdreg $0xFFFFFFFF;
	(pc) =	sbr.abs _section_cstart, $3  }
0xcf: {  	[dreg:$0x1] =	wrdreg $0xFFFFFFFF  }
0xd0: {  	_ =	task.clear_ibuf [dreg:s22], $0x2FFFF;
	_ =	strace $0x9FFFFFFF  }
0xd1: {  	(tm) =	ssettm $0x7FFFFFFF  }
tec
execute0_lowered:
.L_overlay_start_1:
0x0: {  	(tag) =	ssettag $0x1  }
0x1: {  	s4 =	rddreg [dreg:$0x0]  }
0x2: {  	s2 =	rddreg [dreg:$0x1];
	s1 =	stileid.u32  }
0x3: {  	s0 =	rddreg [dreg:$0x2];
	s5 =	smul.u32 $0xA00, s1  }
0x4: {  	s3 =	simm.s32 $0x0;
	s7 =	srdreg.scid;
	s6 =	smul.u32 $0xC350, s1  }
0x5: {  	[smem:$0x7FF] =	sst s3;
	s7 =	sand.u32 $0x1, s7;
	s8 =	smul.u32 $0x186A, s1  }
0x6: {  	s9 =	sshll.u32 s1, $0x5;
	s29 =	sshll.u32 s1, $0x6;
	_ =	strace $0x8000004D  }
0x7: {  	s10 =	smul.u32 $0x186A0, s7;
	s9 =	sadd.s32 s9, s4;
	s26 =	ssub.s32 $0x2, s7  }
0x8: {  	s30 =	sshll.u32 s7, $0x4;
	s14 =	smul.u32 $0x500, s7;
	s11 =	sadd.s32 s5, s4  }
0x9: {  	s12 =	sshrl.u32 s6, $0x3;
	s28 =	sshrl.u32 s26, $0x1;
	s13 =	sadd.s32 s6, s2  }
0xa: {  	s6 =	sor.u32 $0x1C01, s29;
	s9 =	sadd.s32 s30, s9;
	s8 =	sadd.s32 s8, s10  }
0xb: {  	s12 =	sadd.s32 s12, s4;
	s10 =	ssub.s32 s26, s28;
	s9 =	sadd.s32 $0xDE00, s9  }
0xc: {  	s31 =	sadd.s32 s14, s11;
	s11 =	sshrl.u32 s13, $0x3;
	s8 =	sadd.s32 s8, s4  }
0xd: {  	s4 =	sshll.u32 s1, $0x1;
	s5 =	sadd.s32 $0x1E7C00, s12;
	s12 =	simm.s32 $0x1  }
0xe: {  	s7 =	sadd.s32 $0x200400, s8;
	s8 =	smax.u32 s10, $0x1;
	s10 =	sadd.s32 $0x61200, s31  }
.LBB2_1:
0xf: {  	[spmem:s11], [sflag:s6] =	dma.local [hbm:s5], $0x186A  }
0x10: {  	_ =	swait.ge [sflag:s12], $0x186A  }
0x11: {  	s13 =	sadd.s32 $0x0, s4;
	[sflag:s12] =	ssyncset.done $0x0  }
0x12: {  	p0 =	sgt.u32 s13, $0x4E1;
	[sflag:s12] =	ssyncadd.s32 $0xFFFFE796  }
0x13: {  	s13 =	simm.s32 @!p0 $0x0;
	s15 =	simm.s32 @!p0 $0x2;
	[bflag:$0x0] =	sbarrier.arrive $0xFFFF  }
0x14: {  	[tilespmem:s13], [sflag:$0x2] =	stream.linear.gather @!p0 [hbm4b:s9+s13], $0x80, $0x38;
	[tilespmem:$0xEBD0] =	vst v63  }
0x15: {  	_ =	swait.ge @!p0 [sflag:s15], $0x80  }
0x16: {  	[sflag:s15] =	ssyncset.done @!p0 $0x0;
	p0 =	por p0, p0  }
0x17: {  	[sflag:s15] =	ssyncadd.s32 @!p0 $0xFFFFFF80;
	s17 =	simm.s32 @!p0 $0x80  }
0x18: {  	[tilespmem:s17], [sflag:$0x2] =	stream.linear.gather @!p0 [hbm4b:s10+s13], $0x2800, $0x38;
	[tilespmem:$0xEBD0] =	vst v63  }
0x19: {  	_ =	swait.ge @!p0 [sflag:s15], $0x2800  }
0x1a: {  	[sflag:s15] =	ssyncset.done @!p0 $0x0  }
0x1b: {  	s31 =	sadd.s32 $0x20, s4;
	s16 =	simm.s32 @!p0 $0x1;
	[sflag:s15] =	ssyncadd.s32 @!p0 $0xFFFFD800  }
0x1c: {  	[spmem:s2] =	stream.indirect.scatter.add.f32 @!p0 [tilespmem:s17], [sflag:$0x1], $0x50, s13, s17, $0xb8;
	[tilespmem:$0xEBD0] =	vst v63  }
0x1d: {  	s14 =	simm.s32 $0x40;
	p1 =	sgt.u32 s31, $0x4E1;
	_ =	swait.ge @!p0 [sflag:s16], $0x2800  }
0x1e: {  	s15 =	sadd.s32 $0x200, s9;
	s13 =	sadd.s32 $0xA000, s10;
	[sflag:s16] =	ssyncset.done @!p0 $0x0  }
.LBB2_2:
0x1f: {  	s17 =	simm.s32 @!p1 $0x0;
	s18 =	simm.s32 @!p1 $0x2;
	[sflag:s16] =	ssyncadd.s32 @!p0 $0xFFFFD800  }
0x20: {  	[tilespmem:s17], [sflag:$0x2] =	stream.linear.gather @!p1 [hbm4b:s15+s17], $0x80, $0x38;
	[tilespmem:$0xEBD0] =	vst v63  }
0x21: {  	s19 =	smov.u32 s14;
	s14 =	sadd.s32 $0x20, s14;
	_ =	swait.ge @!p1 [sflag:s18], $0x80  }
0x22: {  	p0 =	por p1, p1;
	p2 =	sne.s32 s14, $0x500;
	[sflag:s18] =	ssyncset.done @!p1 $0x0  }
0x23: {  	s20 =	simm.s32 @!p0 $0x80;
	[sflag:s18] =	ssyncadd.s32 @!p0 $0xFFFFFF80  }
0x24: {  	[tilespmem:s20], [sflag:$0x2] =	stream.linear.gather @!p0 [hbm4b:s13+s17], $0x2800, $0x38;
	[tilespmem:$0xEBD0] =	vst v63  }
0x25: {  	_ =	swait.ge @!p0 [sflag:s18], $0x2800  }
.Ltmp0:
0x26: {  	[sflag:s18] =	ssyncset.done @!p0 $0x0;
	(pc) =	sbr.rel @p2 .LBB2_2-.Ltmp0, $4  }
0x27: {  	s16 =	simm.s32 @!p0 $0x1;
	[sflag:s18] =	ssyncadd.s32 @!p0 $0xFFFFD800  }
0x28: {  	[spmem:s2] =	stream.indirect.scatter.add.f32 @!p0 [tilespmem:s20], [sflag:$0x1], $0x50, s17, s20, $0xb8;
	[tilespmem:$0xEBD0] =	vst v63  }
0x29: {  	s13 =	sadd.s32 $0xA000, s13;
	s17 =	sadd.s32 s19, s4;
	_ =	swait.ge @!p0 [sflag:s16], $0x2800  }
0x2a: {  	s15 =	sadd.s32 $0x200, s15;
	p1 =	sgt.u32 s17, $0x4E1;
	[sflag:s16] =	ssyncset.done @!p0 $0x0  }
0x2b: {  	s14 =	simm.s32 @!p1 $0x0;
	s17 =	simm.s32 @!p1 $0x2;
	[sflag:s16] =	ssyncadd.s32 @!p0 $0xFFFFD800  }
0x2c: {  	[tilespmem:s14], [sflag:$0x2] =	stream.linear.gather @!p1 [hbm4b:s15+s14], $0x80, $0x38;
	[tilespmem:$0xEBD0] =	vst v63  }
0x2d: {  	_ =	swait.ge @!p1 [sflag:s17], $0x80  }
0x2e: {  	p0 =	por p1, p1;
	[sflag:s17] =	ssyncset.done @!p1 $0x0  }
0x2f: {  	s15 =	simm.s32 @!p0 $0x80;
	[sflag:s17] =	ssyncadd.s32 @!p0 $0xFFFFFF80  }
0x30: {  	[tilespmem:s15], [sflag:$0x2] =	stream.linear.gather @!p0 [hbm4b:s13+s14], $0x2800, $0x38;
	[tilespmem:$0xEBD0] =	vst v63  }
0x31: {  	_ =	swait.ge @!p0 [sflag:s17], $0x2800  }
0x32: {  	[sflag:s17] =	ssyncset.done @!p0 $0x0  }
0x33: {  	s13 =	simm.s32 @!p0 $0x1;
	[sflag:s17] =	ssyncadd.s32 @!p0 $0xFFFFD800  }
0x34: {  	[spmem:s2] =	stream.indirect.scatter.add.f32 @!p0 [tilespmem:s15], [sflag:$0x1], $0x50, s14, s15, $0xb8;
	[tilespmem:$0xEBD0] =	vst v63  }
0x35: {  	_ =	swait.ge @!p0 [sflag:s13], $0x2800  }
0x36: {  	s3 =	sadd.s32 $0x1, s3;
	[sflag:s13] =	ssyncset.done @!p0 $0x0  }
0x37: {  	[sflag:s13] =	ssyncadd.s32 @!p0 $0xFFFFD800;
	p0 =	sne.s32 s3, s8  }
.Ltmp1:
0x38: {  	[bflag:$0x0] =	sbarrier.arrive $0xFFFF;
	(pc) =	sbr.rel @p0 .LBB2_1-.Ltmp1, $4  }
0x39: {  	[hbm:s7], [sflag:s6] =	dma.local [spmem:s11], $0x186A  }
0x3a: {  	_ =	swait.ge [sflag:s12], $0x186A  }
0x3b: {  	[sflag:s12] =	ssyncset.done $0x0  }
0x3c: {  	[sflag:s12] =	ssyncadd.s32 $0xFFFFE796  }
0x3d: {  	_ =	sfence.sel $0x180000  }
0x3e: {  	[bflag:$0x0] =	sbarrier.arrive $0xFFFF  }
0x3f: {  	p0 =	sne.s32 s1, $0x0;
	_ =	strace $0x9000004D  }
0x40: {  	s0 =	sadd.s32 @!p0 $0x100000, s0;
	[bflag:$0x2] =	sbarrier.arrive $0xFFFF  }
0x41: {  	[sflag:s0] =	ssyncadd.tile.s32 @!p0 $0x1;
	_ =	shalt  }
.Lfunc_end2:
_tile_overlayer_lowered:
.L_overlay_start_2:
0x42: {  	(tag) =	ssettag $0x2  }
0x43: {  	s0 =	rddreg [dreg:$0x0];
	s2 =	stileid.u32  }
0x44: {  	s1 =	rddreg [dreg:$0x1];
	p0 =	sne.s32 s2, $0x0  }
0x45: {  	s3 =	rddreg [dreg:$0x2];
	[bflag:$0x3] =	sbarrier.arrive $0xFFFF;
	s2 =	simm.s32 @!p0 $0x1C01  }
0x46: {  	[timem:s3], [sflag:s2] =	dma.local @!p0 [hbm:s0], s1  }
0x47: {  	s0 =	simm.s32 @!p0 $0x1  }
0x48: {  	_ =	swait.ge @!p0 [sflag:s0], s1  }
0x49: {  	s1 =	ssub.s32 @!p0 $0x0, s1;
	[sflag:s0] =	ssyncset.done @!p0 $0x0  }
0x4a: {  	[sflag:s0] =	ssyncadd.s32 @!p0 s1  }
0x4b: {  	[bflag:$0x3] =	sbarrier.arrive $0xFFFF  }
0x4c: {  	_ =	shalt  }

// kernel: kernel.16.cloned.1.call-start
scs
__scs_entry_jumppad:
0x0: {  	(pc) =	sbr.rel $0x88, $3  }
0x1: {  	(tag) =	ssettag $0x0;
	lr =	simm.s32 $0x1  }
0x2: {  	[smem:$0x3F8C] =	sst lr;
	_ =	strace $0xD0000000  }
0x3: {  	_ = 	snop  }
0x4: {  	_ = 	snop  }
0x5: {  	_ = 	snop  }
0x6: {  	_ = 	snop  }
0x7: {  	_ = 	snop  }
__scs_overlays_trampoline_lowered:
0x8: {  	[smem:$0x3F9B] =	sst s0  }
0x9: {  	[smem:$0x3F9C] =	sst s1  }
0xa: {  	[smem:$0x3F9D] =	sst s2  }
0xb: {  	[smem:$0x3F9E] =	sst s3  }
0xc: {  	[smem:$0x3F9F] =	sst s4  }
0xd: {  	[smem:$0x3FA0] =	sst s5  }
0xe: {  	[smem:$0x3FA1] =	sst s6  }
0xf: {  	[smem:$0x3FA2] =	sst s7  }
0x10: {  	[smem:$0x3FA3] =	sst s8  }
0x11: {  	[smem:$0x3FA4] =	sst s9;
	s0 =	simm.s32 @!p0 $0x0  }
0x12: {  	s1 =	sld [smem:$0x3F8A];
	s0 =	simm.s32 @p0 $0x1  }
0x13: {  	[smem:$0x3FA5] =	sst s0;
	s0 =	simm.s32 @!p1 $0x0  }
0x14: {  	s2 =	sld [smem:$0x3F89];
	s0 =	simm.s32 @p1 $0x1  }
0x15: {  	[smem:$0x3FA6] =	sst s0;
	s0 =	simm.s32 @!p2 $0x0  }
0x16: {  	s3 =	sld [smem:$0x3FDB];
	s0 =	simm.s32 @p2 $0x1  }
0x17: {  	s4 =	simm.s32 $0x1BF5;
	[smem:$0x3FA8] =	sst s0  }
0x18: {  	s0 =	sld [smem:$0x3F8B];
	_ =	swait.ge [sflag:s4], $0x0  }
0x19: {  	s7 =	sld [smem:$0x3F8C]  }
0x1a: {  	s8 =	sadd.s32 $0xFFFFE003, lr  }
0x1b: {  	s9 =	sadd.s32 $0xFFFFFEF7, lr;
	s5 =	simm.s32 $0xFFFFFFFF;
	p2 =	slt.u32 s8, $0xFFFFF086  }
0x1c: {  	p1 =	slt.u32 s9, $0xF7A;
	s5 =	simm.s32 @!p2 $0x0  }
0x1d: {  	s5 =	simm.s32 @p1 $0x1;
	p0 =	seq.s32 s7, s2  }
0x1e: {  	s7 =	smul.u32 @!p0 $0xF7A, s2;
	p2 =	seq.s32 @!p0 s5, $0x0  }
0x1f: {  	s9 =	smul.u32 $0xF7A, s1;
	s8 =	simm.s32 @!p0 $0x1BF5;
	p2 =	por !p2, p0  }
0x20: {  	[sflag:s8] =	ssyncset.s32 @!p0 $0xFFFFF086;
	s6 =	sadd.s32 @!p0 s3, s7;
	s7 =	simm.s32 @!p0 $0x108  }
0x21: {  	s3 =	sadd.s32 s3, s9;
	s6 =	sadd.s32 @!p0 $0x88, s6;
	s7 =	simm.s32 @p2 $0x1082  }
0x22: {  	[simem:s7], [sflag:s8] =	dma.local @!p0 [hbm:s6], $0xF7A  }
0x23: {  	s9 =	sor.u32 $0xD0000000, s2;
	s6 =	simm.s32 $0x108;
	_ =	swait.ge @!p0 [sflag:s8], $0x0  }
0x24: {  	s3 =	sadd.s32 $0x88, s3;
	s6 =	simm.s32 @!p1 $0x1082;
	[sflag:s4] =	ssyncset.s32 $0xFFFFF086  }
0x25: {  	[simem:s6], [sflag:s4] =	dma.local [hbm:s3], $0xF7A  }
0x26: {  	[smem:$0x3F8C] =	sst s1;
	(tag) =	ssettag s2;
	_ =	strace s9  }
0x27: {  	s1 =	sld [smem:$0x3F9C]  }
0x28: {  	s2 =	sld [smem:$0x3F9D]  }
0x29: {  	s4 =	sld [smem:$0x3F9F]  }
0x2a: {  	p0 =	seq.s32 s5, $0x0;
	s5 =	sld [smem:$0x3FA0]  }
0x2b: {  	s6 =	sld [smem:$0x3FA1]  }
0x2c: {  	s7 =	sld [smem:$0x3FA2]  }
0x2d: {  	s3 =	simm.s32 $0x108;
	s8 =	sld [smem:$0x3FA3]  }
0x2e: {  	s3 =	simm.s32 @!p0 $0x1082;
	s9 =	sld [smem:$0x3FA4]  }
0x2f: {  	lr =	sadd.s32 s0, s3;
	s0 =	sld [smem:$0x3F9B]  }
0x30: {  	s3 =	sld [smem:$0x3F9E]  }
0x31: {  	[smem:$0x3FA7] =	sst s10  }
0x32: {  	s10 =	sld [smem:$0x3FA5];
	_ =	sdelay $0x3  }
0x33: {  	p0 =	seq.s32 s10, $0x1;
	s10 =	sld [smem:$0x3FA7];
	_ =	sdelay $0x3  }
0x34: {  	[smem:$0x3FA7] =	sst s10  }
0x35: {  	s10 =	sld [smem:$0x3FA6];
	_ =	sdelay $0x3  }
0x36: {  	p1 =	seq.s32 s10, $0x1;
	s10 =	sld [smem:$0x3FA7];
	_ =	sdelay $0x3  }
0x37: {  	[smem:$0x3FA7] =	sst s10  }
0x38: {  	s10 =	sld [smem:$0x3FA8]  }
0x39: {  	_ = 	snop;
	(pc) =	sbr.ind lr, $3  }
0x3a: {  	_ = 	snop  }
0x3b: {  	_ = 	snop  }
0x3c: {  	p2 =	seq.s32 s10, $0x1;
	s10 =	sld [smem:$0x3FA7]  }
0x3d: {  	_ =	shalt  }
0x3e: {  	_ =	shalt  }
0x3f: {  	_ =	shalt  }
0x40: {  	_ =	shalt  }
0x41: {  	_ =	shalt  }
0x42: {  	_ =	shalt  }
0x43: {  	_ =	shalt  }
0x44: {  	_ =	shalt  }
0x45: {  	_ =	shalt  }
0x46: {  	_ =	shalt  }
0x47: {  	_ =	shalt  }
0x48: {  	_ =	shalt  }
0x49: {  	_ =	shalt  }
0x4a: {  	_ =	shalt  }
0x4b: {  	_ =	shalt  }
0x4c: {  	_ =	shalt  }
0x4d: {  	_ =	shalt  }
0x4e: {  	_ =	shalt  }
0x4f: {  	_ =	shalt  }
0x50: {  	_ =	shalt  }
0x51: {  	_ =	shalt  }
0x52: {  	_ =	shalt  }
0x53: {  	_ =	shalt  }
0x54: {  	_ =	shalt  }
0x55: {  	_ =	shalt  }
0x56: {  	_ =	shalt  }
0x57: {  	_ =	shalt  }
0x58: {  	_ =	shalt  }
0x59: {  	_ =	shalt  }
0x5a: {  	_ =	shalt  }
0x5b: {  	_ =	shalt  }
0x5c: {  	_ =	shalt  }
0x5d: {  	_ =	shalt  }
0x5e: {  	_ =	shalt  }
0x5f: {  	_ =	shalt  }
0x60: {  	_ =	shalt  }
0x61: {  	_ =	shalt  }
0x62: {  	_ =	shalt  }
0x63: {  	_ =	shalt  }
0x64: {  	_ =	shalt  }
0x65: {  	_ =	shalt  }
0x66: {  	_ =	shalt  }
0x67: {  	_ =	shalt  }
0x68: {  	_ =	shalt  }
0x69: {  	_ =	shalt  }
0x6a: {  	_ =	shalt  }
0x6b: {  	_ =	shalt  }
0x6c: {  	_ =	shalt  }
0x6d: {  	_ =	shalt  }
0x6e: {  	_ =	shalt  }
0x6f: {  	_ =	shalt  }
0x70: {  	_ =	shalt  }
0x71: {  	_ =	shalt  }
0x72: {  	_ =	shalt  }
0x73: {  	_ =	shalt  }
0x74: {  	_ =	shalt  }
0x75: {  	_ =	shalt  }
0x76: {  	_ =	shalt  }
0x77: {  	_ =	shalt  }
0x78: {  	_ =	shalt  }
0x79: {  	_ =	shalt  }
0x7a: {  	_ =	shalt  }
0x7b: {  	_ =	shalt  }
0x7c: {  	_ =	shalt  }
0x7d: {  	_ =	shalt  }
0x7e: {  	_ =	shalt  }
0x7f: {  	_ =	shalt  }
0x80: {  	_ =	shalt  }
0x81: {  	_ =	shalt  }
0x82: {  	_ =	shalt  }
0x83: {  	_ =	shalt  }
0x84: {  	_ =	shalt  }
0x85: {  	_ =	shalt  }
0x86: {  	_ =	shalt  }
0x87: {  	_ =	shalt  }
.Lfunc_end0:
.L_simem_size_0:
called_computation.3_lowered:
.L_overlay_start_0:
0x88: {  	s2 =	sld [smem:$0x3FD9]  }
0x89: {  	s3 =	sld [smem:$0x3FFE];
	_ =	sdelay $0x1  }
0x8a: {  	s1 =	srdreg.scid  }
0x8b: {  	s0 =	sand.u32 $0x1, s1  }
0x8c: {  	s15 =	sshll.u32 s0, $0xA;
	s2 =	sadd.s32 s3, s2  }
0x8d: {  	s2 =	sadd.s32 s2, s15  }
0x8e: {  	[smem:$0x3FB3] =	sst s2  }
0x8f: {  	_ = 	snop  }
0x90: {  	s2 =	sld [smem:$0x3FD0];
	_ =	sdelay $0x2  }
0x91: {  	s16 =	simm.s32 $0xC;
	s4 =	simm.s32 $0x10  }
0x92: {  	[smem:s4], [sflag:s16] =	dma.local [hbm:s2], $0x1  }
0x93: {  	_ =	swait.eq [sflag:s16], $0x1  }
0x94: {  	[sflag:s16] =	ssyncset.done $0x0  }
0x95: {  	[sflag:s16] =	ssyncadd.s32 $0xFFFFFFFF  }
0x96: {  	s17 =	sld [smem:$0x10];
	(tm) =	ssettm $0x1  }
0x97: {  	s18 =	sld [smem:$0x3FFB];
	_ =	sdelay $0x3  }
0x98: {  	_ =	strace s18  }
0x99: {  	s2 =	sld [smem:$0x3FFC];
	_ =	sdelay $0x3  }
0x9a: {  	_ =	strace s2  }
0x9b: {  	s2 =	sld [smem:$0x3FFD];
	_ =	sdelay $0x3  }
0x9c: {  	_ =	strace s2  }
0x9d: {  	_ =	strace $0x8FFFFFFF  }
0x9e: {  	s19 =	sld [smem:$0x3FDB];
	_ =	sdelay $0x1  }
0x9f: {  	s20 =	simm.s32 $_scs_section_size  }
0xa0: {  	s5 =	simm.s32 $_size__tile_overlayer_lowered;
	s6 =	simm.s32 $_tile_overlayer_lowered  }
0xa1: {  	s7 =	simm.s32 $0x1BFF;
	s21 =	sshll.u32 s6, $0x1;
	s4 =	sadd.s32 s20, s19  }
0xa2: {  	s22 =	simm.s32 $0x0;
	s5 =	sshll.u32 s5, $0x1;
	s6 =	sadd.s32 s21, s4  }
0xa3: {  	[timem:s22], [sflag:s7] =	dma.local [hbm:s6], s5  }
0xa4: {  	_ =	swait.ge [sflag:s7], s5  }
0xa5: {  	s5 =	ssub.s32 $0x0, s5;
	[sflag:s7] =	ssyncset.done $0x0  }
0xa6: {  	[sflag:s7] =	ssyncadd.s32 s5;
	_ =	sdelay $0x1  }
0xa7: {  	s23 =	simm.s32 $0x1B8B  }
0xa8: {  	_ =	swait.ge [sflag:s23], $0x1  }
0xa9: {  	[sflag:s23] =	ssyncset.done $0x0  }
0xaa: {  	[sflag:s23] =	ssyncadd.s32 $0xFFFFFFFF  }
0xab: {  	s5 =	sld [smem:$0x0]  }
0xac: {  	s6 =	sand.u32 $0xFFFFFFFE, s1  }
0xad: {  	p0 =	sne.s32 s1, s6  }
0xae: {  	s6 =	sshll.u32 @p0 s6, $0xE  }
0xaf: {  	s6 =	sadd.s32 @p0 $0x11B8D, s6;
	s7 =	sshll.u32 @p0 s5, $0x11  }
0xb0: {  	s6 =	sor.u32 @p0 s7, s6  }
0xb1: {  	[sflag:s6] =	ssyncadd.remote.s32 @p0 $0x1;
	_ =	sdelay $0x1  }
0xb2: {  	s6 =	simm.s32 @p0 $0x1B8D  }
0xb3: {  	_ =	swait.eq @p0 [sflag:s6], $0x1  }
0xb4: {  	[sflag:s6] =	ssyncadd.s32 @p0 $0xFFFFFFFF  }
0xb5: {  	s7 =	sshll.u32 @!p0 s1, $0xE  }
0xb6: {  	s7 =	sor.u32 @!p0 $0x4000, s7;
	s6 =	simm.s32 @!p0 $0x1B8D  }
0xb7: {  	s5 =	sshll.u32 @!p0 s5, $0x11;
	s7 =	sadd.s32 @!p0 $0x11B8D, s7;
	_ =	swait.eq @!p0 [sflag:s6], $0x1  }
0xb8: {  	s5 =	sor.u32 @!p0 s5, s7;
	[sflag:s6] =	ssyncadd.s32 @!p0 $0xFFFFFFFF  }
0xb9: {  	s25 =	simm.s32 $0x1B8E;
	s24 =	sld [smem:$0x3FFE];
	[sflag:s5] =	ssyncadd.remote.s32 @!p0 $0x1  }
0xba: {  	s26 =	simm.s32 $execute0_lowered;
	[smem:$0x3FD2] =	sst s25  }
0xbb: {  	s6 =	sshll.u32 s26, $0x1;
	_ =	strace $0x80000049;
	[dreg:$0x1] =	wrdreg $0xFFFFFFFF  }
0xbc: {  	s28 =	simm.s32 $_size_execute0_lowered;
	s4 =	sadd.s32 s4, s6;
	[dreg:$0x0] =	wrdreg $0x0  }
0xbd: {  	s6 =	sshll.u32 s28, $0x1;
	[dreg:$0x2] =	wrdreg s4  }
0xbe: {  	[dreg:$0x3] =	wrdreg s6  }
0xbf: {  	[dreg:$0x4] =	wrdreg $0xC0  }
0xc0: {  	_ =	task [dreg:s22], $0x5FFFF  }
0xc1: {  	[dreg:$0x1] =	wrdreg $0xFFFFFFFF  }
0xc2: {  	[dreg:$0x0] =	wrdreg $0x60  }
0xc3: {  	[dreg:$0x2] =	wrdreg s24  }
0xc4: {  	[dreg:$0x3] =	wrdreg s17  }
0xc5: {  	[dreg:$0x4] =	wrdreg $0xA  }
0xc6: {  	_ =	task.clear_ibuf [dreg:s22], $0x5FFFF;
	_ =	strace $0x90000049  }
0xc7: {  	s29 =	simm.s32 $0xA;
	_ =	strace $0x8000004B  }
0xc8: {  	_ =	swait.ge [sflag:s29], $0x1  }
0xc9: {  	[sflag:s29] =	ssyncadd.s32 $0xFFFFFFFF  }
0xca: {  	_ =	strace $0x9000004B  }
0xcb: {  	_ =	sfence  }
0xcc: {  	s30 =	sld [smem:$0x0];
	_ =	sdelay $0x2  }
0xcd: {  	s31 =	sshll.u32 s1, $0xD;
	s1 =	sshrl.u32 s1, $0x2  }
0xce: {  	s4 =	sand.u32 $0x4000, s31;
	s1 =	sadd.s32 s1, s30  }
0xcf: {  	s0 =	sor.u32 s4, s0;
	s1 =	sshll.u32 s1, $0x11  }
0xd0: {  	s0 =	sor.u32 s1, s0  }
0xd1: {  	s0 =	sadd.s32 $0x8F2B, s0  }
0xd2: {  	[sflag:s0] =	ssyncadd.remote.s32 $0x1  }
0xd3: {  	_ =	sfence.sel $0xFFFF  }
0xd4: {  	[dreg:$0x0] =	wrdreg $0xFFFFFFFF;
	(pc) =	sbr.abs _section_cstart, $3  }
0xd5: {  	[dreg:$0x1] =	wrdreg $0xFFFFFFFF  }
0xd6: {  	_ =	task.clear_ibuf [dreg:s22], $0x2FFFF;
	_ =	strace $0x9FFFFFFF  }
0xd7: {  	(tm) =	ssettm $0x7FFFFFFF  }
tec
execute0_lowered:
.L_overlay_start_1:
0x0: {  	(tag) =	ssettag $0x1  }
0x1: {  	s8 =	rddreg [dreg:$0x0]  }
0x2: {  	s1 =	rddreg [dreg:$0x1];
	s3 =	simm.s32 $0x0;
	s5 =	srdreg.scid  }
0x3: {  	s0 =	stileid.u32;
	s13 =	simm.s32 $0x5;
	s14 =	simm.s32 $0x100  }
0x4: {  	s15 =	simm.s32 $0x80;
	s16 =	simm.s32 $0x200;
	s18 =	simm.s32 $0x1  }
0x5: {  	s19 =	simm.s32 $0x3;
	s20 =	simm.s32 $0x6;
	s21 =	simm.s32 $0x2  }
0x6: {  	s22 =	simm.s32 $0x4;
	s23 =	simm.s32 $0x4200;
	s24 =	simm.s32 $0x0  }
0x7: {  	[smem:$0x7FF] =	sst s3;
	s4 =	sadd.s32 $0x12E00, s8;
	s6 =	sand.u32 $0x1, s5  }
.Ltmp0:
0x8: {  	s7 =	sshll.u32 s0, $0x1;
	s5 =	sadd.s32 $0x3A000, s8;
	(pc) =	sbr.rel .LBB2_1-.Ltmp0, $4  }
0x9: {  	_ =	strace $0x8000004A;
	s9 =	ssub.s32 $0x2, s6;
	s6 =	sor.u32 s6, s7  }
0xa: {  	s7 =	sadd.s32 $0x2D2200, s8;
	s10 =	sshrl.u32 s9, $0x1;
	s11 =	sshll.u32 s6, $0x4  }
0xb: {  	s8 =	sadd.s32 $0x2D7200, s8;
	s12 =	ssub.s32 s9, s10;
	s9 =	sadd.s32 s1, s11  }
0xc: {  	s10 =	sadd.s32 s7, s11;
	s11 =	sor.u32 $0x40, s6;
	s12 =	smax.u32 s12, $0x1  }
.LBB2_9:
0xd: {  	s24 =	sadd.s32 $0x1, s24  }
0xe: {  	p0 =	sne.s32 s24, s12  }
.Ltmp1:
0xf: {  	_ = 	snop;
	(pc) =	sbr.rel @!p0 .LBB2_10-.Ltmp1, $1  }
0x10: {  	_ =	sdelay $0x3  }
.LBB2_1:
0x11: {  	[tilespmem:s3], [sflag:$0x5] =	stream.linear.gather [hbm4b:s9+s3], $0x80, $0x38;
	[tilespmem:$0x10200] =	vst v63  }
0x12: {  	_ =	swait.ge [sflag:s13], $0x80  }
0x13: {  	[sflag:s13] =	ssyncset.done $0x0  }
0x14: {  	[sflag:s13] =	ssyncadd.s32 $0xFFFFFF80  }
0x15: {  	[tilespmem:s14], [sflag:$0x5] =	stream.linear.gather [hbm4b:s10+s3], $0x80, $0x38;
	[tilespmem:$0x10200] =	vst v63  }
0x16: {  	_ =	swait.ge [sflag:s13], $0x80  }
.Ltmp2:
0x17: {  	[sflag:s13] =	ssyncset.done $0x0;
	(pc) =	sbr.rel .LBB2_2-.Ltmp2, $4  }
0x18: {  	[sflag:s13] =	ssyncadd.s32 $0xFFFFFF80  }
0x19: {  	[tilespmem:s16], [sflag:$0x1] =	stream.indirect.gather [hbm4b:s4+s15], $0x80, s3, s15, $0xb8;
	[tilespmem:$0x10200] =	vst v63  }
0x1a: {  	s0 =	simm.s32 $0x8200;
	s25 =	simm.s32 $0x0  }
0x1b: {  	[tilespmem:s0], [sflag:$0x3] =	stream.indirect.gather [hbm4b:s5+s15], $0x80, s14, s15, $0xb8;
	[tilespmem:$0x10200] =	vst v63  }
.LBB2_8:
0x1c: {  	s25 =	sadd.s32 $0x1, s25  }
0x1d: {  	p0 =	sne.s32 s25, $0x14  }
.Ltmp3:
0x1e: {  	_ = 	snop;
	(pc) =	sbr.rel @!p0 .LBB2_9-.Ltmp3, $1  }
0x1f: {  	_ =	sdelay $0x3  }
.LBB2_2:
0x20: {  	s28 =	sshll.u32 s25, $0x6  }
0x21: {  	s29 =	sor.u32 s28, s6  }
0x22: {  	s26 =	sor.u32 $0x20, s29  }
0x23: {  	p0 =	sgt.u32 s26, $0x4E1  }
0x24: {  	s30 =	sshll.u32 @!p0 s26, $0x4  }
0x25: {  	s0 =	simm.s32 @!p0 $0x0;
	s2 =	simm.s32 @!p0 $0x80;
	s31 =	sadd.s32 @!p0 s1, s30  }
0x26: {  	[tilespmem:s2], [sflag:$0x6] =	stream.linear.gather @!p0 [hbm4b:s31+s0], $0x80, $0x38;
	[tilespmem:$0x10200] =	vst v63  }
0x27: {  	s31 =	simm.s32 @!p0 $0x6  }
0x28: {  	_ =	swait.ge @!p0 [sflag:s31], $0x80  }
0x29: {  	[sflag:s31] =	ssyncset.done @!p0 $0x0  }
0x2a: {  	s17 =	simm.s32 @!p0 $0x180;
	s30 =	sadd.s32 @!p0 s7, s30;
	[sflag:s31] =	ssyncadd.s32 @!p0 $0xFFFFFF80  }
0x2b: {  	[tilespmem:s17], [sflag:$0x6] =	stream.linear.gather @!p0 [hbm4b:s30+s0], $0x80, $0x38;
	[tilespmem:$0x10200] =	vst v63  }
0x2c: {  	_ =	swait.ge @!p0 [sflag:s31], $0x80  }
0x2d: {  	[sflag:s31] =	ssyncset.done @!p0 $0x0  }
0x2e: {  	s0 =	simm.s32 @!p0 $0x4200;
	[sflag:s31] =	ssyncadd.s32 @!p0 $0xFFFFFF80  }
0x2f: {  	[tilespmem:s0], [sflag:$0x2] =	stream.indirect.gather @!p0 [hbm4b:s4+s2], $0x80, s2, s2, $0xb8;
	[tilespmem:$0x10200] =	vst v63  }
0x30: {  	s0 =	simm.s32 @!p0 $0xC200  }
0x31: {  	[tilespmem:s0], [sflag:$0x4] =	stream.indirect.gather @!p0 [hbm4b:s5+s2], $0x80, s17, s2, $0xb8;
	[tilespmem:$0x10200] =	vst v63  }
0x32: {  	_ =	swait.ge [sflag:s18], $0x4000  }
0x33: {  	[sflag:s18] =	ssyncset.done $0x0  }
0x34: {  	[sflag:s18] =	ssyncadd.s32 $0xFFFFC000  }
0x35: {  	_ =	swait.ge [sflag:s19], $0x4000  }
0x36: {  	[sflag:s19] =	ssyncset.done $0x0  }
0x37: {  	s30 =	simm.s32 $0x0;
	[sflag:s19] =	ssyncadd.s32 $0xFFFFC000  }
0x38: {  	v5 =	vld [tilespmem:s30+$0x8200]  }
0x39: {  	v6 =	vld [tilespmem:s30+$0x8210]  }
0x3a: {  	v1 =	vld [tilespmem:s30+$0x8220]  }
0x3b: {  	v0 =	vld [tilespmem:s30+$0x8230]  }
0x3c: {  	v2 =	vld [tilespmem:s30+$0x200]  }
0x3d: {  	v4 =	vld [tilespmem:s30+$0x210]  }
0x3e: {  	s31 =	simm.s32 $0x200;
	v3 =	vld [tilespmem:s30+$0x220]  }
.LBB2_3:
0x3f: {  	s0 =	sshra.s32 s31, $0x2;
	p1 =	sne.s32 s31, $0xFE00;
	v7 =	vld [tilespmem:s30+$0x230];
	v8 =	vmov v1  }
0x40: {  	v9 =	vld [tilespmem:s0+$0x8200];
	v10 =	vmov v0  }
0x41: {  	v11 =	vld [tilespmem:s0+$0x8210];
	v2 =	vadd.f32 v5, v2  }
.Ltmp4:
0x42: {  	v1 =	vld [tilespmem:s0+$0x8220];
	v4 =	vadd.f32 v6, v4;
	(pc) =	sbr.rel @p1 .LBB2_3-.Ltmp4, $4  }
0x43: {  	v0 =	vld [tilespmem:s0+$0x8230];
	[tilespmem:s30+$0x200] =	vst v2;
	v3 =	vadd.f32 v8, v3  }
0x44: {  	v2 =	vld [tilespmem:s0+$0x200];
	[tilespmem:s30+$0x210] =	vst v4;
	v7 =	vadd.f32 v10, v7  }
0x45: {  	v4 =	vld [tilespmem:s0+$0x210];
	[tilespmem:s30+$0x220] =	vst v3;
	v5 =	vmov v9  }
0x46: {  	s31 =	sadd.s32 $0x200, s31;
	v3 =	vld [tilespmem:s0+$0x220];
	[tilespmem:s30+$0x230] =	vst v7;
	v6 =	vmov v11;
	s30 =	smov.u32 s0  }
0x47: {  	v7 =	vld [tilespmem:s30+$0x230];
	_ =	sdelay $0x1  }
0x48: {  	v2 =	vadd.f32 v5, v2  }
0x49: {  	v4 =	vadd.f32 v6, v4  }
0x4a: {  	[tilespmem:s30+$0x200] =	vst v2;
	v1 =	vadd.f32 v1, v3  }
0x4b: {  	[tilespmem:s30+$0x210] =	vst v4;
	v0 =	vadd.f32 v0, v7  }
0x4c: {  	s0 =	sshll.u32 s29, $0xB;
	[tilespmem:s30+$0x220] =	vst v1  }
0x4d: {  	s0 =	sadd.s32 s8, s0;
	[tilespmem:s30+$0x230] =	vst v0  }
0x4e: {  	[hbm4b:s0+s3] =	stream.linear.scatter [tilespmem:s16], [sflag:$0x6], $0x4000, $0x38;
	[tilespmem:$0x10200] =	vst v63  }
0x4f: {  	s0 =	sadd.s32 s11, s28  }
0x50: {  	_ =	swait.ge [sflag:s20], $0x4000;
	p1 =	sgt.u32 s0, $0x4E1  }
0x51: {  	[sflag:s20] =	ssyncset.done $0x0;
	s0 =	sshll.u32 @!p1 s0, $0x4  }
0x52: {  	s17 =	simm.s32 @!p1 $0x0;
	[sflag:s20] =	ssyncadd.s32 $0xFFFFC000;
	s2 =	sadd.s32 @!p1 s1, s0  }
0x53: {  	[tilespmem:s17], [sflag:$0x6] =	stream.linear.gather @!p1 [hbm4b:s2+s17], $0x80, $0x38;
	[tilespmem:$0x10200] =	vst v63  }
0x54: {  	s2 =	simm.s32 @!p1 $0x6  }
0x55: {  	_ =	swait.ge @!p1 [sflag:s2], $0x80  }
0x56: {  	[sflag:s2] =	ssyncset.done @!p1 $0x0  }
0x57: {  	s28 =	simm.s32 @!p1 $0x100;
	s0 =	sadd.s32 @!p1 s7, s0;
	[sflag:s2] =	ssyncadd.s32 @!p1 $0xFFFFFF80  }
0x58: {  	[tilespmem:s28], [sflag:$0x6] =	stream.linear.gather @!p1 [hbm4b:s0+s17], $0x80, $0x38;
	[tilespmem:$0x10200] =	vst v63  }
0x59: {  	_ =	swait.ge @!p1 [sflag:s2], $0x80  }
.Ltmp5:
0x5a: {  	[sflag:s2] =	ssyncset.done @!p1 $0x0;
	(pc) =	sbr.rel @p0 .LBB2_8-.Ltmp5, $4  }
0x5b: {  	s0 =	simm.s32 @!p1 $0x80;
	[sflag:s2] =	ssyncadd.s32 @!p1 $0xFFFFFF80;
	s2 =	simm.s32 @!p1 $0x200  }
0x5c: {  	[tilespmem:s2], [sflag:$0x1] =	stream.indirect.gather @!p1 [hbm4b:s4+s0], $0x80, s17, s0, $0xb8;
	[tilespmem:$0x10200] =	vst v63  }
0x5d: {  	s2 =	simm.s32 @!p1 $0x8200  }
0x5e: {  	[tilespmem:s2], [sflag:$0x3] =	stream.indirect.gather @!p1 [hbm4b:s5+s0], $0x80, s28, s0, $0xb8;
	[tilespmem:$0x10200] =	vst v63  }
0x5f: {  	_ =	swait.ge [sflag:s21], $0x4000  }
0x60: {  	[sflag:s21] =	ssyncset.done $0x0  }
0x61: {  	[sflag:s21] =	ssyncadd.s32 $0xFFFFC000  }
0x62: {  	_ =	swait.ge [sflag:s22], $0x4000  }
0x63: {  	[sflag:s22] =	ssyncset.done $0x0  }
0x64: {  	s28 =	simm.s32 $0x0;
	[sflag:s22] =	ssyncadd.s32 $0xFFFFC000  }
0x65: {  	v5 =	vld [tilespmem:s28+$0xC200]  }
0x66: {  	v6 =	vld [tilespmem:s28+$0xC210]  }
0x67: {  	v1 =	vld [tilespmem:s28+$0xC220]  }
0x68: {  	v0 =	vld [tilespmem:s28+$0xC230]  }
0x69: {  	v2 =	vld [tilespmem:s28+$0x4200]  }
0x6a: {  	v4 =	vld [tilespmem:s28+$0x4210]  }
0x6b: {  	s29 =	simm.s32 $0x200;
	v3 =	vld [tilespmem:s28+$0x4220]  }
.LBB2_6:
0x6c: {  	s0 =	sshra.s32 s29, $0x2;
	p0 =	sne.s32 s29, $0xFE00;
	v7 =	vld [tilespmem:s28+$0x4230];
	v8 =	vmov v1  }
0x6d: {  	v9 =	vld [tilespmem:s0+$0xC200];
	v10 =	vmov v0  }
0x6e: {  	v11 =	vld [tilespmem:s0+$0xC210];
	v2 =	vadd.f32 v5, v2  }
.Ltmp6:
0x6f: {  	v1 =	vld [tilespmem:s0+$0xC220];
	v4 =	vadd.f32 v6, v4;
	(pc) =	sbr.rel @p0 .LBB2_6-.Ltmp6, $4  }
0x70: {  	v0 =	vld [tilespmem:s0+$0xC230];
	[tilespmem:s28+$0x4200] =	vst v2;
	v3 =	vadd.f32 v8, v3  }
0x71: {  	v2 =	vld [tilespmem:s0+$0x4200];
	[tilespmem:s28+$0x4210] =	vst v4;
	v7 =	vadd.f32 v10, v7  }
0x72: {  	v4 =	vld [tilespmem:s0+$0x4210];
	[tilespmem:s28+$0x4220] =	vst v3;
	v5 =	vmov v9  }
0x73: {  	s29 =	sadd.s32 $0x200, s29;
	v3 =	vld [tilespmem:s0+$0x4220];
	[tilespmem:s28+$0x4230] =	vst v7;
	v6 =	vmov v11;
	s28 =	smov.u32 s0  }
0x74: {  	v7 =	vld [tilespmem:s28+$0x4230];
	_ =	sdelay $0x1  }
0x75: {  	v2 =	vadd.f32 v5, v2  }
0x76: {  	v4 =	vadd.f32 v6, v4  }
0x77: {  	[tilespmem:s28+$0x4200] =	vst v2;
	v1 =	vadd.f32 v1, v3  }
0x78: {  	[tilespmem:s28+$0x4210] =	vst v4;
	v0 =	vadd.f32 v0, v7  }
0x79: {  	s0 =	sshll.u32 s26, $0xB;
	[tilespmem:s28+$0x4220] =	vst v1  }
.Ltmp7:
0x7a: {  	s0 =	sadd.s32 s8, s0;
	[tilespmem:s28+$0x4230] =	vst v0;
	(pc) =	sbr.rel .LBB2_8-.Ltmp7, $4  }
0x7b: {  	[hbm4b:s0+s3] =	stream.linear.scatter [tilespmem:s23], [sflag:$0x5], $0x4000, $0x38;
	[tilespmem:$0x10200] =	vst v63  }
0x7c: {  	_ =	swait.ge [sflag:s13], $0x4000  }
0x7d: {  	[sflag:s13] =	ssyncset.done $0x0  }
0x7e: {  	[sflag:s13] =	ssyncadd.s32 $0xFFFFC000  }
.LBB2_10:
0x7f: {  	_ =	sfence.sel $0x180000  }
0x80: {  	[bflag:$0x0] =	sbarrier.arrive $0xFFFF  }
0x81: {  	_ =	strace $0x9000004A  }
0x82: {  	s0 =	stileid.u32;
	[bflag:$0x2] =	sbarrier.arrive $0xFFFF  }
0x83: {  	p0 =	sne.s32 s0, $0x0;
	s0 =	rddreg [dreg:$0x2]  }
0x84: {  	s0 =	sadd.s32 @!p0 $0x100000, s0  }
0x85: {  	[sflag:s0] =	ssyncadd.tile.s32 @!p0 $0x1;
	_ =	shalt  }
.Lfunc_end2:
_tile_overlayer_lowered:
.L_overlay_start_2:
0x86: {  	(tag) =	ssettag $0x2  }
0x87: {  	s0 =	rddreg [dreg:$0x0];
	s2 =	stileid.u32  }
0x88: {  	s1 =	rddreg [dreg:$0x1];
	p0 =	sne.s32 s2, $0x0  }
0x89: {  	s3 =	rddreg [dreg:$0x2];
	[bflag:$0x3] =	sbarrier.arrive $0xFFFF;
	s2 =	simm.s32 @!p0 $0x1C05  }
0x8a: {  	[timem:s3], [sflag:s2] =	dma.local @!p0 [hbm:s0], s1  }
0x8b: {  	s0 =	simm.s32 @!p0 $0x5  }
0x8c: {  	_ =	swait.ge @!p0 [sflag:s0], s1  }
0x8d: {  	s1 =	ssub.s32 @!p0 $0x0, s1;
	[sflag:s0] =	ssyncset.done @!p0 $0x0  }
0x8e: {  	[sflag:s0] =	ssyncadd.s32 @!p0 s1  }
0x8f: {  	[bflag:$0x3] =	sbarrier.arrive $0xFFFF  }
0x90: {  	_ =	shalt  }

// kernel: kernel.19.cloned.1.call-start
scs
__scs_entry_jumppad:
0x0: {  	(pc) =	sbr.rel $0x88, $3  }
0x1: {  	(tag) =	ssettag $0x0;
	lr =	simm.s32 $0x1  }
0x2: {  	[smem:$0x3F8C] =	sst lr;
	_ =	strace $0xD0000000  }
0x3: {  	_ = 	snop  }
0x4: {  	_ = 	snop  }
0x5: {  	_ = 	snop  }
0x6: {  	_ = 	snop  }
0x7: {  	_ = 	snop  }
__scs_overlays_trampoline_lowered:
0x8: {  	[smem:$0x3F9B] =	sst s0  }
0x9: {  	[smem:$0x3F9C] =	sst s1  }
0xa: {  	[smem:$0x3F9D] =	sst s2  }
0xb: {  	[smem:$0x3F9E] =	sst s3  }
0xc: {  	[smem:$0x3F9F] =	sst s4  }
0xd: {  	[smem:$0x3FA0] =	sst s5  }
0xe: {  	[smem:$0x3FA1] =	sst s6  }
0xf: {  	[smem:$0x3FA2] =	sst s7  }
0x10: {  	[smem:$0x3FA3] =	sst s8  }
0x11: {  	[smem:$0x3FA4] =	sst s9;
	s0 =	simm.s32 @!p0 $0x0  }
0x12: {  	s1 =	sld [smem:$0x3F8A];
	s0 =	simm.s32 @p0 $0x1  }
0x13: {  	[smem:$0x3FA5] =	sst s0;
	s0 =	simm.s32 @!p1 $0x0  }
0x14: {  	s2 =	sld [smem:$0x3F89];
	s0 =	simm.s32 @p1 $0x1  }
0x15: {  	[smem:$0x3FA6] =	sst s0;
	s0 =	simm.s32 @!p2 $0x0  }
0x16: {  	s3 =	sld [smem:$0x3FDB];
	s0 =	simm.s32 @p2 $0x1  }
0x17: {  	s4 =	simm.s32 $0x1BF5;
	[smem:$0x3FA8] =	sst s0  }
0x18: {  	s0 =	sld [smem:$0x3F8B];
	_ =	swait.ge [sflag:s4], $0x0  }
0x19: {  	s7 =	sld [smem:$0x3F8C]  }
0x1a: {  	s8 =	sadd.s32 $0xFFFFE003, lr  }
0x1b: {  	s9 =	sadd.s32 $0xFFFFFEF7, lr;
	s5 =	simm.s32 $0xFFFFFFFF;
	p2 =	slt.u32 s8, $0xFFFFF086  }
0x1c: {  	p1 =	slt.u32 s9, $0xF7A;
	s5 =	simm.s32 @!p2 $0x0  }
0x1d: {  	s5 =	simm.s32 @p1 $0x1;
	p0 =	seq.s32 s7, s2  }
0x1e: {  	s7 =	smul.u32 @!p0 $0xF7A, s2;
	p2 =	seq.s32 @!p0 s5, $0x0  }
0x1f: {  	s9 =	smul.u32 $0xF7A, s1;
	s8 =	simm.s32 @!p0 $0x1BF5;
	p2 =	por !p2, p0  }
0x20: {  	[sflag:s8] =	ssyncset.s32 @!p0 $0xFFFFF086;
	s6 =	sadd.s32 @!p0 s3, s7;
	s7 =	simm.s32 @!p0 $0x108  }
0x21: {  	s3 =	sadd.s32 s3, s9;
	s6 =	sadd.s32 @!p0 $0x88, s6;
	s7 =	simm.s32 @p2 $0x1082  }
0x22: {  	[simem:s7], [sflag:s8] =	dma.local @!p0 [hbm:s6], $0xF7A  }
0x23: {  	s9 =	sor.u32 $0xD0000000, s2;
	s6 =	simm.s32 $0x108;
	_ =	swait.ge @!p0 [sflag:s8], $0x0  }
0x24: {  	s3 =	sadd.s32 $0x88, s3;
	s6 =	simm.s32 @!p1 $0x1082;
	[sflag:s4] =	ssyncset.s32 $0xFFFFF086  }
0x25: {  	[simem:s6], [sflag:s4] =	dma.local [hbm:s3], $0xF7A  }
0x26: {  	[smem:$0x3F8C] =	sst s1;
	(tag) =	ssettag s2;
	_ =	strace s9  }
0x27: {  	s1 =	sld [smem:$0x3F9C]  }
0x28: {  	s2 =	sld [smem:$0x3F9D]  }
0x29: {  	s4 =	sld [smem:$0x3F9F]  }
0x2a: {  	p0 =	seq.s32 s5, $0x0;
	s5 =	sld [smem:$0x3FA0]  }
0x2b: {  	s6 =	sld [smem:$0x3FA1]  }
0x2c: {  	s7 =	sld [smem:$0x3FA2]  }
0x2d: {  	s3 =	simm.s32 $0x108;
	s8 =	sld [smem:$0x3FA3]  }
0x2e: {  	s3 =	simm.s32 @!p0 $0x1082;
	s9 =	sld [smem:$0x3FA4]  }
0x2f: {  	lr =	sadd.s32 s0, s3;
	s0 =	sld [smem:$0x3F9B]  }
0x30: {  	s3 =	sld [smem:$0x3F9E]  }
0x31: {  	[smem:$0x3FA7] =	sst s10  }
0x32: {  	s10 =	sld [smem:$0x3FA5];
	_ =	sdelay $0x3  }
0x33: {  	p0 =	seq.s32 s10, $0x1;
	s10 =	sld [smem:$0x3FA7];
	_ =	sdelay $0x3  }
0x34: {  	[smem:$0x3FA7] =	sst s10  }
0x35: {  	s10 =	sld [smem:$0x3FA6];
	_ =	sdelay $0x3  }
0x36: {  	p1 =	seq.s32 s10, $0x1;
	s10 =	sld [smem:$0x3FA7];
	_ =	sdelay $0x3  }
0x37: {  	[smem:$0x3FA7] =	sst s10  }
0x38: {  	s10 =	sld [smem:$0x3FA8]  }
0x39: {  	_ = 	snop;
	(pc) =	sbr.ind lr, $3  }
0x3a: {  	_ = 	snop  }
0x3b: {  	_ = 	snop  }
0x3c: {  	p2 =	seq.s32 s10, $0x1;
	s10 =	sld [smem:$0x3FA7]  }
0x3d: {  	_ =	shalt  }
0x3e: {  	_ =	shalt  }
0x3f: {  	_ =	shalt  }
0x40: {  	_ =	shalt  }
0x41: {  	_ =	shalt  }
0x42: {  	_ =	shalt  }
0x43: {  	_ =	shalt  }
0x44: {  	_ =	shalt  }
0x45: {  	_ =	shalt  }
0x46: {  	_ =	shalt  }
0x47: {  	_ =	shalt  }
0x48: {  	_ =	shalt  }
0x49: {  	_ =	shalt  }
0x4a: {  	_ =	shalt  }
0x4b: {  	_ =	shalt  }
0x4c: {  	_ =	shalt  }
0x4d: {  	_ =	shalt  }
0x4e: {  	_ =	shalt  }
0x4f: {  	_ =	shalt  }
0x50: {  	_ =	shalt  }
0x51: {  	_ =	shalt  }
0x52: {  	_ =	shalt  }
0x53: {  	_ =	shalt  }
0x54: {  	_ =	shalt  }
0x55: {  	_ =	shalt  }
0x56: {  	_ =	shalt  }
0x57: {  	_ =	shalt  }
0x58: {  	_ =	shalt  }
0x59: {  	_ =	shalt  }
0x5a: {  	_ =	shalt  }
0x5b: {  	_ =	shalt  }
0x5c: {  	_ =	shalt  }
0x5d: {  	_ =	shalt  }
0x5e: {  	_ =	shalt  }
0x5f: {  	_ =	shalt  }
0x60: {  	_ =	shalt  }
0x61: {  	_ =	shalt  }
0x62: {  	_ =	shalt  }
0x63: {  	_ =	shalt  }
0x64: {  	_ =	shalt  }
0x65: {  	_ =	shalt  }
0x66: {  	_ =	shalt  }
0x67: {  	_ =	shalt  }
0x68: {  	_ =	shalt  }
0x69: {  	_ =	shalt  }
0x6a: {  	_ =	shalt  }
0x6b: {  	_ =	shalt  }
0x6c: {  	_ =	shalt  }
0x6d: {  	_ =	shalt  }
0x6e: {  	_ =	shalt  }
0x6f: {  	_ =	shalt  }
0x70: {  	_ =	shalt  }
0x71: {  	_ =	shalt  }
0x72: {  	_ =	shalt  }
0x73: {  	_ =	shalt  }
0x74: {  	_ =	shalt  }
0x75: {  	_ =	shalt  }
0x76: {  	_ =	shalt  }
0x77: {  	_ =	shalt  }
0x78: {  	_ =	shalt  }
0x79: {  	_ =	shalt  }
0x7a: {  	_ =	shalt  }
0x7b: {  	_ =	shalt  }
0x7c: {  	_ =	shalt  }
0x7d: {  	_ =	shalt  }
0x7e: {  	_ =	shalt  }
0x7f: {  	_ =	shalt  }
0x80: {  	_ =	shalt  }
0x81: {  	_ =	shalt  }
0x82: {  	_ =	shalt  }
0x83: {  	_ =	shalt  }
0x84: {  	_ =	shalt  }
0x85: {  	_ =	shalt  }
0x86: {  	_ =	shalt  }
0x87: {  	_ =	shalt  }
.Lfunc_end0:
.L_simem_size_0:
called_computation.4_lowered:
.L_overlay_start_0:
0x88: {  	s2 =	sld [smem:$0x3FD9]  }
0x89: {  	s3 =	sld [smem:$0x3FFE];
	_ =	sdelay $0x1  }
0x8a: {  	s1 =	srdreg.scid  }
0x8b: {  	s0 =	sand.u32 $0x1, s1  }
0x8c: {  	s17 =	sshll.u32 s0, $0xA;
	s2 =	sadd.s32 s3, s2  }
0x8d: {  	s2 =	sadd.s32 s2, s17  }
0x8e: {  	[smem:$0x3FB3] =	sst s2  }
0x8f: {  	_ = 	snop  }
0x90: {  	(tm) =	ssettm $0x1  }
0x91: {  	s18 =	sld [smem:$0x3FFB];
	_ =	sdelay $0x3  }
0x92: {  	_ =	strace s18  }
0x93: {  	s2 =	sld [smem:$0x3FFC];
	_ =	sdelay $0x3  }
0x94: {  	_ =	strace s2  }
0x95: {  	s2 =	sld [smem:$0x3FFD];
	_ =	sdelay $0x3  }
0x96: {  	_ =	strace s2  }
0x97: {  	_ =	strace $0x8FFFFFFF  }
0x98: {  	s19 =	sld [smem:$0x3FDB];
	_ =	sdelay $0x1  }
0x99: {  	s20 =	simm.s32 $_scs_section_size  }
0x9a: {  	s4 =	simm.s32 $_size__tile_overlayer_lowered;
	s5 =	simm.s32 $_tile_overlayer_lowered  }
0x9b: {  	s6 =	simm.s32 $0x1BFF;
	s21 =	sshll.u32 s5, $0x1;
	s3 =	sadd.s32 s20, s19  }
0x9c: {  	s22 =	simm.s32 $0x0;
	s4 =	sshll.u32 s4, $0x1;
	s5 =	sadd.s32 s21, s3  }
0x9d: {  	[timem:s22], [sflag:s6] =	dma.local [hbm:s5], s4  }
0x9e: {  	_ =	swait.ge [sflag:s6], s4  }
0x9f: {  	s4 =	ssub.s32 $0x0, s4;
	[sflag:s6] =	ssyncset.done $0x0  }
0xa0: {  	[sflag:s6] =	ssyncadd.s32 s4;
	_ =	sdelay $0x1  }
0xa1: {  	s23 =	simm.s32 $0x1B8B  }
0xa2: {  	_ =	swait.ge [sflag:s23], $0x1  }
0xa3: {  	[sflag:s23] =	ssyncset.done $0x0  }
0xa4: {  	[sflag:s23] =	ssyncadd.s32 $0xFFFFFFFF  }
0xa5: {  	s4 =	sld [smem:$0x0]  }
0xa6: {  	s5 =	sand.u32 $0xFFFFFFFE, s1  }
0xa7: {  	p0 =	sne.s32 s1, s5  }
0xa8: {  	s5 =	sshll.u32 @p0 s5, $0xE  }
0xa9: {  	s5 =	sadd.s32 @p0 $0x11B8D, s5;
	s6 =	sshll.u32 @p0 s4, $0x11  }
0xaa: {  	s5 =	sor.u32 @p0 s6, s5  }
0xab: {  	[sflag:s5] =	ssyncadd.remote.s32 @p0 $0x1;
	_ =	sdelay $0x1  }
0xac: {  	s5 =	simm.s32 @p0 $0x1B8D  }
0xad: {  	_ =	swait.eq @p0 [sflag:s5], $0x1  }
0xae: {  	[sflag:s5] =	ssyncadd.s32 @p0 $0xFFFFFFFF  }
0xaf: {  	s6 =	sshll.u32 @!p0 s1, $0xE  }
0xb0: {  	s6 =	sor.u32 @!p0 $0x4000, s6;
	s5 =	simm.s32 @!p0 $0x1B8D  }
0xb1: {  	s4 =	sshll.u32 @!p0 s4, $0x11;
	s6 =	sadd.s32 @!p0 $0x11B8D, s6;
	_ =	swait.eq @!p0 [sflag:s5], $0x1  }
0xb2: {  	s4 =	sor.u32 @!p0 s4, s6;
	[sflag:s5] =	ssyncadd.s32 @!p0 $0xFFFFFFFF  }
0xb3: {  	s25 =	simm.s32 $0x1B8E;
	s24 =	sld [smem:$0x3FFE];
	[sflag:s4] =	ssyncadd.remote.s32 @!p0 $0x1  }
0xb4: {  	s26 =	simm.s32 $execute0_lowered;
	[smem:$0x3FD2] =	sst s25  }
0xb5: {  	s5 =	sshll.u32 s26, $0x1;
	_ =	strace $0x8000004F;
	[dreg:$0x1] =	wrdreg $0xFFFFFFFF  }
0xb6: {  	s28 =	simm.s32 $_size_execute0_lowered;
	s3 =	sadd.s32 s3, s5;
	[dreg:$0x0] =	wrdreg $0x0  }
0xb7: {  	s5 =	sshll.u32 s28, $0x1;
	[dreg:$0x2] =	wrdreg s3  }
0xb8: {  	[dreg:$0x3] =	wrdreg s5  }
0xb9: {  	[dreg:$0x4] =	wrdreg $0xC0  }
0xba: {  	_ =	task [dreg:s22], $0x5FFFF  }
0xbb: {  	[dreg:$0x1] =	wrdreg $0xFFFFFFFF  }
0xbc: {  	[dreg:$0x0] =	wrdreg $0x60  }
0xbd: {  	[dreg:$0x2] =	wrdreg s24  }
0xbe: {  	[dreg:$0x3] =	wrdreg $0x28800  }
0xbf: {  	[dreg:$0x4] =	wrdreg $0xB  }
0xc0: {  	_ =	task.clear_ibuf [dreg:s22], $0x5FFFF;
	_ =	strace $0x9000004F  }
0xc1: {  	s29 =	simm.s32 $0xB;
	_ =	strace $0x80000051  }
0xc2: {  	_ =	swait.ge [sflag:s29], $0x1  }
0xc3: {  	[sflag:s29] =	ssyncadd.s32 $0xFFFFFFFF  }
0xc4: {  	_ =	strace $0x90000051  }
0xc5: {  	_ =	sfence  }
0xc6: {  	s30 =	sld [smem:$0x0];
	_ =	sdelay $0x2  }
0xc7: {  	s31 =	sshll.u32 s1, $0xD;
	s1 =	sshrl.u32 s1, $0x2  }
0xc8: {  	s4 =	sand.u32 $0x4000, s31;
	s1 =	sadd.s32 s1, s30  }
0xc9: {  	s0 =	sor.u32 s4, s0;
	s1 =	sshll.u32 s1, $0x11  }
0xca: {  	s0 =	sor.u32 s1, s0  }
0xcb: {  	s0 =	sadd.s32 $0x8F2B, s0  }
0xcc: {  	[sflag:s0] =	ssyncadd.remote.s32 $0x1  }
0xcd: {  	_ =	sfence.sel $0xFFFF  }
0xce: {  	[dreg:$0x0] =	wrdreg $0xFFFFFFFF;
	(pc) =	sbr.abs _section_cstart, $3  }
0xcf: {  	[dreg:$0x1] =	wrdreg $0xFFFFFFFF  }
0xd0: {  	_ =	task.clear_ibuf [dreg:s22], $0x2FFFF;
	_ =	strace $0x9FFFFFFF  }
0xd1: {  	(tm) =	ssettm $0x7FFFFFFF  }
tec
execute0_lowered:
.L_overlay_start_1:
0x0: {  	(tag) =	ssettag $0x1  }
0x1: {  	s4 =	rddreg [dreg:$0x0]  }
0x2: {  	s2 =	rddreg [dreg:$0x1];
	s1 =	stileid.u32  }
0x3: {  	s0 =	rddreg [dreg:$0x2];
	s5 =	smul.u32 $0xA00, s1  }
0x4: {  	s3 =	simm.s32 $0x0;
	s7 =	srdreg.scid;
	s6 =	smul.u32 $0xC350, s1  }
0x5: {  	[smem:$0x7FF] =	sst s3;
	s7 =	sand.u32 $0x1, s7;
	s8 =	smul.u32 $0x186A, s1  }
0x6: {  	s9 =	sshll.u32 s1, $0x5;
	s29 =	sshll.u32 s1, $0x6;
	_ =	strace $0x80000050  }
0x7: {  	s10 =	smul.u32 $0x186A0, s7;
	s9 =	sadd.s32 s9, s4;
	s26 =	ssub.s32 $0x2, s7  }
0x8: {  	s30 =	sshll.u32 s7, $0x4;
	s14 =	smul.u32 $0x500, s7;
	s11 =	sadd.s32 s5, s4  }
0x9: {  	s12 =	sshrl.u32 s6, $0x3;
	s28 =	sshrl.u32 s26, $0x1;
	s13 =	sadd.s32 s6, s2  }
0xa: {  	s6 =	sor.u32 $0x1C01, s29;
	s9 =	sadd.s32 s30, s9;
	s8 =	sadd.s32 s8, s10  }
0xb: {  	s12 =	sadd.s32 s12, s4;
	s10 =	ssub.s32 s26, s28;
	s9 =	sadd.s32 $0x2D2200, s9  }
0xc: {  	s31 =	sadd.s32 s14, s11;
	s11 =	sshrl.u32 s13, $0x3;
	s8 =	sadd.s32 s8, s4  }
0xd: {  	s4 =	sshll.u32 s1, $0x1;
	s5 =	sadd.s32 $0x1E7C00, s12;
	s12 =	simm.s32 $0x1  }
0xe: {  	s7 =	sadd.s32 $0x12E00, s8;
	s8 =	smax.u32 s10, $0x1;
	s10 =	sadd.s32 $0x2D7200, s31  }
.LBB2_1:
0xf: {  	[spmem:s11], [sflag:s6] =	dma.local [hbm:s5], $0x186A  }
0x10: {  	_ =	swait.ge [sflag:s12], $0x186A  }
0x11: {  	s13 =	sadd.s32 $0x0, s4;
	[sflag:s12] =	ssyncset.done $0x0  }
0x12: {  	p0 =	sgt.u32 s13, $0x4E1;
	[sflag:s12] =	ssyncadd.s32 $0xFFFFE796  }
0x13: {  	s13 =	simm.s32 @!p0 $0x0;
	s15 =	simm.s32 @!p0 $0x2;
	[bflag:$0x0] =	sbarrier.arrive $0xFFFF  }
0x14: {  	[tilespmem:s13], [sflag:$0x2] =	stream.linear.gather @!p0 [hbm4b:s9+s13], $0x80, $0x38;
	[tilespmem:$0xEBD0] =	vst v63  }
0x15: {  	_ =	swait.ge @!p0 [sflag:s15], $0x80  }
0x16: {  	[sflag:s15] =	ssyncset.done @!p0 $0x0;
	p0 =	por p0, p0  }
0x17: {  	[sflag:s15] =	ssyncadd.s32 @!p0 $0xFFFFFF80;
	s17 =	simm.s32 @!p0 $0x80  }
0x18: {  	[tilespmem:s17], [sflag:$0x2] =	stream.linear.gather @!p0 [hbm4b:s10+s13], $0x2800, $0x38;
	[tilespmem:$0xEBD0] =	vst v63  }
0x19: {  	_ =	swait.ge @!p0 [sflag:s15], $0x2800  }
0x1a: {  	[sflag:s15] =	ssyncset.done @!p0 $0x0  }
0x1b: {  	s31 =	sadd.s32 $0x20, s4;
	s16 =	simm.s32 @!p0 $0x1;
	[sflag:s15] =	ssyncadd.s32 @!p0 $0xFFFFD800  }
0x1c: {  	[spmem:s2] =	stream.indirect.scatter.add.f32 @!p0 [tilespmem:s17], [sflag:$0x1], $0x50, s13, s17, $0xb8;
	[tilespmem:$0xEBD0] =	vst v63  }
0x1d: {  	s14 =	simm.s32 $0x40;
	p1 =	sgt.u32 s31, $0x4E1;
	_ =	swait.ge @!p0 [sflag:s16], $0x2800  }
0x1e: {  	s15 =	sadd.s32 $0x200, s9;
	s13 =	sadd.s32 $0xA000, s10;
	[sflag:s16] =	ssyncset.done @!p0 $0x0  }
.LBB2_2:
0x1f: {  	s17 =	simm.s32 @!p1 $0x0;
	s18 =	simm.s32 @!p1 $0x2;
	[sflag:s16] =	ssyncadd.s32 @!p0 $0xFFFFD800  }
0x20: {  	[tilespmem:s17], [sflag:$0x2] =	stream.linear.gather @!p1 [hbm4b:s15+s17], $0x80, $0x38;
	[tilespmem:$0xEBD0] =	vst v63  }
0x21: {  	s19 =	smov.u32 s14;
	s14 =	sadd.s32 $0x20, s14;
	_ =	swait.ge @!p1 [sflag:s18], $0x80  }
0x22: {  	p0 =	por p1, p1;
	p2 =	sne.s32 s14, $0x500;
	[sflag:s18] =	ssyncset.done @!p1 $0x0  }
0x23: {  	s20 =	simm.s32 @!p0 $0x80;
	[sflag:s18] =	ssyncadd.s32 @!p0 $0xFFFFFF80  }
0x24: {  	[tilespmem:s20], [sflag:$0x2] =	stream.linear.gather @!p0 [hbm4b:s13+s17], $0x2800, $0x38;
	[tilespmem:$0xEBD0] =	vst v63  }
0x25: {  	_ =	swait.ge @!p0 [sflag:s18], $0x2800  }
.Ltmp0:
0x26: {  	[sflag:s18] =	ssyncset.done @!p0 $0x0;
	(pc) =	sbr.rel @p2 .LBB2_2-.Ltmp0, $4  }
0x27: {  	s16 =	simm.s32 @!p0 $0x1;
	[sflag:s18] =	ssyncadd.s32 @!p0 $0xFFFFD800  }
0x28: {  	[spmem:s2] =	stream.indirect.scatter.add.f32 @!p0 [tilespmem:s20], [sflag:$0x1], $0x50, s17, s20, $0xb8;
	[tilespmem:$0xEBD0] =	vst v63  }
0x29: {  	s13 =	sadd.s32 $0xA000, s13;
	s17 =	sadd.s32 s19, s4;
	_ =	swait.ge @!p0 [sflag:s16], $0x2800  }
0x2a: {  	s15 =	sadd.s32 $0x200, s15;
	p1 =	sgt.u32 s17, $0x4E1;
	[sflag:s16] =	ssyncset.done @!p0 $0x0  }
0x2b: {  	s14 =	simm.s32 @!p1 $0x0;
	s17 =	simm.s32 @!p1 $0x2;
	[sflag:s16] =	ssyncadd.s32 @!p0 $0xFFFFD800  }
0x2c: {  	[tilespmem:s14], [sflag:$0x2] =	stream.linear.gather @!p1 [hbm4b:s15+s14], $0x80, $0x38;
	[tilespmem:$0xEBD0] =	vst v63  }
0x2d: {  	_ =	swait.ge @!p1 [sflag:s17], $0x80  }
0x2e: {  	p0 =	por p1, p1;
	[sflag:s17] =	ssyncset.done @!p1 $0x0  }
0x2f: {  	s15 =	simm.s32 @!p0 $0x80;
	[sflag:s17] =	ssyncadd.s32 @!p0 $0xFFFFFF80  }
0x30: {  	[tilespmem:s15], [sflag:$0x2] =	stream.linear.gather @!p0 [hbm4b:s13+s14], $0x2800, $0x38;
	[tilespmem:$0xEBD0] =	vst v63  }
0x31: {  	_ =	swait.ge @!p0 [sflag:s17], $0x2800  }
0x32: {  	[sflag:s17] =	ssyncset.done @!p0 $0x0  }
0x33: {  	s13 =	simm.s32 @!p0 $0x1;
	[sflag:s17] =	ssyncadd.s32 @!p0 $0xFFFFD800  }
0x34: {  	[spmem:s2] =	stream.indirect.scatter.add.f32 @!p0 [tilespmem:s15], [sflag:$0x1], $0x50, s14, s15, $0xb8;
	[tilespmem:$0xEBD0] =	vst v63  }
0x35: {  	_ =	swait.ge @!p0 [sflag:s13], $0x2800  }
0x36: {  	s3 =	sadd.s32 $0x1, s3;
	[sflag:s13] =	ssyncset.done @!p0 $0x0  }
0x37: {  	[sflag:s13] =	ssyncadd.s32 @!p0 $0xFFFFD800;
	p0 =	sne.s32 s3, s8  }
.Ltmp1:
0x38: {  	[bflag:$0x0] =	sbarrier.arrive $0xFFFF;
	(pc) =	sbr.rel @p0 .LBB2_1-.Ltmp1, $4  }
0x39: {  	[hbm:s7], [sflag:s6] =	dma.local [spmem:s11], $0x186A  }
0x3a: {  	_ =	swait.ge [sflag:s12], $0x186A  }
0x3b: {  	[sflag:s12] =	ssyncset.done $0x0  }
0x3c: {  	[sflag:s12] =	ssyncadd.s32 $0xFFFFE796  }
0x3d: {  	_ =	sfence.sel $0x180000  }
0x3e: {  	[bflag:$0x0] =	sbarrier.arrive $0xFFFF  }
0x3f: {  	p0 =	sne.s32 s1, $0x0;
	_ =	strace $0x90000050  }
0x40: {  	s0 =	sadd.s32 @!p0 $0x100000, s0;
	[bflag:$0x2] =	sbarrier.arrive $0xFFFF  }
0x41: {  	[sflag:s0] =	ssyncadd.tile.s32 @!p0 $0x1;
	_ =	shalt  }
.Lfunc_end2:
_tile_overlayer_lowered:
.L_overlay_start_2:
0x42: {  	(tag) =	ssettag $0x2  }
0x43: {  	s0 =	rddreg [dreg:$0x0];
	s2 =	stileid.u32  }
0x44: {  	s1 =	rddreg [dreg:$0x1];
	p0 =	sne.s32 s2, $0x0  }
0x45: {  	s3 =	rddreg [dreg:$0x2];
	[bflag:$0x3] =	sbarrier.arrive $0xFFFF;
	s2 =	simm.s32 @!p0 $0x1C01  }
0x46: {  	[timem:s3], [sflag:s2] =	dma.local @!p0 [hbm:s0], s1  }
0x47: {  	s0 =	simm.s32 @!p0 $0x1  }
0x48: {  	_ =	swait.ge @!p0 [sflag:s0], s1  }
0x49: {  	s1 =	ssub.s32 @!p0 $0x0, s1;
	[sflag:s0] =	ssyncset.done @!p0 $0x0  }
0x4a: {  	[sflag:s0] =	ssyncadd.s32 @!p0 s1  }
0x4b: {  	[bflag:$0x3] =	sbarrier.arrive $0xFFFF  }
0x4c: {  	_ =	shalt  }

// kernel: sparse-core-data-format-call.cloned.1.call-start
scs
called_computation_lowered:
.L_overlay_start_0:
0x0: {  	s2 =	sld [smem:$0x3FD9]  }
0x1: {  	s3 =	sld [smem:$0x3FFE];
	_ =	sdelay $0x1  }
0x2: {  	s1 =	srdreg.scid  }
0x3: {  	s0 =	sand.u32 $0x1, s1  }
0x4: {  	s16 =	sshll.u32 s0, $0xA;
	s2 =	sadd.s32 s3, s2  }
0x5: {  	s2 =	sadd.s32 s2, s16  }
0x6: {  	[smem:$0x3FB3] =	sst s2  }
0x7: {  	_ = 	snop  }
0x8: {  	s2 =	sld [smem:$0x3FD0];
	_ =	sdelay $0x2  }
0x9: {  	s17 =	simm.s32 $0xC;
	s4 =	simm.s32 $0x10  }
0xa: {  	[smem:s4], [sflag:s17] =	dma.local [hbm:s2], $0x1  }
0xb: {  	_ =	swait.eq [sflag:s17], $0x1  }
0xc: {  	[sflag:s17] =	ssyncset.done $0x0  }
0xd: {  	[sflag:s17] =	ssyncadd.s32 $0xFFFFFFFF  }
0xe: {  	s18 =	sld [smem:$0x11];
	(tm) =	ssettm $0x1  }
0xf: {  	s19 =	sld [smem:$0x3FFB];
	_ =	sdelay $0x3  }
0x10: {  	_ =	strace s19  }
0x11: {  	s2 =	sld [smem:$0x3FFC];
	_ =	sdelay $0x3  }
0x12: {  	_ =	strace s2  }
0x13: {  	s2 =	sld [smem:$0x3FFD];
	_ =	sdelay $0x3  }
0x14: {  	_ =	strace s2  }
0x15: {  	_ =	strace $0x8FFFFFFF  }
0x16: {  	s20 =	sld [smem:$0x3FDB];
	_ =	sdelay $0x1  }
0x17: {  	s21 =	simm.s32 $_scs_section_size  }
0x18: {  	s5 =	simm.s32 $_size__tile_overlayer_lowered;
	s6 =	simm.s32 $_tile_overlayer_lowered  }
0x19: {  	s7 =	simm.s32 $0x1BFF;
	s22 =	sshll.u32 s6, $0x1;
	s4 =	sadd.s32 s21, s20  }
0x1a: {  	s23 =	simm.s32 $0x0;
	s5 =	sshll.u32 s5, $0x1;
	s6 =	sadd.s32 s22, s4  }
0x1b: {  	[timem:s23], [sflag:s7] =	dma.local [hbm:s6], s5  }
0x1c: {  	_ =	swait.ge [sflag:s7], s5  }
0x1d: {  	s5 =	ssub.s32 $0x0, s5;
	[sflag:s7] =	ssyncset.done $0x0  }
0x1e: {  	[sflag:s7] =	ssyncadd.s32 s5;
	_ =	sdelay $0x1  }
0x1f: {  	s24 =	simm.s32 $0x1B8B  }
0x20: {  	_ =	swait.ge [sflag:s24], $0x1  }
0x21: {  	[sflag:s24] =	ssyncset.done $0x0  }
0x22: {  	[sflag:s24] =	ssyncadd.s32 $0xFFFFFFFF  }
0x23: {  	s5 =	sld [smem:$0x0]  }
0x24: {  	s6 =	sand.u32 $0xFFFFFFFE, s1  }
0x25: {  	p0 =	sne.s32 s1, s6  }
0x26: {  	s6 =	sshll.u32 @p0 s6, $0xE  }
0x27: {  	s6 =	sadd.s32 @p0 $0x11B8D, s6;
	s7 =	sshll.u32 @p0 s5, $0x11  }
0x28: {  	s6 =	sor.u32 @p0 s7, s6  }
0x29: {  	[sflag:s6] =	ssyncadd.remote.s32 @p0 $0x1;
	_ =	sdelay $0x1  }
0x2a: {  	s6 =	simm.s32 @p0 $0x1B8D  }
0x2b: {  	_ =	swait.eq @p0 [sflag:s6], $0x1  }
0x2c: {  	[sflag:s6] =	ssyncadd.s32 @p0 $0xFFFFFFFF  }
0x2d: {  	s7 =	sshll.u32 @!p0 s1, $0xE  }
0x2e: {  	s7 =	sor.u32 @!p0 $0x4000, s7;
	s6 =	simm.s32 @!p0 $0x1B8D  }
0x2f: {  	s5 =	sshll.u32 @!p0 s5, $0x11;
	s7 =	sadd.s32 @!p0 $0x11B8D, s7;
	_ =	swait.eq @!p0 [sflag:s6], $0x1  }
0x30: {  	s5 =	sor.u32 @!p0 s5, s7;
	[sflag:s6] =	ssyncadd.s32 @!p0 $0xFFFFFFFF  }
0x31: {  	s26 =	simm.s32 $0x1B8E;
	s25 =	sld [smem:$0x3FFE];
	[sflag:s5] =	ssyncadd.remote.s32 @!p0 $0x1  }
0x32: {  	s27 =	simm.s32 $execute0_lowered;
	[smem:$0x3FD2] =	sst s26  }
0x33: {  	s6 =	sshll.u32 s27, $0x1;
	_ =	strace $0x80000052;
	[dreg:$0x1] =	wrdreg $0xFFFFFFFF  }
0x34: {  	s28 =	simm.s32 $_size_execute0_lowered;
	s4 =	sadd.s32 s4, s6;
	[dreg:$0x0] =	wrdreg $0x0  }
0x35: {  	s6 =	sshll.u32 s28, $0x1;
	[dreg:$0x2] =	wrdreg s4  }
0x36: {  	[dreg:$0x3] =	wrdreg s6  }
0x37: {  	[dreg:$0x4] =	wrdreg $0xC0  }
0x38: {  	_ =	task [dreg:s23], $0x5FFFF  }
0x39: {  	[dreg:$0x1] =	wrdreg $0xFFFFFFFF  }
0x3a: {  	[dreg:$0x0] =	wrdreg $0x60  }
0x3b: {  	[dreg:$0x2] =	wrdreg s25  }
0x3c: {  	[dreg:$0x3] =	wrdreg s18  }
0x3d: {  	[dreg:$0x4] =	wrdreg $0xA  }
0x3e: {  	_ =	task.clear_ibuf [dreg:s23], $0x5FFFF;
	_ =	strace $0x90000052  }
0x3f: {  	s29 =	simm.s32 $0xA;
	_ =	strace $0x80000054  }
0x40: {  	_ =	swait.ge [sflag:s29], $0x1  }
0x41: {  	[sflag:s29] =	ssyncadd.s32 $0xFFFFFFFF  }
0x42: {  	_ =	strace $0x90000054  }
0x43: {  	_ =	sfence  }
0x44: {  	s30 =	sld [smem:$0x0];
	_ =	sdelay $0x2  }
0x45: {  	s31 =	sshll.u32 s1, $0xD;
	s1 =	sshrl.u32 s1, $0x2  }
0x46: {  	s4 =	sand.u32 $0x4000, s31;
	s1 =	sadd.s32 s1, s30  }
0x47: {  	s0 =	sor.u32 s4, s0;
	s1 =	sshll.u32 s1, $0x11  }
0x48: {  	s0 =	sor.u32 s1, s0  }
0x49: {  	s0 =	sadd.s32 $0x8F2B, s0  }
0x4a: {  	[sflag:s0] =	ssyncadd.remote.s32 $0x1  }
0x4b: {  	_ =	sfence.sel $0xFFFF  }
0x4c: {  	[dreg:$0x0] =	wrdreg $0xFFFFFFFF;
	(pc) =	sbr.abs _section_cstart, $3  }
0x4d: {  	[dreg:$0x1] =	wrdreg $0xFFFFFFFF  }
0x4e: {  	_ =	task.clear_ibuf [dreg:s23], $0x2FFFF;
	_ =	strace $0x9FFFFFFF  }
0x4f: {  	(tm) =	ssettm $0x7FFFFFFF  }
tec
execute0_lowered:
.L_overlay_start_1:
0x0: {  	(tag) =	ssettag $0x1  }
0x1: {  	s0 =	srdreg.scid  }
0x2: {  	s1 =	sshll.u32 s0, $0x4  }
0x3: {  	s4 =	rddreg [dreg:$0x0];
	s0 =	stileid.u32;
	s1 =	sand.u32 $0x10, s1  }
0x4: {  	s2 =	rddreg [dreg:$0x1];
	s7 =	simm.s32 $0x1;
	s1 =	sor.u32 s0, s1  }
0x5: {  	s8 =	simm.s32 $0x2;
	s11 =	simm.s32 $0x0;
	s3 =	sshll.u32 s1, $0x7  }
0x6: {  	s10 =	simm.s32 $0x0;
	s4 =	sadd.s32 $0xCE9400, s4;
	s6 =	ssub.s32 $0x4E200, s3  }
.Ltmp0:
0x7: {  	s1 =	rddreg [dreg:$0x2];
	s5 =	sand.u32 $0xF80, s6;
	(pc) =	sbr.rel .LBB1_1-.Ltmp0, $4  }
0x8: {  	_ =	strace $0x80000053;
	s9 =	smov.u32 s3;
	p0 =	sne.s32 s5, $0x0  }
0x9: {  	s6 =	sshrl.u32 s6, $0xC;
	s5 =	simm.s32 $0x1;
	s7 =	simm.s32 @!p0 $0x0  }
0xa: {  	[sflag:s5] =	ssyncpa.u1 $0x0;
	p0 =	por $0x0, $0x0;
	s6 =	sadd.s32 s7, s6  }
0xb: {  	[sflag:s8] =	ssyncpa.u1 $0x0;
	s8 =	simm.s32 $0x271000;
	s7 =	sadd.s32 $0x1, s6  }
.LBB1_4:
0xc: {  	s14 =	sshll.u32 s11, $0x3  }
0xd: {  	s30 =	sand.u32 $0x7F, s11;
	s14 =	sand.u32 $0xFFFFFC00, s14  }
0xe: {  	s11 =	sor.u32 s30, s14  }
0xf: {  	s15 =	smulhi.u32 $0xD1B71759, s11;
	_ =	sdelay $0x1  }
0x10: {  	s14 =	smulhi.u32 $0xD1B71759, s14;
	s15 =	sshrl.u32 s15, $0x12  }
0x11: {  	s15 =	smul.u32 $0x4E200, s15  }
0x12: {  	s14 =	sshrl.u32 s14, $0x12  }
0x13: {  	s14 =	sand.u32 $0x3F, s14;
	s11 =	ssub.s32 s11, s15  }
0x14: {  	[tilespmem:s13+$0x810 ss:$0x81] =	vst.msk $0xffff, v2;
	s14 =	smul.u32 $0x9C40, s14;
	s15 =	sshrl.u32 s11, $0x3;
	s11 =	sand.u32 $0x7, s11  }
0x15: {  	[tilespmem:s13+$0x1020 ss:$0x81] =	vst.msk $0xffff, v0;
	s15 =	sadd.s32 s2, s15;
	s11 =	sshll.u32 s11, $0x12  }
0x16: {  	[tilespmem:s13+$0x0 ss:$0x81] =	vst.msk $0xffff, v1;
	s31 =	sadd.s32 s14, s15;
	s11 =	sor.u32 $0x400, s11  }
0x17: {  	[hbm4b:s31+s11] =	stream.strided.scatter [tilespmem:s12], [sflag:$0x2], $0x2000, s8, s11, $0x20;
	[tilespmem:$0x8080] =	vst v63  }
.LBB1_5:
0x18: {  	s13 =	sadd.s32 $0x1000, s9  }
0x19: {  	p2 =	sgt.s32 s13, $0x4E1FF  }
0x1a: {  	s13 =	smov.u32 @p2 s3;
	p2 =	sne.s32 s10, s7  }
.Ltmp1:
0x1b: {  	p1 =	slt.u32 s10, $0x2;
	(pc) =	sbr.rel @!p2 .LBB1_6-.Ltmp1, $4  }
0x1c: {  	s12 =	simm.s32 @!p1 $0x2  }
0x1d: {  	s14 =	sadd.s32 $0x1, s10;
	_ =	swait.ge @!p1 [sflag:s12], $0x2000  }
0x1e: {  	s11 =	smov.u32 s9;
	p0 =	por !p0, !p0;
	[sflag:s12] =	ssyncset.done @!p1 $0x0  }
0x1f: {  	s10 =	smov.u32 s14;
	s9 =	smov.u32 s13;
	[sflag:s12] =	ssyncadd.s32 @!p1 $0xFFFFE000  }
.LBB1_1:
0x20: {  	p1 =	sge.u32 s10, s6  }
0x21: {  	s12 =	sand.u32 @!p1 $0x1FFFFFF, s9  }
0x22: {  	s13 =	smulhi.u32 @!p1 $0x1A36E2F, s12;
	_ =	sdelay $0x1  }
0x23: {  	s13 =	sshrl.u32 @!p1 s13, $0xB  }
0x24: {  	s13 =	smul.u32 @!p1 $0x4E200, s13;
	_ =	sdelay $0x1  }
0x25: {  	s31 =	sadd.s32 $0xFFFFFFFF, s10;
	s14 =	sxor.u32 @!p1 $0xFFFFFFFF, s10;
	s12 =	ssub.s32 @!p1 s12, s13  }
0x26: {  	s15 =	simm.s32 @!p1 $0x80;
	s14 =	sshll.u32 @!p1 s14, $0xD;
	s12 =	sshll.u32 @!p1 s12, $0x4  }
0x27: {  	s13 =	sand.u32 @!p1 $0x2000, s14;
	s14 =	simm.s32 @!p1 $0x40;
	s12 =	sadd.s32 @!p1 s4, s12  }
0x28: {  	[tilespmem:s13], [sflag:$0x1] =	stream.strided.gather @!p1 [hbm4b:s12+s14], $0x2000, s15, s14, $0x38;
	[tilespmem:$0x8080] =	vst v63  }
0x29: {  	p1 =	sge.u32 s31, s6  }
.Ltmp2:
0x2a: {  	_ = 	snop;
	(pc) =	sbr.rel @p1 .LBB1_5-.Ltmp2, $1  }
0x2b: {  	_ =	sdelay $0x3  }
0x2c: {  	s12 =	simm.s32 $0x1  }
0x2d: {  	_ =	swait.ge [sflag:s5], $0x2000;
	s12 =	simm.s32 @!p0 $0x0  }
0x2e: {  	[sflag:s5] =	ssyncset.done $0x0;
	s13 =	sshll.u32 s12, $0xD  }
0x2f: {  	[sflag:s5] =	ssyncadd.s32 $0xFFFFE000;
	s16 =	sor.u32 $0x20, s13  }
0x30: {  	s12 =	smul.u32 $0x8100, s12;
	v3 =	vld [tilespmem:s16+$0x10]  }
0x31: {  	s30 =	sand.u32 $0x1, s10;
	v2 =	vld [tilespmem:s16+$0xFFFFFFF0]  }
0x32: {  	s13 =	smul.u32 $0x8100, s30;
	s12 =	sshrl.u32 s12, $0x2;
	v0 =	vld [tilespmem:s16+$0x0]  }
0x33: {  	v1 =	vld [tilespmem:s16+$0xFFFFFFE0];
	s14 =	sor.u32 $0x4000, s12  }
0x34: {  	s31 =	sshrl.u32 s13, $0x2;
	s13 =	sadd.s32 $0x0, s14  }
0x35: {  	s15 =	simm.s32 $0x4;
	s16 =	sadd.s32 $0x40, s16;
	s12 =	sor.u32 $0x4000, s31;
	[tilespmem:s13+$0x1830 ss:$0x81] =	vst.msk $0xffff, v3  }
.LBB1_3:
0x36: {  	v3 =	vld [tilespmem:s16+$0x10];
	p1 =	sne.s32 s15, $0x1FC;
	[tilespmem:s13+$0x810 ss:$0x81] =	vst.msk $0xffff, v2;
	s17 =	smov.u32 s15;
	s15 =	sadd.s32 $0x4, s15  }
.Ltmp3:
0x37: {  	v2 =	vld [tilespmem:s16+$0xFFFFFFF0];
	[tilespmem:s13+$0x1020 ss:$0x81] =	vst.msk $0xffff, v0;
	(pc) =	sbr.rel @p1 .LBB1_3-.Ltmp3, $4  }
0x38: {  	v0 =	vld [tilespmem:s16+$0x0];
	[tilespmem:s13+$0x0 ss:$0x81] =	vst.msk $0xffff, v1  }
0x39: {  	s13 =	sshra.s32 s17, $0x2;
	v1 =	vld [tilespmem:s16+$0xFFFFFFE0]  }
0x3a: {  	s13 =	sadd.s32 s13, s14  }
0x3b: {  	s16 =	sadd.s32 $0x40, s16;
	[tilespmem:s13+$0x1830 ss:$0x81] =	vst.msk $0xffff, v3  }
.Ltmp4:
0x3c: {  	_ = 	snop;
	(pc) =	sbr.rel .LBB1_4-.Ltmp4, $1  }
0x3d: {  	_ =	sdelay $0x3  }
.LBB1_6:
0x3e: {  	_ =	sfence.sel $0x180000  }
0x3f: {  	s2 =	simm.s32 $0x1;
	[bflag:$0x0] =	sbarrier.arrive $0xFFFF  }
0x40: {  	s31 =	simm.s32 $0x2;
	[sflag:s2] =	ssyncpa.u1 $0x1  }
0x41: {  	[sflag:s31] =	ssyncpa.u1 $0x1  }
0x42: {  	p0 =	sne.s32 s0, $0x0;
	_ =	strace $0x90000053  }
0x43: {  	s0 =	sadd.s32 @!p0 $0x100000, s1;
	[bflag:$0x2] =	sbarrier.arrive $0xFFFF  }
0x44: {  	[sflag:s0] =	ssyncadd.tile.s32 @!p0 $0x1;
	_ =	shalt  }
.Lfunc_end1:
_tile_overlayer_lowered:
.L_overlay_start_2:
0x45: {  	(tag) =	ssettag $0x2  }
0x46: {  	s0 =	rddreg [dreg:$0x0];
	s2 =	stileid.u32  }
0x47: {  	s1 =	rddreg [dreg:$0x1];
	p0 =	sne.s32 s2, $0x0  }
0x48: {  	s3 =	rddreg [dreg:$0x2];
	[bflag:$0x3] =	sbarrier.arrive $0xFFFF;
	s2 =	simm.s32 @!p0 $0x1C01  }
0x49: {  	[timem:s3], [sflag:s2] =	dma.local @!p0 [hbm:s0], s1  }
0x4a: {  	s0 =	simm.s32 @!p0 $0x1  }
0x4b: {  	_ =	swait.ge @!p0 [sflag:s0], s1  }
0x4c: {  	s1 =	ssub.s32 @!p0 $0x0, s1;
	[sflag:s0] =	ssyncset.done @!p0 $0x0  }
0x4d: {  	[sflag:s0] =	ssyncadd.s32 @!p0 s1  }
0x4e: {  	[bflag:$0x3] =	sbarrier.arrive $0xFFFF  }
0x4f: {  	_ =	shalt  }

</sc_bundles>
